<compile_context>
chip_gen: v7x
topology: tpu7x:2x2x1
jax: 0.10.2.dev20260603
libtpu: 0.0.44.dev20260713+nightly
codegen_flags: <defaults>
</compile_context>

<pallas_src>
import functools

import jax
import jax.numpy as jnp
from jax import lax
from jax.experimental import pallas as pl
from jax.experimental.pallas import tpu as pltpu
from jax.experimental.pallas import tpu_sc as plsc

B, T, N, F, D, OUT = 2, 4, 10000, 128, 64, 8
E = 160000
G = B * T
P = G // 2
DP = 2 * D
N_PAD = 10240
E_PAD = 163840
MAIN_CHUNKS = 80
DEG_CHUNKS = 40
RPT = N_PAD // 16
P_PER_CORE = P // 2
BN = 1024


def _mesh():
    return plsc.VectorSubcoreMesh(core_axis_name="c", subcore_axis_name="s")


@functools.partial(
    pl.kernel,
    out_type=jax.ShapeDtypeStruct((2, N_PAD, 16), jnp.float32),
    mesh=_mesh(),
    scratch_types=[
        pltpu.VMEM((DEG_CHUNKS, 128), jnp.int32),
        pltpu.VMEM((128, 16), jnp.float32),
        pltpu.VMEM_SHARED((N_PAD, 16), jnp.float32),
    ],
)
def _sc_degree(dst_hbm, zeros_hbm, ones_hbm, out_hbm, dst_v, ones_v, acc):
    c = lax.axis_index("c")
    s = lax.axis_index("s")
    tid = c * 16 + s
    pltpu.sync_copy(dst_hbm.at[tid], dst_v)
    pltpu.sync_copy(ones_hbm, ones_v)
    pltpu.sync_copy(zeros_hbm.at[pl.ds(s * RPT, RPT)], acc.at[pl.ds(s * RPT, RPT)])
    plsc.subcore_barrier()

    def body(j, carry):
        pltpu.sync_copy(ones_v, acc.at[dst_v.at[j]], add=True)
        return carry

    lax.fori_loop(0, DEG_CHUNKS, body, 0)
    plsc.subcore_barrier()
    pltpu.sync_copy(acc.at[pl.ds(s * RPT, RPT)], out_hbm.at[c].at[pl.ds(s * RPT, RPT)])


@functools.partial(
    pl.kernel,
    out_type=jax.ShapeDtypeStruct((P, N_PAD, DP), jnp.float32),
    mesh=_mesh(),
    scratch_types=[
        pltpu.VMEM((MAIN_CHUNKS, 128), jnp.int32),
        pltpu.VMEM((MAIN_CHUNKS, 128), jnp.int32),
        pltpu.VMEM((128, DP), jnp.float32),
        pltpu.VMEM_SHARED((N_PAD, DP), jnp.float32),
        pltpu.SemaphoreType.DMA,
    ],
)
def _sc_aggregate(mt_hbm, src_hbm, dst_hbm, out_hbm, src_v, dst_v, rows_v, acc, sem):
    c = lax.axis_index("c")
    s = lax.axis_index("s")
    pltpu.sync_copy(src_hbm.at[s], src_v)
    pltpu.sync_copy(dst_hbm.at[s], dst_v)
    for pi in range(P_PER_CORE):
        p = c * P_PER_CORE + pi
        pltpu.sync_copy(mt_hbm.at[p].at[pl.ds(s * RPT, RPT)], acc.at[pl.ds(s * RPT, RPT)])
        plsc.subcore_barrier()

        def body(j, carry):
            pltpu.async_copy(mt_hbm.at[p].at[src_v.at[j]], rows_v, sem).wait()
            pltpu.sync_copy(rows_v, acc.at[dst_v.at[j]], add=True)
            return carry

        lax.fori_loop(0, MAIN_CHUNKS, body, 0)
        plsc.subcore_barrier()
        pltpu.sync_copy(acc.at[pl.ds(s * RPT, RPT)], out_hbm.at[p].at[pl.ds(s * RPT, RPT)])


def _dis_body(cnt_ref, o_ref):
    c = cnt_ref[0, :, 0:1] + cnt_ref[1, :, 0:1]
    o_ref[...] = lax.rsqrt(1.0 + c)


def _mm1_body(xa_ref, xb_ref, w_ref, dis_ref, o_ref):
    mma = jnp.dot(xa_ref[0], w_ref[...], preferred_element_type=jnp.float32)
    mmb = jnp.dot(xb_ref[0], w_ref[...], preferred_element_type=jnp.float32)
    o_ref[0] = dis_ref[...] * jnp.concatenate([mma, mmb], axis=1)


def _mid_body(agg_ref, dis_ref, b_ref, w_ref, o_ref):
    dis = dis_ref[...]
    z = dis * agg_ref[0] + b_ref[...]
    z = z * jax.nn.sigmoid(z)
    o_ref[0] = dis * jnp.dot(z, w_ref[...], preferred_element_type=jnp.float32)


def _pool_body(agg_ref, dis_ref, b_ref, o_ref):
    i = pl.program_id(1)
    z = dis_ref[...] * agg_ref[0] + b_ref[...]
    z = z * jax.nn.sigmoid(z)
    row = i * BN + lax.broadcasted_iota(jnp.int32, (BN, 1), 0)
    z = jnp.where(row < N, z, 0.0)
    part = (jnp.sum(z, axis=0, keepdims=True) * (1.0 / N)).reshape(1, 1, DP)

    @pl.when(i == 0)
    def _():
        o_ref[...] = part

    @pl.when(i > 0)
    def _():
        o_ref[...] += part


def _lstm_head_body(p_ref, wih_ref, whh_ref, bias_ref,
                    wp1_ref, bp1_ref, wp2_ref, bp2_ref, wp3_ref, bp3_ref, o_ref):
    h = jnp.zeros((B, D), jnp.float32)
    c = jnp.zeros((B, D), jnp.float32)
    for t in range(T):
        xt = p_ref[t]
        gs = []
        for k in range(4):
            gk = (jnp.dot(xt, wih_ref[k], preferred_element_type=jnp.float32)
                  + jnp.dot(h, whh_ref[k], preferred_element_type=jnp.float32)
                  + bias_ref[k])
            gs.append(gk)
        i_g, f_g, g_g, o_g = gs
        c = jax.nn.sigmoid(f_g) * c + jax.nn.sigmoid(i_g) * jnp.tanh(g_g)
        h = jax.nn.sigmoid(o_g) * jnp.tanh(c)
    z = jnp.dot(h, wp1_ref[...], preferred_element_type=jnp.float32) + bp1_ref[...]
    z = z * jax.nn.sigmoid(z)
    z = jnp.dot(z, wp2_ref[...], preferred_element_type=jnp.float32) + bp2_ref[...]
    z = z * jax.nn.sigmoid(z)
    o_ref[...] = jnp.dot(z, wp3_ref[...], preferred_element_type=jnp.float32) + bp3_ref[...]


def _blockdiag(W):
    Z = jnp.zeros((D, D), W.dtype)
    return jnp.concatenate(
        [jnp.concatenate([W, Z], axis=1), jnp.concatenate([Z, W], axis=1)], axis=0)


def kernel(x, edge_index, W1, b1, W2, b2, W3, b3, W_ih, W_hh, b_ih, b_hh,
           Wp1, bp1, Wp2, bp2, Wp3, bp3):
    nb = N_PAD // BN

    xg = x.reshape(G, N, F)
    x_pad = jnp.pad(xg, ((0, 0), (0, N_PAD - N), (0, 0)))
    src = edge_index[0]
    dst = edge_index[1]
    src_pad = jnp.concatenate([src, jnp.zeros((E_PAD - E,), src.dtype)])
    dst_pad = jnp.concatenate([dst, jnp.full((E_PAD - E,), N, dst.dtype)])
    src_m = src_pad.reshape(16, MAIN_CHUNKS, 128)
    dst_m = dst_pad.reshape(16, MAIN_CHUNKS, 128)
    dst_d = dst_pad.reshape(32, DEG_CHUNKS, 128)
    zeros16 = jnp.zeros((N_PAD, 16), jnp.float32)
    ones16 = jnp.ones((128, 16), jnp.float32)

    cnt = _sc_degree(dst_d, zeros16, ones16)
    dis2 = pl.pallas_call(
        _dis_body,
        grid=(nb,),
        in_specs=[pl.BlockSpec((2, BN, 16), lambda i: (0, i, 0))],
        out_specs=pl.BlockSpec((BN, 1), lambda i: (i, 0)),
        out_shape=jax.ShapeDtypeStruct((N_PAD, 1), jnp.float32),
    )(cnt)

    mt = pl.pallas_call(
        _mm1_body,
        grid=(P, nb),
        in_specs=[
            pl.BlockSpec((1, BN, F), lambda p, i: (2 * p, i, 0)),
            pl.BlockSpec((1, BN, F), lambda p, i: (2 * p + 1, i, 0)),
            pl.BlockSpec((F, D), lambda p, i: (0, 0)),
            pl.BlockSpec((BN, 1), lambda p, i: (i, 0)),
        ],
        out_specs=pl.BlockSpec((1, BN, DP), lambda p, i: (p, i, 0)),
        out_shape=jax.ShapeDtypeStruct((P, N_PAD, DP), jnp.float32),
    )(x_pad, x_pad, W1, dis2)

    def mid(agg, b, W):
        return pl.pallas_call(
            _mid_body,
            grid=(P, nb),
            in_specs=[
                pl.BlockSpec((1, BN, DP), lambda p, i: (p, i, 0)),
                pl.BlockSpec((BN, 1), lambda p, i: (i, 0)),
                pl.BlockSpec((1, DP), lambda p, i: (0, 0)),
                pl.BlockSpec((DP, DP), lambda p, i: (0, 0)),
            ],
            out_specs=pl.BlockSpec((1, BN, DP), lambda p, i: (p, i, 0)),
            out_shape=jax.ShapeDtypeStruct((P, N_PAD, DP), jnp.float32),
        )(agg, dis2, jnp.concatenate([b, b]).reshape(1, DP), _blockdiag(W))

    agg = _sc_aggregate(mt, src_m, dst_m)
    mt = mid(agg, b1, W2)
    agg = _sc_aggregate(mt, src_m, dst_m)
    mt = mid(agg, b2, W3)
    agg = _sc_aggregate(mt, src_m, dst_m)

    pooled = pl.pallas_call(
        _pool_body,
        grid=(P, nb),
        in_specs=[
            pl.BlockSpec((1, BN, DP), lambda p, i: (p, i, 0)),
            pl.BlockSpec((BN, 1), lambda p, i: (i, 0)),
            pl.BlockSpec((1, DP), lambda p, i: (0, 0)),
        ],
        out_specs=pl.BlockSpec((1, 1, DP), lambda p, i: (p, 0, 0)),
        out_shape=jax.ShapeDtypeStruct((P, 1, DP), jnp.float32),
    )(agg, dis2, jnp.concatenate([b3, b3]).reshape(1, DP))

    p_tb = pooled.reshape(B, T, D).transpose(1, 0, 2)
    wih = jnp.stack([W_ih[k * D:(k + 1) * D].T for k in range(4)])
    whh = jnp.stack([W_hh[k * D:(k + 1) * D].T for k in range(4)])
    bias = (b_ih + b_hh).reshape(4, 1, D)
    out = pl.pallas_call(
        _lstm_head_body,
        out_shape=jax.ShapeDtypeStruct((B, OUT), jnp.float32),
    )(p_tb, wih, whh, bias, Wp1, bp1.reshape(1, 2 * D),
      Wp2, bp2.reshape(1, D), Wp3, bp3.reshape(1, OUT))
    return out

# --- scband reference (transcript-rebuilt; emitter-appended) ---
"""Pipeline reference for scband-multi-branch-graph-mamba-53111565583001 (READ-ONLY COPY).

The authoritative reference and input builder live on the scoring server;
editing this copy changes nothing except your own understanding.
"""

import jax, jax.numpy as jnp
import numpy as np

B, T, N, F, D, OUT = 2, 4, 10000, 128, 64, 8
E = 160000


def setup_inputs(seed: int = 0):
    key = jax.random.key(seed)
    ks = jax.random.split(key, 24)
    inp = {}
    inp["x"] = jax.random.normal(ks[0], (B, T, N, F), dtype=jnp.float32)
    inp["edge_index"] = jax.random.randint(ks[1], (2, E), 0, N, dtype=jnp.int32)

    def lin(k, fi, fo):
        return (jax.random.normal(k, (fi, fo), dtype=jnp.float32) / np.sqrt(fi)).astype(jnp.float32)

    inp["W1"] = lin(ks[2], F, D); inp["b1"] = jnp.zeros((D,), jnp.float32)
    inp["W2"] = lin(ks[3], D, D); inp["b2"] = jnp.zeros((D,), jnp.float32)
    inp["W3"] = lin(ks[4], D, D); inp["b3"] = jnp.zeros((D,), jnp.float32)
    inp["W_ih"] = (jax.random.normal(ks[5], (4 * D, D), dtype=jnp.float32) / np.sqrt(D)).astype(jnp.float32)
    inp["W_hh"] = (jax.random.normal(ks[6], (4 * D, D), dtype=jnp.float32) / np.sqrt(D)).astype(jnp.float32)
    inp["b_ih"] = jnp.zeros((4 * D,), jnp.float32)
    inp["b_hh"] = jnp.zeros((4 * D,), jnp.float32)
    inp["Wp1"] = lin(ks[7], D, 2 * D); inp["bp1"] = jnp.zeros((2 * D,), jnp.float32)
    inp["Wp2"] = lin(ks[8], 2 * D, D); inp["bp2"] = jnp.zeros((D,), jnp.float32)
    inp["Wp3"] = lin(ks[9], D, OUT); inp["bp3"] = jnp.zeros((OUT,), jnp.float32)
    return inp


def _silu(v):
    return v * jax.nn.sigmoid(v)


def reference(x, edge_index, W1, b1, W2, b2, W3, b3, W_ih, W_hh, b_ih, b_hh, Wp1, bp1, Wp2, bp2, Wp3, bp3):
    n = x.shape[2]
    loop = jnp.arange(n, dtype=edge_index.dtype)
    src = jnp.concatenate([edge_index[0], loop])
    dst = jnp.concatenate([edge_index[1], loop])
    ones = jnp.ones(src.shape[0], jnp.float32)
    deg = jax.ops.segment_sum(ones, dst, num_segments=n)
    dis = jnp.where(deg > 0, 1.0 / jnp.sqrt(deg), 0.0)
    norm = dis[src] * dis[dst]

    def gcn(h, W, b):
        m = h @ W
        agg = jax.ops.segment_sum(m[src] * norm[:, None], dst, num_segments=n)
        return agg + b

    def per_graph(h):
        h = _silu(gcn(h, W1, b1))
        h = _silu(gcn(h, W2, b2))
        h = _silu(gcn(h, W3, b3))
        return h.mean(axis=0)

    pooled = jax.vmap(jax.vmap(per_graph))(x)  # [B, T, D]

    def step(carry, xt):
        h, c = carry
        g = xt @ W_ih.T + h @ W_hh.T + b_ih + b_hh
        i, f, gg, o = jnp.split(g, 4, axis=-1)
        c = jax.nn.sigmoid(f) * c + jax.nn.sigmoid(i) * jnp.tanh(gg)
        h = jax.nn.sigmoid(o) * jnp.tanh(c)
        return (h, c), h

    bsz = pooled.shape[0]
    h0 = jnp.zeros((bsz, W_hh.shape[1]), jnp.float32)
    (hT, _), _ = jax.lax.scan(step, (h0, h0), jnp.swapaxes(pooled, 0, 1))
    z = _silu(hT @ Wp1 + bp1)
    z = _silu(z @ Wp2 + bp2)
    return z @ Wp3 + bp3

if __name__ == "__main__":
    import jax
    _d = setup_inputs()
    print(jax.jit(kernel)(*tuple(_d.values())))

</pallas_src>

<mosaic_0001>
#map = affine_map<(d0, d1) -> (0, 0, 0)>
module attributes {stable_mosaic.version = 14 : i64} {
  func.func @_sc_aggregate(%arg0: i32, %arg1: i32, %arg2: memref<4x10240x128xf32, #tpu.memory_space<hbm>>, %arg3: memref<16x80x128xi32, #tpu.memory_space<hbm>>, %arg4: memref<16x80x128xi32, #tpu.memory_space<hbm>>, %arg5: memref<4x10240x128xf32, #tpu.memory_space<hbm>>, %arg6: memref<80x128xi32, #tpu.memory_space<vmem>>, %arg7: memref<80x128xi32, #tpu.memory_space<vmem>>, %arg8: memref<128x128xf32, #tpu.memory_space<vmem>>, %arg9: memref<10240x128xf32, #tpu.memory_space<vmem_shared>>, %arg10: memref<!tpu.dma_semaphore, #tpu.memory_space<semaphore_mem>>) attributes {dimension_semantics = [#tpu.dimension_semantics<core_parallel>, #tpu.dimension_semantics<subcore_parallel>], iteration_bounds = array<i64: 2, 16>, scalar_prefetch = 0 : i64, scratch_operands = 5 : i64, tpu.core_type = #tpu.core_type<sc_vector_subcore>, window_params = [{transform_indices = #map}, {transform_indices = #map}, {transform_indices = #map}, {transform_indices = #map}]} {
    "tpu.region"() ({
      %run_scoped3A = tpu.sem_alloc : memref<!tpu.dma_semaphore, #tpu.memory_space<semaphore_mem>>
      %dma_start3A = arith.constant 0 : i32
      %dma_start3A_36 = arith.constant 0 : i32
      %dma_start3A_37 = tpu.memref_slice %arg3[%arg1, %dma_start3A, %dma_start3A_36] : memref<16x80x128xi32, #tpu.memory_space<hbm>> -> memref<1x80x128xi32, #tpu.memory_space<hbm>>
      %dma_start3A_38 = tpu.memref_squeeze %dma_start3A_37 : memref<1x80x128xi32, #tpu.memory_space<hbm>> -> memref<80x128xi32, #tpu.memory_space<hbm>>
      %dma_start3A_39 = arith.constant 0 : i32
      %dma_start3A_40 = arith.constant 0 : i32
      %dma_start3A_41 = tpu.memref_slice %arg3[%arg1, %dma_start3A_39, %dma_start3A_40] : memref<16x80x128xi32, #tpu.memory_space<hbm>> -> memref<1x80x128xi32, #tpu.memory_space<hbm>>
      %dma_start3A_42 = tpu.memref_squeeze %dma_start3A_41 : memref<1x80x128xi32, #tpu.memory_space<hbm>> -> memref<80x128xi32, #tpu.memory_space<hbm>>
      tpu.enqueue_dma source(%dma_start3A_42 : memref<80x128xi32, #tpu.memory_space<hbm>>) target(%arg6 : memref<80x128xi32, #tpu.memory_space<vmem>>) target_semaphore(%run_scoped3A : memref<!tpu.dma_semaphore, #tpu.memory_space<semaphore_mem>>)
      %dma_wait3A = arith.constant 0 : i32
      %dma_wait3A_43 = arith.constant 0 : i32
      %dma_wait3A_44 = tpu.memref_slice %arg3[%arg1, %dma_wait3A, %dma_wait3A_43] : memref<16x80x128xi32, #tpu.memory_space<hbm>> -> memref<1x80x128xi32, #tpu.memory_space<hbm>>
      %dma_wait3A_45 = tpu.memref_squeeze %dma_wait3A_44 : memref<1x80x128xi32, #tpu.memory_space<hbm>> -> memref<80x128xi32, #tpu.memory_space<hbm>>
      %dma_wait3A_46 = arith.constant 0 : i32
      %dma_wait3A_47 = arith.constant 0 : i32
      %dma_wait3A_48 = tpu.memref_slice %arg3[%arg1, %dma_wait3A_46, %dma_wait3A_47] : memref<16x80x128xi32, #tpu.memory_space<hbm>> -> memref<1x80x128xi32, #tpu.memory_space<hbm>>
      %dma_wait3A_49 = tpu.memref_squeeze %dma_wait3A_48 : memref<1x80x128xi32, #tpu.memory_space<hbm>> -> memref<80x128xi32, #tpu.memory_space<hbm>>
      tpu.wait_dma2 semaphore(%run_scoped3A : memref<!tpu.dma_semaphore, #tpu.memory_space<semaphore_mem>>) src(%dma_wait3A_49 : memref<80x128xi32, #tpu.memory_space<hbm>>) dst(%arg6 : memref<80x128xi32, #tpu.memory_space<vmem>>)
      tpu.yield
    }) : () -> ()
    "tpu.region"() ({
      %run_scoped3A = tpu.sem_alloc : memref<!tpu.dma_semaphore, #tpu.memory_space<semaphore_mem>>
      %dma_start3A = arith.constant 0 : i32
      %dma_start3A_36 = arith.constant 0 : i32
      %dma_start3A_37 = tpu.memref_slice %arg4[%arg1, %dma_start3A, %dma_start3A_36] : memref<16x80x128xi32, #tpu.memory_space<hbm>> -> memref<1x80x128xi32, #tpu.memory_space<hbm>>
      %dma_start3A_38 = tpu.memref_squeeze %dma_start3A_37 : memref<1x80x128xi32, #tpu.memory_space<hbm>> -> memref<80x128xi32, #tpu.memory_space<hbm>>
      %dma_start3A_39 = arith.constant 0 : i32
      %dma_start3A_40 = arith.constant 0 : i32
      %dma_start3A_41 = tpu.memref_slice %arg4[%arg1, %dma_start3A_39, %dma_start3A_40] : memref<16x80x128xi32, #tpu.memory_space<hbm>> -> memref<1x80x128xi32, #tpu.memory_space<hbm>>
      %dma_start3A_42 = tpu.memref_squeeze %dma_start3A_41 : memref<1x80x128xi32, #tpu.memory_space<hbm>> -> memref<80x128xi32, #tpu.memory_space<hbm>>
      tpu.enqueue_dma source(%dma_start3A_42 : memref<80x128xi32, #tpu.memory_space<hbm>>) target(%arg7 : memref<80x128xi32, #tpu.memory_space<vmem>>) target_semaphore(%run_scoped3A : memref<!tpu.dma_semaphore, #tpu.memory_space<semaphore_mem>>)
      %dma_wait3A = arith.constant 0 : i32
      %dma_wait3A_43 = arith.constant 0 : i32
      %dma_wait3A_44 = tpu.memref_slice %arg4[%arg1, %dma_wait3A, %dma_wait3A_43] : memref<16x80x128xi32, #tpu.memory_space<hbm>> -> memref<1x80x128xi32, #tpu.memory_space<hbm>>
      %dma_wait3A_45 = tpu.memref_squeeze %dma_wait3A_44 : memref<1x80x128xi32, #tpu.memory_space<hbm>> -> memref<80x128xi32, #tpu.memory_space<hbm>>
      %dma_wait3A_46 = arith.constant 0 : i32
      %dma_wait3A_47 = arith.constant 0 : i32
      %dma_wait3A_48 = tpu.memref_slice %arg4[%arg1, %dma_wait3A_46, %dma_wait3A_47] : memref<16x80x128xi32, #tpu.memory_space<hbm>> -> memref<1x80x128xi32, #tpu.memory_space<hbm>>
      %dma_wait3A_49 = tpu.memref_squeeze %dma_wait3A_48 : memref<1x80x128xi32, #tpu.memory_space<hbm>> -> memref<80x128xi32, #tpu.memory_space<hbm>>
      tpu.wait_dma2 semaphore(%run_scoped3A : memref<!tpu.dma_semaphore, #tpu.memory_space<semaphore_mem>>) src(%dma_wait3A_49 : memref<80x128xi32, #tpu.memory_space<hbm>>) dst(%arg7 : memref<80x128xi32, #tpu.memory_space<vmem>>)
      tpu.yield
    }) : () -> ()
    %mul3A = arith.constant 2 : i32
    %mul3A_0 = arith.muli %arg0, %mul3A : i32
    %add3A = arith.constant 0 : i32
    %add3A_1 = arith.addi %mul3A_0, %add3A : i32
    %mul3A_2 = arith.constant 640 : i32
    %mul3A_3 = arith.muli %arg1, %mul3A_2 : i32
    %mul3A_4 = arith.constant 640 : i32
    %mul3A_5 = arith.muli %arg1, %mul3A_4 : i32
    "tpu.region"() ({
      %run_scoped3A = tpu.sem_alloc : memref<!tpu.dma_semaphore, #tpu.memory_space<semaphore_mem>>
      %dma_start3A = arith.constant 0 : i32
      %dma_start3A_36 = tpu.memref_slice %arg9[%mul3A_5, %dma_start3A] : memref<10240x128xf32, #tpu.memory_space<vmem_shared>> -> memref<640x128xf32, #tpu.memory_space<vmem_shared>>
      %dma_start3A_37 = arith.constant 0 : i32
      %dma_start3A_38 = arith.constant 0 : i32
      %dma_start3A_39 = tpu.memref_slice %arg2[%add3A_1, %dma_start3A_37, %dma_start3A_38] : memref<4x10240x128xf32, #tpu.memory_space<hbm>> -> memref<1x10240x128xf32, #tpu.memory_space<hbm>>
      %dma_start3A_40 = tpu.memref_squeeze %dma_start3A_39 : memref<1x10240x128xf32, #tpu.memory_space<hbm>> -> memref<10240x128xf32, #tpu.memory_space<hbm>>
      %dma_start3A_41 = arith.constant 0 : i32
      %dma_start3A_42 = tpu.memref_slice %dma_start3A_40[%mul3A_3, %dma_start3A_41] : memref<10240x128xf32, #tpu.memory_space<hbm>> -> memref<640x128xf32, #tpu.memory_space<hbm>>
      tpu.enqueue_dma source(%dma_start3A_42 : memref<640x128xf32, #tpu.memory_space<hbm>>) target(%dma_start3A_36 : memref<640x128xf32, #tpu.memory_space<vmem_shared>>) target_semaphore(%run_scoped3A : memref<!tpu.dma_semaphore, #tpu.memory_space<semaphore_mem>>)
      %dma_wait3A = arith.constant 0 : i32
      %dma_wait3A_43 = tpu.memref_slice %arg9[%mul3A_5, %dma_wait3A] : memref<10240x128xf32, #tpu.memory_space<vmem_shared>> -> memref<640x128xf32, #tpu.memory_space<vmem_shared>>
      %dma_wait3A_44 = arith.constant 0 : i32
      %dma_wait3A_45 = arith.constant 0 : i32
      %dma_wait3A_46 = tpu.memref_slice %arg2[%add3A_1, %dma_wait3A_44, %dma_wait3A_45] : memref<4x10240x128xf32, #tpu.memory_space<hbm>> -> memref<1x10240x128xf32, #tpu.memory_space<hbm>>
      %dma_wait3A_47 = tpu.memref_squeeze %dma_wait3A_46 : memref<1x10240x128xf32, #tpu.memory_space<hbm>> -> memref<10240x128xf32, #tpu.memory_space<hbm>>
      %dma_wait3A_48 = arith.constant 0 : i32
      %dma_wait3A_49 = tpu.memref_slice %dma_wait3A_47[%mul3A_3, %dma_wait3A_48] : memref<10240x128xf32, #tpu.memory_space<hbm>> -> memref<640x128xf32, #tpu.memory_space<hbm>>
      tpu.wait_dma2 semaphore(%run_scoped3A : memref<!tpu.dma_semaphore, #tpu.memory_space<semaphore_mem>>) src(%dma_wait3A_49 : memref<640x128xf32, #tpu.memory_space<hbm>>) dst(%dma_wait3A_43 : memref<640x128xf32, #tpu.memory_space<vmem_shared>>)
      tpu.yield
    }) : () -> ()
    %barrier3A = arith.constant 0 : index
    tpu.barrier barrier_id(%barrier3A)
    %scan3A = arith.constant 0 : i32
    %scan3A_6 = arith.constant 0 : i32
    %scan3A_7 = arith.constant 80 : i32
    %scan3A_8 = arith.addi %scan3A_6, %scan3A_7 : i32
    %scan3A_9 = arith.constant 1 : i32
    scf.for %scan3A_36 = %scan3A_6 to %scan3A_8 step %scan3A_9  : i32 {
      %dma_start3A = arith.constant 0 : i32
      %dma_start3A_37 = tpu.memref_slice %arg6[%scan3A_36, %dma_start3A] : memref<80x128xi32, #tpu.memory_space<vmem>> -> memref<1x128xi32, #tpu.memory_space<vmem>>
      %dma_start3A_38 = tpu.memref_squeeze %dma_start3A_37 : memref<1x128xi32, #tpu.memory_space<vmem>> -> memref<128xi32, #tpu.memory_space<vmem>>
      %dma_start3A_39 = arith.constant 0 : i32
      %dma_start3A_40 = arith.constant 0 : i32
      %dma_start3A_41 = tpu.memref_slice %arg2[%add3A_1, %dma_start3A_39, %dma_start3A_40] : memref<4x10240x128xf32, #tpu.memory_space<hbm>> -> memref<1x10240x128xf32, #tpu.memory_space<hbm>>
      %dma_start3A_42 = tpu.memref_squeeze %dma_start3A_41 : memref<1x10240x128xf32, #tpu.memory_space<hbm>> -> memref<10240x128xf32, #tpu.memory_space<hbm>>
      %dma_start3A_43 = arith.constant 0 : i32
      %dma_start3A_44 = arith.constant 0 : i32
      %dma_start3A_45 = tpu.memref_slice %dma_start3A_42[%dma_start3A_43, %dma_start3A_44] : memref<10240x128xf32, #tpu.memory_space<hbm>> -> memref<10240x128xf32, #tpu.memory_space<hbm>>
      tpu.enqueue_indirect_dma source(%dma_start3A_45 : memref<10240x128xf32, #tpu.memory_space<hbm>>) target(%arg8 : memref<128x128xf32, #tpu.memory_space<vmem>>) offsets(%dma_start3A_38 : memref<128xi32, #tpu.memory_space<vmem>>) semaphore(%arg10 : memref<!tpu.dma_semaphore, #tpu.memory_space<semaphore_mem>>)
      %dma_wait3A = arith.constant 0 : i32
      %dma_wait3A_46 = tpu.memref_slice %arg6[%scan3A_36, %dma_wait3A] : memref<80x128xi32, #tpu.memory_space<vmem>> -> memref<1x128xi32, #tpu.memory_space<vmem>>
      %dma_wait3A_47 = tpu.memref_squeeze %dma_wait3A_46 : memref<1x128xi32, #tpu.memory_space<vmem>> -> memref<128xi32, #tpu.memory_space<vmem>>
      %dma_wait3A_48 = arith.constant 0 : i32
      %dma_wait3A_49 = arith.constant 0 : i32
      %dma_wait3A_50 = tpu.memref_slice %arg2[%add3A_1, %dma_wait3A_48, %dma_wait3A_49] : memref<4x10240x128xf32, #tpu.memory_space<hbm>> -> memref<1x10240x128xf32, #tpu.memory_space<hbm>>
      %dma_wait3A_51 = tpu.memref_squeeze %dma_wait3A_50 : memref<1x10240x128xf32, #tpu.memory_space<hbm>> -> memref<10240x128xf32, #tpu.memory_space<hbm>>
      %dma_wait3A_52 = arith.constant 0 : i32
      %dma_wait3A_53 = arith.constant 0 : i32
      %dma_wait3A_54 = tpu.memref_slice %dma_wait3A_51[%dma_wait3A_52, %dma_wait3A_53] : memref<10240x128xf32, #tpu.memory_space<hbm>> -> memref<10240x128xf32, #tpu.memory_space<hbm>>
      tpu.wait_indirect_dma semaphore(%arg10 : memref<!tpu.dma_semaphore, #tpu.memory_space<semaphore_mem>>) src(%dma_wait3A_54 : memref<10240x128xf32, #tpu.memory_space<hbm>>) dst(%arg8 : memref<128x128xf32, #tpu.memory_space<vmem>>)
      "tpu.region"() ({
        %run_scoped3A = tpu.sem_alloc : memref<!tpu.dma_semaphore, #tpu.memory_space<semaphore_mem>>
        %dma_start3A_55 = arith.constant 0 : i32
        %dma_start3A_56 = tpu.memref_slice %arg7[%scan3A_36, %dma_start3A_55] : memref<80x128xi32, #tpu.memory_space<vmem>> -> memref<1x128xi32, #tpu.memory_space<vmem>>
        %dma_start3A_57 = tpu.memref_squeeze %dma_start3A_56 : memref<1x128xi32, #tpu.memory_space<vmem>> -> memref<128xi32, #tpu.memory_space<vmem>>
        %dma_start3A_58 = arith.constant 0 : i32
        %dma_start3A_59 = arith.constant 0 : i32
        %dma_start3A_60 = tpu.memref_slice %arg9[%dma_start3A_58, %dma_start3A_59] : memref<10240x128xf32, #tpu.memory_space<vmem_shared>> -> memref<10240x128xf32, #tpu.memory_space<vmem_shared>>
        tpu.enqueue_indirect_dma source(%arg8 : memref<128x128xf32, #tpu.memory_space<vmem>>) target(%dma_start3A_60 : memref<10240x128xf32, #tpu.memory_space<vmem_shared>>) offsets(%dma_start3A_57 : memref<128xi32, #tpu.memory_space<vmem>>) semaphore(%run_scoped3A : memref<!tpu.dma_semaphore, #tpu.memory_space<semaphore_mem>>) {add = true}
        %dma_wait3A_61 = arith.constant 0 : i32
        %dma_wait3A_62 = tpu.memref_slice %arg7[%scan3A_36, %dma_wait3A_61] : memref<80x128xi32, #tpu.memory_space<vmem>> -> memref<1x128xi32, #tpu.memory_space<vmem>>
        %dma_wait3A_63 = tpu.memref_squeeze %dma_wait3A_62 : memref<1x128xi32, #tpu.memory_space<vmem>> -> memref<128xi32, #tpu.memory_space<vmem>>
        %dma_wait3A_64 = arith.constant 0 : i32
        %dma_wait3A_65 = arith.constant 0 : i32
        %dma_wait3A_66 = tpu.memref_slice %arg9[%dma_wait3A_64, %dma_wait3A_65] : memref<10240x128xf32, #tpu.memory_space<vmem_shared>> -> memref<10240x128xf32, #tpu.memory_space<vmem_shared>>
        tpu.wait_indirect_dma semaphore(%run_scoped3A : memref<!tpu.dma_semaphore, #tpu.memory_space<semaphore_mem>>) src(%arg8 : memref<128x128xf32, #tpu.memory_space<vmem>>) dst(%dma_wait3A_66 : memref<10240x128xf32, #tpu.memory_space<vmem_shared>>)
        tpu.yield
      }) : () -> ()
    }
    %scan3A_10 = arith.constant 80 : i32
    %barrier3A_11 = arith.constant 0 : index
    tpu.barrier barrier_id(%barrier3A_11)
    %mul3A_12 = arith.constant 640 : i32
    %mul3A_13 = arith.muli %arg1, %mul3A_12 : i32
    %mul3A_14 = arith.constant 640 : i32
    %mul3A_15 = arith.muli %arg1, %mul3A_14 : i32
    "tpu.region"() ({
      %run_scoped3A = tpu.sem_alloc : memref<!tpu.dma_semaphore, #tpu.memory_space<semaphore_mem>>
      %dma_start3A = arith.constant 0 : i32
      %dma_start3A_36 = arith.constant 0 : i32
      %dma_start3A_37 = tpu.memref_slice %arg5[%add3A_1, %dma_start3A, %dma_start3A_36] : memref<4x10240x128xf32, #tpu.memory_space<hbm>> -> memref<1x10240x128xf32, #tpu.memory_space<hbm>>
      %dma_start3A_38 = tpu.memref_squeeze %dma_start3A_37 : memref<1x10240x128xf32, #tpu.memory_space<hbm>> -> memref<10240x128xf32, #tpu.memory_space<hbm>>
      %dma_start3A_39 = arith.constant 0 : i32
      %dma_start3A_40 = tpu.memref_slice %dma_start3A_38[%mul3A_15, %dma_start3A_39] : memref<10240x128xf32, #tpu.memory_space<hbm>> -> memref<640x128xf32, #tpu.memory_space<hbm>>
      %dma_start3A_41 = arith.constant 0 : i32
      %dma_start3A_42 = tpu.memref_slice %arg9[%mul3A_13, %dma_start3A_41] : memref<10240x128xf32, #tpu.memory_space<vmem_shared>> -> memref<640x128xf32, #tpu.memory_space<vmem_shared>>
      tpu.enqueue_dma source(%dma_start3A_42 : memref<640x128xf32, #tpu.memory_space<vmem_shared>>) target(%dma_start3A_40 : memref<640x128xf32, #tpu.memory_space<hbm>>) target_semaphore(%run_scoped3A : memref<!tpu.dma_semaphore, #tpu.memory_space<semaphore_mem>>)
      %dma_wait3A = arith.constant 0 : i32
      %dma_wait3A_43 = arith.constant 0 : i32
      %dma_wait3A_44 = tpu.memref_slice %arg5[%add3A_1, %dma_wait3A, %dma_wait3A_43] : memref<4x10240x128xf32, #tpu.memory_space<hbm>> -> memref<1x10240x128xf32, #tpu.memory_space<hbm>>
      %dma_wait3A_45 = tpu.memref_squeeze %dma_wait3A_44 : memref<1x10240x128xf32, #tpu.memory_space<hbm>> -> memref<10240x128xf32, #tpu.memory_space<hbm>>
      %dma_wait3A_46 = arith.constant 0 : i32
      %dma_wait3A_47 = tpu.memref_slice %dma_wait3A_45[%mul3A_15, %dma_wait3A_46] : memref<10240x128xf32, #tpu.memory_space<hbm>> -> memref<640x128xf32, #tpu.memory_space<hbm>>
      %dma_wait3A_48 = arith.constant 0 : i32
      %dma_wait3A_49 = tpu.memref_slice %arg9[%mul3A_13, %dma_wait3A_48] : memref<10240x128xf32, #tpu.memory_space<vmem_shared>> -> memref<640x128xf32, #tpu.memory_space<vmem_shared>>
      tpu.wait_dma2 semaphore(%run_scoped3A : memref<!tpu.dma_semaphore, #tpu.memory_space<semaphore_mem>>) src(%dma_wait3A_49 : memref<640x128xf32, #tpu.memory_space<vmem_shared>>) dst(%dma_wait3A_47 : memref<640x128xf32, #tpu.memory_space<hbm>>)
      tpu.yield
    }) : () -> ()
    %mul3A_16 = arith.constant 2 : i32
    %mul3A_17 = arith.muli %arg0, %mul3A_16 : i32
    %add3A_18 = arith.constant 1 : i32
    %add3A_19 = arith.addi %mul3A_17, %add3A_18 : i32
    %mul3A_20 = arith.constant 640 : i32
    %mul3A_21 = arith.muli %arg1, %mul3A_20 : i32
    %mul3A_22 = arith.constant 640 : i32
    %mul3A_23 = arith.muli %arg1, %mul3A_22 : i32
    "tpu.region"() ({
      %run_scoped3A = tpu.sem_alloc : memref<!tpu.dma_semaphore, #tpu.memory_space<semaphore_mem>>
      %dma_start3A = arith.constant 0 : i32
      %dma_start3A_36 = tpu.memref_slice %arg9[%mul3A_23, %dma_start3A] : memref<10240x128xf32, #tpu.memory_space<vmem_shared>> -> memref<640x128xf32, #tpu.memory_space<vmem_shared>>
      %dma_start3A_37 = arith.constant 0 : i32
      %dma_start3A_38 = arith.constant 0 : i32
      %dma_start3A_39 = tpu.memref_slice %arg2[%add3A_19, %dma_start3A_37, %dma_start3A_38] : memref<4x10240x128xf32, #tpu.memory_space<hbm>> -> memref<1x10240x128xf32, #tpu.memory_space<hbm>>
      %dma_start3A_40 = tpu.memref_squeeze %dma_start3A_39 : memref<1x10240x128xf32, #tpu.memory_space<hbm>> -> memref<10240x128xf32, #tpu.memory_space<hbm>>
      %dma_start3A_41 = arith.constant 0 : i32
      %dma_start3A_42 = tpu.memref_slice %dma_start3A_40[%mul3A_21, %dma_start3A_41] : memref<10240x128xf32, #tpu.memory_space<hbm>> -> memref<640x128xf32, #tpu.memory_space<hbm>>
      tpu.enqueue_dma source(%dma_start3A_42 : memref<640x128xf32, #tpu.memory_space<hbm>>) target(%dma_start3A_36 : memref<640x128xf32, #tpu.memory_space<vmem_shared>>) target_semaphore(%run_scoped3A : memref<!tpu.dma_semaphore, #tpu.memory_space<semaphore_mem>>)
      %dma_wait3A = arith.constant 0 : i32
      %dma_wait3A_43 = tpu.memref_slice %arg9[%mul3A_23, %dma_wait3A] : memref<10240x128xf32, #tpu.memory_space<vmem_shared>> -> memref<640x128xf32, #tpu.memory_space<vmem_shared>>
      %dma_wait3A_44 = arith.constant 0 : i32
      %dma_wait3A_45 = arith.constant 0 : i32
      %dma_wait3A_46 = tpu.memref_slice %arg2[%add3A_19, %dma_wait3A_44, %dma_wait3A_45] : memref<4x10240x128xf32, #tpu.memory_space<hbm>> -> memref<1x10240x128xf32, #tpu.memory_space<hbm>>
      %dma_wait3A_47 = tpu.memref_squeeze %dma_wait3A_46 : memref<1x10240x128xf32, #tpu.memory_space<hbm>> -> memref<10240x128xf32, #tpu.memory_space<hbm>>
      %dma_wait3A_48 = arith.constant 0 : i32
      %dma_wait3A_49 = tpu.memref_slice %dma_wait3A_47[%mul3A_21, %dma_wait3A_48] : memref<10240x128xf32, #tpu.memory_space<hbm>> -> memref<640x128xf32, #tpu.memory_space<hbm>>
      tpu.wait_dma2 semaphore(%run_scoped3A : memref<!tpu.dma_semaphore, #tpu.memory_space<semaphore_mem>>) src(%dma_wait3A_49 : memref<640x128xf32, #tpu.memory_space<hbm>>) dst(%dma_wait3A_43 : memref<640x128xf32, #tpu.memory_space<vmem_shared>>)
      tpu.yield
    }) : () -> ()
    %barrier3A_24 = arith.constant 0 : index
    tpu.barrier barrier_id(%barrier3A_24)
    %scan3A_25 = arith.constant 0 : i32
    %scan3A_26 = arith.constant 0 : i32
    %scan3A_27 = arith.constant 80 : i32
    %scan3A_28 = arith.addi %scan3A_26, %scan3A_27 : i32
    %scan3A_29 = arith.constant 1 : i32
    scf.for %scan3A_36 = %scan3A_26 to %scan3A_28 step %scan3A_29  : i32 {
      %dma_start3A = arith.constant 0 : i32
      %dma_start3A_37 = tpu.memref_slice %arg6[%scan3A_36, %dma_start3A] : memref<80x128xi32, #tpu.memory_space<vmem>> -> memref<1x128xi32, #tpu.memory_space<vmem>>
      %dma_start3A_38 = tpu.memref_squeeze %dma_start3A_37 : memref<1x128xi32, #tpu.memory_space<vmem>> -> memref<128xi32, #tpu.memory_space<vmem>>
      %dma_start3A_39 = arith.constant 0 : i32
      %dma_start3A_40 = arith.constant 0 : i32
      %dma_start3A_41 = tpu.memref_slice %arg2[%add3A_19, %dma_start3A_39, %dma_start3A_40] : memref<4x10240x128xf32, #tpu.memory_space<hbm>> -> memref<1x10240x128xf32, #tpu.memory_space<hbm>>
      %dma_start3A_42 = tpu.memref_squeeze %dma_start3A_41 : memref<1x10240x128xf32, #tpu.memory_space<hbm>> -> memref<10240x128xf32, #tpu.memory_space<hbm>>
      %dma_start3A_43 = arith.constant 0 : i32
      %dma_start3A_44 = arith.constant 0 : i32
      %dma_start3A_45 = tpu.memref_slice %dma_start3A_42[%dma_start3A_43, %dma_start3A_44] : memref<10240x128xf32, #tpu.memory_space<hbm>> -> memref<10240x128xf32, #tpu.memory_space<hbm>>
      tpu.enqueue_indirect_dma source(%dma_start3A_45 : memref<10240x128xf32, #tpu.memory_space<hbm>>) target(%arg8 : memref<128x128xf32, #tpu.memory_space<vmem>>) offsets(%dma_start3A_38 : memref<128xi32, #tpu.memory_space<vmem>>) semaphore(%arg10 : memref<!tpu.dma_semaphore, #tpu.memory_space<semaphore_mem>>)
      %dma_wait3A = arith.constant 0 : i32
      %dma_wait3A_46 = tpu.memref_slice %arg6[%scan3A_36, %dma_wait3A] : memref<80x128xi32, #tpu.memory_space<vmem>> -> memref<1x128xi32, #tpu.memory_space<vmem>>
      %dma_wait3A_47 = tpu.memref_squeeze %dma_wait3A_46 : memref<1x128xi32, #tpu.memory_space<vmem>> -> memref<128xi32, #tpu.memory_space<vmem>>
      %dma_wait3A_48 = arith.constant 0 : i32
      %dma_wait3A_49 = arith.constant 0 : i32
      %dma_wait3A_50 = tpu.memref_slice %arg2[%add3A_19, %dma_wait3A_48, %dma_wait3A_49] : memref<4x10240x128xf32, #tpu.memory_space<hbm>> -> memref<1x10240x128xf32, #tpu.memory_space<hbm>>
      %dma_wait3A_51 = tpu.memref_squeeze %dma_wait3A_50 : memref<1x10240x128xf32, #tpu.memory_space<hbm>> -> memref<10240x128xf32, #tpu.memory_space<hbm>>
      %dma_wait3A_52 = arith.constant 0 : i32
      %dma_wait3A_53 = arith.constant 0 : i32
      %dma_wait3A_54 = tpu.memref_slice %dma_wait3A_51[%dma_wait3A_52, %dma_wait3A_53] : memref<10240x128xf32, #tpu.memory_space<hbm>> -> memref<10240x128xf32, #tpu.memory_space<hbm>>
      tpu.wait_indirect_dma semaphore(%arg10 : memref<!tpu.dma_semaphore, #tpu.memory_space<semaphore_mem>>) src(%dma_wait3A_54 : memref<10240x128xf32, #tpu.memory_space<hbm>>) dst(%arg8 : memref<128x128xf32, #tpu.memory_space<vmem>>)
      "tpu.region"() ({
        %run_scoped3A = tpu.sem_alloc : memref<!tpu.dma_semaphore, #tpu.memory_space<semaphore_mem>>
        %dma_start3A_55 = arith.constant 0 : i32
        %dma_start3A_56 = tpu.memref_slice %arg7[%scan3A_36, %dma_start3A_55] : memref<80x128xi32, #tpu.memory_space<vmem>> -> memref<1x128xi32, #tpu.memory_space<vmem>>
        %dma_start3A_57 = tpu.memref_squeeze %dma_start3A_56 : memref<1x128xi32, #tpu.memory_space<vmem>> -> memref<128xi32, #tpu.memory_space<vmem>>
        %dma_start3A_58 = arith.constant 0 : i32
        %dma_start3A_59 = arith.constant 0 : i32
        %dma_start3A_60 = tpu.memref_slice %arg9[%dma_start3A_58, %dma_start3A_59] : memref<10240x128xf32, #tpu.memory_space<vmem_shared>> -> memref<10240x128xf32, #tpu.memory_space<vmem_shared>>
        tpu.enqueue_indirect_dma source(%arg8 : memref<128x128xf32, #tpu.memory_space<vmem>>) target(%dma_start3A_60 : memref<10240x128xf32, #tpu.memory_space<vmem_shared>>) offsets(%dma_start3A_57 : memref<128xi32, #tpu.memory_space<vmem>>) semaphore(%run_scoped3A : memref<!tpu.dma_semaphore, #tpu.memory_space<semaphore_mem>>) {add = true}
        %dma_wait3A_61 = arith.constant 0 : i32
        %dma_wait3A_62 = tpu.memref_slice %arg7[%scan3A_36, %dma_wait3A_61] : memref<80x128xi32, #tpu.memory_space<vmem>> -> memref<1x128xi32, #tpu.memory_space<vmem>>
        %dma_wait3A_63 = tpu.memref_squeeze %dma_wait3A_62 : memref<1x128xi32, #tpu.memory_space<vmem>> -> memref<128xi32, #tpu.memory_space<vmem>>
        %dma_wait3A_64 = arith.constant 0 : i32
        %dma_wait3A_65 = arith.constant 0 : i32
        %dma_wait3A_66 = tpu.memref_slice %arg9[%dma_wait3A_64, %dma_wait3A_65] : memref<10240x128xf32, #tpu.memory_space<vmem_shared>> -> memref<10240x128xf32, #tpu.memory_space<vmem_shared>>
        tpu.wait_indirect_dma semaphore(%run_scoped3A : memref<!tpu.dma_semaphore, #tpu.memory_space<semaphore_mem>>) src(%arg8 : memref<128x128xf32, #tpu.memory_space<vmem>>) dst(%dma_wait3A_66 : memref<10240x128xf32, #tpu.memory_space<vmem_shared>>)
        tpu.yield
      }) : () -> ()
    }
    %scan3A_30 = arith.constant 80 : i32
    %barrier3A_31 = arith.constant 0 : index
    tpu.barrier barrier_id(%barrier3A_31)
    %mul3A_32 = arith.constant 640 : i32
    %mul3A_33 = arith.muli %arg1, %mul3A_32 : i32
    %mul3A_34 = arith.constant 640 : i32
    %mul3A_35 = arith.muli %arg1, %mul3A_34 : i32
    "tpu.region"() ({
      %run_scoped3A = tpu.sem_alloc : memref<!tpu.dma_semaphore, #tpu.memory_space<semaphore_mem>>
      %dma_start3A = arith.constant 0 : i32
      %dma_start3A_36 = arith.constant 0 : i32
      %dma_start3A_37 = tpu.memref_slice %arg5[%add3A_19, %dma_start3A, %dma_start3A_36] : memref<4x10240x128xf32, #tpu.memory_space<hbm>> -> memref<1x10240x128xf32, #tpu.memory_space<hbm>>
      %dma_start3A_38 = tpu.memref_squeeze %dma_start3A_37 : memref<1x10240x128xf32, #tpu.memory_space<hbm>> -> memref<10240x128xf32, #tpu.memory_space<hbm>>
      %dma_start3A_39 = arith.constant 0 : i32
      %dma_start3A_40 = tpu.memref_slice %dma_start3A_38[%mul3A_35, %dma_start3A_39] : memref<10240x128xf32, #tpu.memory_space<hbm>> -> memref<640x128xf32, #tpu.memory_space<hbm>>
      %dma_start3A_41 = arith.constant 0 : i32
      %dma_start3A_42 = tpu.memref_slice %arg9[%mul3A_33, %dma_start3A_41] : memref<10240x128xf32, #tpu.memory_space<vmem_shared>> -> memref<640x128xf32, #tpu.memory_space<vmem_shared>>
      tpu.enqueue_dma source(%dma_start3A_42 : memref<640x128xf32, #tpu.memory_space<vmem_shared>>) target(%dma_start3A_40 : memref<640x128xf32, #tpu.memory_space<hbm>>) target_semaphore(%run_scoped3A : memref<!tpu.dma_semaphore, #tpu.memory_space<semaphore_mem>>)
      %dma_wait3A = arith.constant 0 : i32
      %dma_wait3A_43 = arith.constant 0 : i32
      %dma_wait3A_44 = tpu.memref_slice %arg5[%add3A_19, %dma_wait3A, %dma_wait3A_43] : memref<4x10240x128xf32, #tpu.memory_space<hbm>> -> memref<1x10240x128xf32, #tpu.memory_space<hbm>>
      %dma_wait3A_45 = tpu.memref_squeeze %dma_wait3A_44 : memref<1x10240x128xf32, #tpu.memory_space<hbm>> -> memref<10240x128xf32, #tpu.memory_space<hbm>>
      %dma_wait3A_46 = arith.constant 0 : i32
      %dma_wait3A_47 = tpu.memref_slice %dma_wait3A_45[%mul3A_35, %dma_wait3A_46] : memref<10240x128xf32, #tpu.memory_space<hbm>> -> memref<640x128xf32, #tpu.memory_space<hbm>>
      %dma_wait3A_48 = arith.constant 0 : i32
      %dma_wait3A_49 = tpu.memref_slice %arg9[%mul3A_33, %dma_wait3A_48] : memref<10240x128xf32, #tpu.memory_space<vmem_shared>> -> memref<640x128xf32, #tpu.memory_space<vmem_shared>>
      tpu.wait_dma2 semaphore(%run_scoped3A : memref<!tpu.dma_semaphore, #tpu.memory_space<semaphore_mem>>) src(%dma_wait3A_49 : memref<640x128xf32, #tpu.memory_space<vmem_shared>>) dst(%dma_wait3A_47 : memref<640x128xf32, #tpu.memory_space<hbm>>)
      tpu.yield
    }) : () -> ()
    return
  }
}

#map = affine_map<(d0, d1) -> (0, 0, 0)>
module attributes {stable_mosaic.version = 14 : i64} {
  func.func @_sc_aggregate(%arg0: i32, %arg1: i32, %arg2: memref<4x10240x128xf32, #tpu.memory_space<hbm>>, %arg3: memref<16x80x128xi32, #tpu.memory_space<hbm>>, %arg4: memref<16x80x128xi32, #tpu.memory_space<hbm>>, %arg5: memref<4x10240x128xf32, #tpu.memory_space<hbm>>, %arg6: memref<80x128xi32, #tpu.memory_space<vmem>>, %arg7: memref<80x128xi32, #tpu.memory_space<vmem>>, %arg8: memref<128x128xf32, #tpu.memory_space<vmem>>, %arg9: memref<10240x128xf32, #tpu.memory_space<vmem_shared>>, %arg10: memref<!tpu.dma_semaphore, #tpu.memory_space<semaphore_mem>>) attributes {dimension_semantics = [#tpu.dimension_semantics<core_parallel>, #tpu.dimension_semantics<subcore_parallel>], iteration_bounds = array<i64: 2, 16>, scalar_prefetch = 0 : i64, scratch_operands = 5 : i64, tpu.core_type = #tpu.core_type<sc_vector_subcore>, window_params = [{transform_indices = #map}, {transform_indices = #map}, {transform_indices = #map}, {transform_indices = #map}]} {
    "tpu.region"() ({
      %run_scoped3A = tpu.sem_alloc : memref<!tpu.dma_semaphore, #tpu.memory_space<semaphore_mem>>
      %dma_start3A = arith.constant 0 : i32
      %dma_start3A_36 = arith.constant 0 : i32
      %dma_start3A_37 = tpu.memref_slice %arg3[%arg1, %dma_start3A, %dma_start3A_36] : memref<16x80x128xi32, #tpu.memory_space<hbm>> -> memref<1x80x128xi32, #tpu.memory_space<hbm>>
      %dma_start3A_38 = tpu.memref_squeeze %dma_start3A_37 : memref<1x80x128xi32, #tpu.memory_space<hbm>> -> memref<80x128xi32, #tpu.memory_space<hbm>>
      %dma_start3A_39 = arith.constant 0 : i32
      %dma_start3A_40 = arith.constant 0 : i32
      %dma_start3A_41 = tpu.memref_slice %arg3[%arg1, %dma_start3A_39, %dma_start3A_40] : memref<16x80x128xi32, #tpu.memory_space<hbm>> -> memref<1x80x128xi32, #tpu.memory_space<hbm>>
      %dma_start3A_42 = tpu.memref_squeeze %dma_start3A_41 : memref<1x80x128xi32, #tpu.memory_space<hbm>> -> memref<80x128xi32, #tpu.memory_space<hbm>>
      tpu.enqueue_dma source(%dma_start3A_42 : memref<80x128xi32, #tpu.memory_space<hbm>>) target(%arg6 : memref<80x128xi32, #tpu.memory_space<vmem>>) target_semaphore(%run_scoped3A : memref<!tpu.dma_semaphore, #tpu.memory_space<semaphore_mem>>)
      %dma_wait3A = arith.constant 0 : i32
      %dma_wait3A_43 = arith.constant 0 : i32
      %dma_wait3A_44 = tpu.memref_slice %arg3[%arg1, %dma_wait3A, %dma_wait3A_43] : memref<16x80x128xi32, #tpu.memory_space<hbm>> -> memref<1x80x128xi32, #tpu.memory_space<hbm>>
      %dma_wait3A_45 = tpu.memref_squeeze %dma_wait3A_44 : memref<1x80x128xi32, #tpu.memory_space<hbm>> -> memref<80x128xi32, #tpu.memory_space<hbm>>
      %dma_wait3A_46 = arith.constant 0 : i32
      %dma_wait3A_47 = arith.constant 0 : i32
      %dma_wait3A_48 = tpu.memref_slice %arg3[%arg1, %dma_wait3A_46, %dma_wait3A_47] : memref<16x80x128xi32, #tpu.memory_space<hbm>> -> memref<1x80x128xi32, #tpu.memory_space<hbm>>
      %dma_wait3A_49 = tpu.memref_squeeze %dma_wait3A_48 : memref<1x80x128xi32, #tpu.memory_space<hbm>> -> memref<80x128xi32, #tpu.memory_space<hbm>>
      tpu.wait_dma2 semaphore(%run_scoped3A : memref<!tpu.dma_semaphore, #tpu.memory_space<semaphore_mem>>) src(%dma_wait3A_49 : memref<80x128xi32, #tpu.memory_space<hbm>>) dst(%arg6 : memref<80x128xi32, #tpu.memory_space<vmem>>)
      tpu.yield
    }) : () -> ()
    "tpu.region"() ({
      %run_scoped3A = tpu.sem_alloc : memref<!tpu.dma_semaphore, #tpu.memory_space<semaphore_mem>>
      %dma_start3A = arith.constant 0 : i32
      %dma_start3A_36 = arith.constant 0 : i32
      %dma_start3A_37 = tpu.memref_slice %arg4[%arg1, %dma_start3A, %dma_start3A_36] : memref<16x80x128xi32, #tpu.memory_space<hbm>> -> memref<1x80x128xi32, #tpu.memory_space<hbm>>
      %dma_start3A_38 = tpu.memref_squeeze %dma_start3A_37 : memref<1x80x128xi32, #tpu.memory_space<hbm>> -> memref<80x128xi32, #tpu.memory_space<hbm>>
      %dma_start3A_39 = arith.constant 0 : i32
      %dma_start3A_40 = arith.constant 0 : i32
      %dma_start3A_41 = tpu.memref_slice %arg4[%arg1, %dma_start3A_39, %dma_start3A_40] : memref<16x80x128xi32, #tpu.memory_space<hbm>> -> memref<1x80x128xi32, #tpu.memory_space<hbm>>
      %dma_start3A_42 = tpu.memref_squeeze %dma_start3A_41 : memref<1x80x128xi32, #tpu.memory_space<hbm>> -> memref<80x128xi32, #tpu.memory_space<hbm>>
      tpu.enqueue_dma source(%dma_start3A_42 : memref<80x128xi32, #tpu.memory_space<hbm>>) target(%arg7 : memref<80x128xi32, #tpu.memory_space<vmem>>) target_semaphore(%run_scoped3A : memref<!tpu.dma_semaphore, #tpu.memory_space<semaphore_mem>>)
      %dma_wait3A = arith.constant 0 : i32
      %dma_wait3A_43 = arith.constant 0 : i32
      %dma_wait3A_44 = tpu.memref_slice %arg4[%arg1, %dma_wait3A, %dma_wait3A_43] : memref<16x80x128xi32, #tpu.memory_space<hbm>> -> memref<1x80x128xi32, #tpu.memory_space<hbm>>
      %dma_wait3A_45 = tpu.memref_squeeze %dma_wait3A_44 : memref<1x80x128xi32, #tpu.memory_space<hbm>> -> memref<80x128xi32, #tpu.memory_space<hbm>>
      %dma_wait3A_46 = arith.constant 0 : i32
      %dma_wait3A_47 = arith.constant 0 : i32
      %dma_wait3A_48 = tpu.memref_slice %arg4[%arg1, %dma_wait3A_46, %dma_wait3A_47] : memref<16x80x128xi32, #tpu.memory_space<hbm>> -> memref<1x80x128xi32, #tpu.memory_space<hbm>>
      %dma_wait3A_49 = tpu.memref_squeeze %dma_wait3A_48 : memref<1x80x128xi32, #tpu.memory_space<hbm>> -> memref<80x128xi32, #tpu.memory_space<hbm>>
      tpu.wait_dma2 semaphore(%run_scoped3A : memref<!tpu.dma_semaphore, #tpu.memory_space<semaphore_mem>>) src(%dma_wait3A_49 : memref<80x128xi32, #tpu.memory_space<hbm>>) dst(%arg7 : memref<80x128xi32, #tpu.memory_space<vmem>>)
      tpu.yield
    }) : () -> ()
    %mul3A = arith.constant 2 : i32
    %mul3A_0 = arith.muli %arg0, %mul3A : i32
    %add3A = arith.constant 0 : i32
    %add3A_1 = arith.addi %mul3A_0, %add3A : i32
    %mul3A_2 = arith.constant 640 : i32
    %mul3A_3 = arith.muli %arg1, %mul3A_2 : i32
    %mul3A_4 = arith.constant 640 : i32
    %mul3A_5 = arith.muli %arg1, %mul3A_4 : i32
    "tpu.region"() ({
      %run_scoped3A = tpu.sem_alloc : memref<!tpu.dma_semaphore, #tpu.memory_space<semaphore_mem>>
      %dma_start3A = arith.constant 0 : i32
      %dma_start3A_36 = tpu.memref_slice %arg9[%mul3A_5, %dma_start3A] : memref<10240x128xf32, #tpu.memory_space<vmem_shared>> -> memref<640x128xf32, #tpu.memory_space<vmem_shared>>
      %dma_start3A_37 = arith.constant 0 : i32
      %dma_start3A_38 = arith.constant 0 : i32
      %dma_start3A_39 = tpu.memref_slice %arg2[%add3A_1, %dma_start3A_37, %dma_start3A_38] : memref<4x10240x128xf32, #tpu.memory_space<hbm>> -> memref<1x10240x128xf32, #tpu.memory_space<hbm>>
      %dma_start3A_40 = tpu.memref_squeeze %dma_start3A_39 : memref<1x10240x128xf32, #tpu.memory_space<hbm>> -> memref<10240x128xf32, #tpu.memory_space<hbm>>
      %dma_start3A_41 = arith.constant 0 : i32
      %dma_start3A_42 = tpu.memref_slice %dma_start3A_40[%mul3A_3, %dma_start3A_41] : memref<10240x128xf32, #tpu.memory_space<hbm>> -> memref<640x128xf32, #tpu.memory_space<hbm>>
      tpu.enqueue_dma source(%dma_start3A_42 : memref<640x128xf32, #tpu.memory_space<hbm>>) target(%dma_start3A_36 : memref<640x128xf32, #tpu.memory_space<vmem_shared>>) target_semaphore(%run_scoped3A : memref<!tpu.dma_semaphore, #tpu.memory_space<semaphore_mem>>)
      %dma_wait3A = arith.constant 0 : i32
      %dma_wait3A_43 = tpu.memref_slice %arg9[%mul3A_5, %dma_wait3A] : memref<10240x128xf32, #tpu.memory_space<vmem_shared>> -> memref<640x128xf32, #tpu.memory_space<vmem_shared>>
      %dma_wait3A_44 = arith.constant 0 : i32
      %dma_wait3A_45 = arith.constant 0 : i32
      %dma_wait3A_46 = tpu.memref_slice %arg2[%add3A_1, %dma_wait3A_44, %dma_wait3A_45] : memref<4x10240x128xf32, #tpu.memory_space<hbm>> -> memref<1x10240x128xf32, #tpu.memory_space<hbm>>
      %dma_wait3A_47 = tpu.memref_squeeze %dma_wait3A_46 : memref<1x10240x128xf32, #tpu.memory_space<hbm>> -> memref<10240x128xf32, #tpu.memory_space<hbm>>
      %dma_wait3A_48 = arith.constant 0 : i32
      %dma_wait3A_49 = tpu.memref_slice %dma_wait3A_47[%mul3A_3, %dma_wait3A_48] : memref<10240x128xf32, #tpu.memory_space<hbm>> -> memref<640x128xf32, #tpu.memory_space<hbm>>
      tpu.wait_dma2 semaphore(%run_scoped3A : memref<!tpu.dma_semaphore, #tpu.memory_space<semaphore_mem>>) src(%dma_wait3A_49 : memref<640x128xf32, #tpu.memory_space<hbm>>) dst(%dma_wait3A_43 : memref<640x128xf32, #tpu.memory_space<vmem_shared>>)
      tpu.yield
    }) : () -> ()
    %barrier3A = arith.constant 0 : index
    tpu.barrier barrier_id(%barrier3A)
    %scan3A = arith.constant 0 : i32
    %scan3A_6 = arith.constant 0 : i32
    %scan3A_7 = arith.constant 80 : i32
    %scan3A_8 = arith.addi %scan3A_6, %scan3A_7 : i32
    %scan3A_9 = arith.constant 1 : i32
    scf.for %scan3A_36 = %scan3A_6 to %scan3A_8 step %scan3A_9  : i32 {
      %dma_start3A = arith.constant 0 : i32
      %dma_start3A_37 = tpu.memref_slice %arg6[%scan3A_36, %dma_start3A] : memref<80x128xi32, #tpu.memory_space<vmem>> -> memref<1x128xi32, #tpu.memory_space<vmem>>
      %dma_start3A_38 = tpu.memref_squeeze %dma_start3A_37 : memref<1x128xi32, #tpu.memory_space<vmem>> -> memref<128xi32, #tpu.memory_space<vmem>>
      %dma_start3A_39 = arith.constant 0 : i32
      %dma_start3A_40 = arith.constant 0 : i32
      %dma_start3A_41 = tpu.memref_slice %arg2[%add3A_1, %dma_start3A_39, %dma_start3A_40] : memref<4x10240x128xf32, #tpu.memory_space<hbm>> -> memref<1x10240x128xf32, #tpu.memory_space<hbm>>
      %dma_start3A_42 = tpu.memref_squeeze %dma_start3A_41 : memref<1x10240x128xf32, #tpu.memory_space<hbm>> -> memref<10240x128xf32, #tpu.memory_space<hbm>>
      %dma_start3A_43 = arith.constant 0 : i32
      %dma_start3A_44 = arith.constant 0 : i32
      %dma_start3A_45 = tpu.memref_slice %dma_start3A_42[%dma_start3A_43, %dma_start3A_44] : memref<10240x128xf32, #tpu.memory_space<hbm>> -> memref<10240x128xf32, #tpu.memory_space<hbm>>
      tpu.enqueue_indirect_dma source(%dma_start3A_45 : memref<10240x128xf32, #tpu.memory_space<hbm>>) target(%arg8 : memref<128x128xf32, #tpu.memory_space<vmem>>) offsets(%dma_start3A_38 : memref<128xi32, #tpu.memory_space<vmem>>) semaphore(%arg10 : memref<!tpu.dma_semaphore, #tpu.memory_space<semaphore_mem>>)
      %dma_wait3A = arith.constant 0 : i32
      %dma_wait3A_46 = tpu.memref_slice %arg6[%scan3A_36, %dma_wait3A] : memref<80x128xi32, #tpu.memory_space<vmem>> -> memref<1x128xi32, #tpu.memory_space<vmem>>
      %dma_wait3A_47 = tpu.memref_squeeze %dma_wait3A_46 : memref<1x128xi32, #tpu.memory_space<vmem>> -> memref<128xi32, #tpu.memory_space<vmem>>
      %dma_wait3A_48 = arith.constant 0 : i32
      %dma_wait3A_49 = arith.constant 0 : i32
      %dma_wait3A_50 = tpu.memref_slice %arg2[%add3A_1, %dma_wait3A_48, %dma_wait3A_49] : memref<4x10240x128xf32, #tpu.memory_space<hbm>> -> memref<1x10240x128xf32, #tpu.memory_space<hbm>>
      %dma_wait3A_51 = tpu.memref_squeeze %dma_wait3A_50 : memref<1x10240x128xf32, #tpu.memory_space<hbm>> -> memref<10240x128xf32, #tpu.memory_space<hbm>>
      %dma_wait3A_52 = arith.constant 0 : i32
      %dma_wait3A_53 = arith.constant 0 : i32
      %dma_wait3A_54 = tpu.memref_slice %dma_wait3A_51[%dma_wait3A_52, %dma_wait3A_53] : memref<10240x128xf32, #tpu.memory_space<hbm>> -> memref<10240x128xf32, #tpu.memory_space<hbm>>
      tpu.wait_indirect_dma semaphore(%arg10 : memref<!tpu.dma_semaphore, #tpu.memory_space<semaphore_mem>>) src(%dma_wait3A_54 : memref<10240x128xf32, #tpu.memory_space<hbm>>) dst(%arg8 : memref<128x128xf32, #tpu.memory_space<vmem>>)
      "tpu.region"() ({
        %run_scoped3A = tpu.sem_alloc : memref<!tpu.dma_semaphore, #tpu.memory_space<semaphore_mem>>
        %dma_start3A_55 = arith.constant 0 : i32
        %dma_start3A_56 = tpu.memref_slice %arg7[%scan3A_36, %dma_start3A_55] : memref<80x128xi32, #tpu.memory_space<vmem>> -> memref<1x128xi32, #tpu.memory_space<vmem>>
        %dma_start3A_57 = tpu.memref_squeeze %dma_start3A_56 : memref<1x128xi32, #tpu.memory_space<vmem>> -> memref<128xi32, #tpu.memory_space<vmem>>
        %dma_start3A_58 = arith.constant 0 : i32
        %dma_start3A_59 = arith.constant 0 : i32
        %dma_start3A_60 = tpu.memref_slice %arg9[%dma_start3A_58, %dma_start3A_59] : memref<10240x128xf32, #tpu.memory_space<vmem_shared>> -> memref<10240x128xf32, #tpu.memory_space<vmem_shared>>
        tpu.enqueue_indirect_dma source(%arg8 : memref<128x128xf32, #tpu.memory_space<vmem>>) target(%dma_start3A_60 : memref<10240x128xf32, #tpu.memory_space<vmem_shared>>) offsets(%dma_start3A_57 : memref<128xi32, #tpu.memory_space<vmem>>) semaphore(%run_scoped3A : memref<!tpu.dma_semaphore, #tpu.memory_space<semaphore_mem>>) {add = true}
        %dma_wait3A_61 = arith.constant 0 : i32
        %dma_wait3A_62 = tpu.memref_slice %arg7[%scan3A_36, %dma_wait3A_61] : memref<80x128xi32, #tpu.memory_space<vmem>> -> memref<1x128xi32, #tpu.memory_space<vmem>>
        %dma_wait3A_63 = tpu.memref_squeeze %dma_wait3A_62 : memref<1x128xi32, #tpu.memory_space<vmem>> -> memref<128xi32, #tpu.memory_space<vmem>>
        %dma_wait3A_64 = arith.constant 0 : i32
        %dma_wait3A_65 = arith.constant 0 : i32
        %dma_wait3A_66 = tpu.memref_slice %arg9[%dma_wait3A_64, %dma_wait3A_65] : memref<10240x128xf32, #tpu.memory_space<vmem_shared>> -> memref<10240x128xf32, #tpu.memory_space<vmem_shared>>
        tpu.wait_indirect_dma semaphore(%run_scoped3A : memref<!tpu.dma_semaphore, #tpu.memory_space<semaphore_mem>>) src(%arg8 : memref<128x128xf32, #tpu.memory_space<vmem>>) dst(%dma_wait3A_66 : memref<10240x128xf32, #tpu.memory_space<vmem_shared>>)
        tpu.yield
      }) : () -> ()
    }
    %scan3A_10 = arith.constant 80 : i32
    %barrier3A_11 = arith.constant 0 : index
    tpu.barrier barrier_id(%barrier3A_11)
    %mul3A_12 = arith.constant 640 : i32
    %mul3A_13 = arith.muli %arg1, %mul3A_12 : i32
    %mul3A_14 = arith.constant 640 : i32
    %mul3A_15 = arith.muli %arg1, %mul3A_14 : i32
    "tpu.region"() ({
      %run_scoped3A = tpu.sem_alloc : memref<!tpu.dma_semaphore, #tpu.memory_space<semaphore_mem>>
      %dma_start3A = arith.constant 0 : i32
      %dma_start3A_36 = arith.constant 0 : i32
      %dma_start3A_37 = tpu.memref_slice %arg5[%add3A_1, %dma_start3A, %dma_start3A_36] : memref<4x10240x128xf32, #tpu.memory_space<hbm>> -> memref<1x10240x128xf32, #tpu.memory_space<hbm>>
      %dma_start3A_38 = tpu.memref_squeeze %dma_start3A_37 : memref<1x10240x128xf32, #tpu.memory_space<hbm>> -> memref<10240x128xf32, #tpu.memory_space<hbm>>
      %dma_start3A_39 = arith.constant 0 : i32
      %dma_start3A_40 = tpu.memref_slice %dma_start3A_38[%mul3A_15, %dma_start3A_39] : memref<10240x128xf32, #tpu.memory_space<hbm>> -> memref<640x128xf32, #tpu.memory_space<hbm>>
      %dma_start3A_41 = arith.constant 0 : i32
      %dma_start3A_42 = tpu.memref_slice %arg9[%mul3A_13, %dma_start3A_41] : memref<10240x128xf32, #tpu.memory_space<vmem_shared>> -> memref<640x128xf32, #tpu.memory_space<vmem_shared>>
      tpu.enqueue_dma source(%dma_start3A_42 : memref<640x128xf32, #tpu.memory_space<vmem_shared>>) target(%dma_start3A_40 : memref<640x128xf32, #tpu.memory_space<hbm>>) target_semaphore(%run_scoped3A : memref<!tpu.dma_semaphore, #tpu.memory_space<semaphore_mem>>)
      %dma_wait3A = arith.constant 0 : i32
      %dma_wait3A_43 = arith.constant 0 : i32
      %dma_wait3A_44 = tpu.memref_slice %arg5[%add3A_1, %dma_wait3A, %dma_wait3A_43] : memref<4x10240x128xf32, #tpu.memory_space<hbm>> -> memref<1x10240x128xf32, #tpu.memory_space<hbm>>
      %dma_wait3A_45 = tpu.memref_squeeze %dma_wait3A_44 : memref<1x10240x128xf32, #tpu.memory_space<hbm>> -> memref<10240x128xf32, #tpu.memory_space<hbm>>
      %dma_wait3A_46 = arith.constant 0 : i32
      %dma_wait3A_47 = tpu.memref_slice %dma_wait3A_45[%mul3A_15, %dma_wait3A_46] : memref<10240x128xf32, #tpu.memory_space<hbm>> -> memref<640x128xf32, #tpu.memory_space<hbm>>
      %dma_wait3A_48 = arith.constant 0 : i32
      %dma_wait3A_49 = tpu.memref_slice %arg9[%mul3A_13, %dma_wait3A_48] : memref<10240x128xf32, #tpu.memory_space<vmem_shared>> -> memref<640x128xf32, #tpu.memory_space<vmem_shared>>
      tpu.wait_dma2 semaphore(%run_scoped3A : memref<!tpu.dma_semaphore, #tpu.memory_space<semaphore_mem>>) src(%dma_wait3A_49 : memref<640x128xf32, #tpu.memory_space<vmem_shared>>) dst(%dma_wait3A_47 : memref<640x128xf32, #tpu.memory_space<hbm>>)
      tpu.yield
    }) : () -> ()
    %mul3A_16 = arith.constant 2 : i32
    %mul3A_17 = arith.muli %arg0, %mul3A_16 : i32
    %add3A_18 = arith.constant 1 : i32
    %add3A_19 = arith.addi %mul3A_17, %add3A_18 : i32
    %mul3A_20 = arith.constant 640 : i32
    %mul3A_21 = arith.muli %arg1, %mul3A_20 : i32
    %mul3A_22 = arith.constant 640 : i32
    %mul3A_23 = arith.muli %arg1, %mul3A_22 : i32
    "tpu.region"() ({
      %run_scoped3A = tpu.sem_alloc : memref<!tpu.dma_semaphore, #tpu.memory_space<semaphore_mem>>
      %dma_start3A = arith.constant 0 : i32
      %dma_start3A_36 = tpu.memref_slice %arg9[%mul3A_23, %dma_start3A] : memref<10240x128xf32, #tpu.memory_space<vmem_shared>> -> memref<640x128xf32, #tpu.memory_space<vmem_shared>>
      %dma_start3A_37 = arith.constant 0 : i32
      %dma_start3A_38 = arith.constant 0 : i32
      %dma_start3A_39 = tpu.memref_slice %arg2[%add3A_19, %dma_start3A_37, %dma_start3A_38] : memref<4x10240x128xf32, #tpu.memory_space<hbm>> -> memref<1x10240x128xf32, #tpu.memory_space<hbm>>
      %dma_start3A_40 = tpu.memref_squeeze %dma_start3A_39 : memref<1x10240x128xf32, #tpu.memory_space<hbm>> -> memref<10240x128xf32, #tpu.memory_space<hbm>>
      %dma_start3A_41 = arith.constant 0 : i32
      %dma_start3A_42 = tpu.memref_slice %dma_start3A_40[%mul3A_21, %dma_start3A_41] : memref<10240x128xf32, #tpu.memory_space<hbm>> -> memref<640x128xf32, #tpu.memory_space<hbm>>
      tpu.enqueue_dma source(%dma_start3A_42 : memref<640x128xf32, #tpu.memory_space<hbm>>) target(%dma_start3A_36 : memref<640x128xf32, #tpu.memory_space<vmem_shared>>) target_semaphore(%run_scoped3A : memref<!tpu.dma_semaphore, #tpu.memory_space<semaphore_mem>>)
      %dma_wait3A = arith.constant 0 : i32
      %dma_wait3A_43 = tpu.memref_slice %arg9[%mul3A_23, %dma_wait3A] : memref<10240x128xf32, #tpu.memory_space<vmem_shared>> -> memref<640x128xf32, #tpu.memory_space<vmem_shared>>
      %dma_wait3A_44 = arith.constant 0 : i32
      %dma_wait3A_45 = arith.constant 0 : i32
      %dma_wait3A_46 = tpu.memref_slice %arg2[%add3A_19, %dma_wait3A_44, %dma_wait3A_45] : memref<4x10240x128xf32, #tpu.memory_space<hbm>> -> memref<1x10240x128xf32, #tpu.memory_space<hbm>>
      %dma_wait3A_47 = tpu.memref_squeeze %dma_wait3A_46 : memref<1x10240x128xf32, #tpu.memory_space<hbm>> -> memref<10240x128xf32, #tpu.memory_space<hbm>>
      %dma_wait3A_48 = arith.constant 0 : i32
      %dma_wait3A_49 = tpu.memref_slice %dma_wait3A_47[%mul3A_21, %dma_wait3A_48] : memref<10240x128xf32, #tpu.memory_space<hbm>> -> memref<640x128xf32, #tpu.memory_space<hbm>>
      tpu.wait_dma2 semaphore(%run_scoped3A : memref<!tpu.dma_semaphore, #tpu.memory_space<semaphore_mem>>) src(%dma_wait3A_49 : memref<640x128xf32, #tpu.memory_space<hbm>>) dst(%dma_wait3A_43 : memref<640x128xf32, #tpu.memory_space<vmem_shared>>)
      tpu.yield
    }) : () -> ()
    %barrier3A_24 = arith.constant 0 : index
    tpu.barrier barrier_id(%barrier3A_24)
    %scan3A_25 = arith.constant 0 : i32
    %scan3A_26 = arith.constant 0 : i32
    %scan3A_27 = arith.constant 80 : i32
    %scan3A_28 = arith.addi %scan3A_26, %scan3A_27 : i32
    %scan3A_29 = arith.constant 1 : i32
    scf.for %scan3A_36 = %scan3A_26 to %scan3A_28 step %scan3A_29  : i32 {
      %dma_start3A = arith.constant 0 : i32
      %dma_start3A_37 = tpu.memref_slice %arg6[%scan3A_36, %dma_start3A] : memref<80x128xi32, #tpu.memory_space<vmem>> -> memref<1x128xi32, #tpu.memory_space<vmem>>
      %dma_start3A_38 = tpu.memref_squeeze %dma_start3A_37 : memref<1x128xi32, #tpu.memory_space<vmem>> -> memref<128xi32, #tpu.memory_space<vmem>>
      %dma_start3A_39 = arith.constant 0 : i32
      %dma_start3A_40 = arith.constant 0 : i32
      %dma_start3A_41 = tpu.memref_slice %arg2[%add3A_19, %dma_start3A_39, %dma_start3A_40] : memref<4x10240x128xf32, #tpu.memory_space<hbm>> -> memref<1x10240x128xf32, #tpu.memory_space<hbm>>
      %dma_start3A_42 = tpu.memref_squeeze %dma_start3A_41 : memref<1x10240x128xf32, #tpu.memory_space<hbm>> -> memref<10240x128xf32, #tpu.memory_space<hbm>>
      %dma_start3A_43 = arith.constant 0 : i32
      %dma_start3A_44 = arith.constant 0 : i32
      %dma_start3A_45 = tpu.memref_slice %dma_start3A_42[%dma_start3A_43, %dma_start3A_44] : memref<10240x128xf32, #tpu.memory_space<hbm>> -> memref<10240x128xf32, #tpu.memory_space<hbm>>
      tpu.enqueue_indirect_dma source(%dma_start3A_45 : memref<10240x128xf32, #tpu.memory_space<hbm>>) target(%arg8 : memref<128x128xf32, #tpu.memory_space<vmem>>) offsets(%dma_start3A_38 : memref<128xi32, #tpu.memory_space<vmem>>) semaphore(%arg10 : memref<!tpu.dma_semaphore, #tpu.memory_space<semaphore_mem>>)
      %dma_wait3A = arith.constant 0 : i32
      %dma_wait3A_46 = tpu.memref_slice %arg6[%scan3A_36, %dma_wait3A] : memref<80x128xi32, #tpu.memory_space<vmem>> -> memref<1x128xi32, #tpu.memory_space<vmem>>
      %dma_wait3A_47 = tpu.memref_squeeze %dma_wait3A_46 : memref<1x128xi32, #tpu.memory_space<vmem>> -> memref<128xi32, #tpu.memory_space<vmem>>
      %dma_wait3A_48 = arith.constant 0 : i32
      %dma_wait3A_49 = arith.constant 0 : i32
      %dma_wait3A_50 = tpu.memref_slice %arg2[%add3A_19, %dma_wait3A_48, %dma_wait3A_49] : memref<4x10240x128xf32, #tpu.memory_space<hbm>> -> memref<1x10240x128xf32, #tpu.memory_space<hbm>>
      %dma_wait3A_51 = tpu.memref_squeeze %dma_wait3A_50 : memref<1x10240x128xf32, #tpu.memory_space<hbm>> -> memref<10240x128xf32, #tpu.memory_space<hbm>>
      %dma_wait3A_52 = arith.constant 0 : i32
      %dma_wait3A_53 = arith.constant 0 : i32
      %dma_wait3A_54 = tpu.memref_slice %dma_wait3A_51[%dma_wait3A_52, %dma_wait3A_53] : memref<10240x128xf32, #tpu.memory_space<hbm>> -> memref<10240x128xf32, #tpu.memory_space<hbm>>
      tpu.wait_indirect_dma semaphore(%arg10 : memref<!tpu.dma_semaphore, #tpu.memory_space<semaphore_mem>>) src(%dma_wait3A_54 : memref<10240x128xf32, #tpu.memory_space<hbm>>) dst(%arg8 : memref<128x128xf32, #tpu.memory_space<vmem>>)
      "tpu.region"() ({
        %run_scoped3A = tpu.sem_alloc : memref<!tpu.dma_semaphore, #tpu.memory_space<semaphore_mem>>
        %dma_start3A_55 = arith.constant 0 : i32
        %dma_start3A_56 = tpu.memref_slice %arg7[%scan3A_36, %dma_start3A_55] : memref<80x128xi32, #tpu.memory_space<vmem>> -> memref<1x128xi32, #tpu.memory_space<vmem>>
        %dma_start3A_57 = tpu.memref_squeeze %dma_start3A_56 : memref<1x128xi32, #tpu.memory_space<vmem>> -> memref<128xi32, #tpu.memory_space<vmem>>
        %dma_start3A_58 = arith.constant 0 : i32
        %dma_start3A_59 = arith.constant 0 : i32
        %dma_start3A_60 = tpu.memref_slice %arg9[%dma_start3A_58, %dma_start3A_59] : memref<10240x128xf32, #tpu.memory_space<vmem_shared>> -> memref<10240x128xf32, #tpu.memory_space<vmem_shared>>
        tpu.enqueue_indirect_dma source(%arg8 : memref<128x128xf32, #tpu.memory_space<vmem>>) target(%dma_start3A_60 : memref<10240x128xf32, #tpu.memory_space<vmem_shared>>) offsets(%dma_start3A_57 : memref<128xi32, #tpu.memory_space<vmem>>) semaphore(%run_scoped3A : memref<!tpu.dma_semaphore, #tpu.memory_space<semaphore_mem>>) {add = true}
        %dma_wait3A_61 = arith.constant 0 : i32
        %dma_wait3A_62 = tpu.memref_slice %arg7[%scan3A_36, %dma_wait3A_61] : memref<80x128xi32, #tpu.memory_space<vmem>> -> memref<1x128xi32, #tpu.memory_space<vmem>>
        %dma_wait3A_63 = tpu.memref_squeeze %dma_wait3A_62 : memref<1x128xi32, #tpu.memory_space<vmem>> -> memref<128xi32, #tpu.memory_space<vmem>>
        %dma_wait3A_64 = arith.constant 0 : i32
        %dma_wait3A_65 = arith.constant 0 : i32
        %dma_wait3A_66 = tpu.memref_slice %arg9[%dma_wait3A_64, %dma_wait3A_65] : memref<10240x128xf32, #tpu.memory_space<vmem_shared>> -> memref<10240x128xf32, #tpu.memory_space<vmem_shared>>
        tpu.wait_indirect_dma semaphore(%run_scoped3A : memref<!tpu.dma_semaphore, #tpu.memory_space<semaphore_mem>>) src(%arg8 : memref<128x128xf32, #tpu.memory_space<vmem>>) dst(%dma_wait3A_66 : memref<10240x128xf32, #tpu.memory_space<vmem_shared>>)
        tpu.yield
      }) : () -> ()
    }
    %scan3A_30 = arith.constant 80 : i32
    %barrier3A_31 = arith.constant 0 : index
    tpu.barrier barrier_id(%barrier3A_31)
    %mul3A_32 = arith.constant 640 : i32
    %mul3A_33 = arith.muli %arg1, %mul3A_32 : i32
    %mul3A_34 = arith.constant 640 : i32
    %mul3A_35 = arith.muli %arg1, %mul3A_34 : i32
    "tpu.region"() ({
      %run_scoped3A = tpu.sem_alloc : memref<!tpu.dma_semaphore, #tpu.memory_space<semaphore_mem>>
      %dma_start3A = arith.constant 0 : i32
      %dma_start3A_36 = arith.constant 0 : i32
      %dma_start3A_37 = tpu.memref_slice %arg5[%add3A_19, %dma_start3A, %dma_start3A_36] : memref<4x10240x128xf32, #tpu.memory_space<hbm>> -> memref<1x10240x128xf32, #tpu.memory_space<hbm>>
      %dma_start3A_38 = tpu.memref_squeeze %dma_start3A_37 : memref<1x10240x128xf32, #tpu.memory_space<hbm>> -> memref<10240x128xf32, #tpu.memory_space<hbm>>
      %dma_start3A_39 = arith.constant 0 : i32
      %dma_start3A_40 = tpu.memref_slice %dma_start3A_38[%mul3A_35, %dma_start3A_39] : memref<10240x128xf32, #tpu.memory_space<hbm>> -> memref<640x128xf32, #tpu.memory_space<hbm>>
      %dma_start3A_41 = arith.constant 0 : i32
      %dma_start3A_42 = tpu.memref_slice %arg9[%mul3A_33, %dma_start3A_41] : memref<10240x128xf32, #tpu.memory_space<vmem_shared>> -> memref<640x128xf32, #tpu.memory_space<vmem_shared>>
      tpu.enqueue_dma source(%dma_start3A_42 : memref<640x128xf32, #tpu.memory_space<vmem_shared>>) target(%dma_start3A_40 : memref<640x128xf32, #tpu.memory_space<hbm>>) target_semaphore(%run_scoped3A : memref<!tpu.dma_semaphore, #tpu.memory_space<semaphore_mem>>)
      %dma_wait3A = arith.constant 0 : i32
      %dma_wait3A_43 = arith.constant 0 : i32
      %dma_wait3A_44 = tpu.memref_slice %arg5[%add3A_19, %dma_wait3A, %dma_wait3A_43] : memref<4x10240x128xf32, #tpu.memory_space<hbm>> -> memref<1x10240x128xf32, #tpu.memory_space<hbm>>
      %dma_wait3A_45 = tpu.memref_squeeze %dma_wait3A_44 : memref<1x10240x128xf32, #tpu.memory_space<hbm>> -> memref<10240x128xf32, #tpu.memory_space<hbm>>
      %dma_wait3A_46 = arith.constant 0 : i32
      %dma_wait3A_47 = tpu.memref_slice %dma_wait3A_45[%mul3A_35, %dma_wait3A_46] : memref<10240x128xf32, #tpu.memory_space<hbm>> -> memref<640x128xf32, #tpu.memory_space<hbm>>
      %dma_wait3A_48 = arith.constant 0 : i32
      %dma_wait3A_49 = tpu.memref_slice %arg9[%mul3A_33, %dma_wait3A_48] : memref<10240x128xf32, #tpu.memory_space<vmem_shared>> -> memref<640x128xf32, #tpu.memory_space<vmem_shared>>
      tpu.wait_dma2 semaphore(%run_scoped3A : memref<!tpu.dma_semaphore, #tpu.memory_space<semaphore_mem>>) src(%dma_wait3A_49 : memref<640x128xf32, #tpu.memory_space<vmem_shared>>) dst(%dma_wait3A_47 : memref<640x128xf32, #tpu.memory_space<hbm>>)
      tpu.yield
    }) : () -> ()
    return
  }
}

#map = affine_map<(d0, d1) -> (0, 0, 0)>
#map1 = affine_map<(d0, d1) -> (0, 0)>
module attributes {stable_mosaic.version = 14 : i64} {
  func.func @_sc_degree(%arg0: i32, %arg1: i32, %arg2: memref<32x40x128xi32, #tpu.memory_space<hbm>>, %arg3: memref<10240x16xf32, #tpu.memory_space<hbm>>, %arg4: memref<128x16xf32, #tpu.memory_space<hbm>>, %arg5: memref<2x10240x16xf32, #tpu.memory_space<hbm>>, %arg6: memref<40x128xi32, #tpu.memory_space<vmem>>, %arg7: memref<128x16xf32, #tpu.memory_space<vmem>>, %arg8: memref<10240x16xf32, #tpu.memory_space<vmem_shared>>) attributes {dimension_semantics = [#tpu.dimension_semantics<core_parallel>, #tpu.dimension_semantics<subcore_parallel>], iteration_bounds = array<i64: 2, 16>, scalar_prefetch = 0 : i64, scratch_operands = 3 : i64, tpu.core_type = #tpu.core_type<sc_vector_subcore>, window_params = [{transform_indices = #map}, {transform_indices = #map1}, {transform_indices = #map1}, {transform_indices = #map}]} {
    %mul3A = arith.constant 16 : i32
    %mul3A_0 = arith.muli %arg0, %mul3A : i32
    %add3A = arith.addi %mul3A_0, %arg1 : i32
    "tpu.region"() ({
      %run_scoped3A = tpu.sem_alloc : memref<!tpu.dma_semaphore, #tpu.memory_space<semaphore_mem>>
      %dma_start3A = arith.constant 0 : i32
      %dma_start3A_15 = arith.constant 0 : i32
      %dma_start3A_16 = tpu.memref_slice %arg2[%add3A, %dma_start3A, %dma_start3A_15] : memref<32x40x128xi32, #tpu.memory_space<hbm>> -> memref<1x40x128xi32, #tpu.memory_space<hbm>>
      %dma_start3A_17 = tpu.memref_squeeze %dma_start3A_16 : memref<1x40x128xi32, #tpu.memory_space<hbm>> -> memref<40x128xi32, #tpu.memory_space<hbm>>
      %dma_start3A_18 = arith.constant 0 : i32
      %dma_start3A_19 = arith.constant 0 : i32
      %dma_start3A_20 = tpu.memref_slice %arg2[%add3A, %dma_start3A_18, %dma_start3A_19] : memref<32x40x128xi32, #tpu.memory_space<hbm>> -> memref<1x40x128xi32, #tpu.memory_space<hbm>>
      %dma_start3A_21 = tpu.memref_squeeze %dma_start3A_20 : memref<1x40x128xi32, #tpu.memory_space<hbm>> -> memref<40x128xi32, #tpu.memory_space<hbm>>
      tpu.enqueue_dma source(%dma_start3A_21 : memref<40x128xi32, #tpu.memory_space<hbm>>) target(%arg6 : memref<40x128xi32, #tpu.memory_space<vmem>>) target_semaphore(%run_scoped3A : memref<!tpu.dma_semaphore, #tpu.memory_space<semaphore_mem>>)
      %dma_wait3A = arith.constant 0 : i32
      %dma_wait3A_22 = arith.constant 0 : i32
      %dma_wait3A_23 = tpu.memref_slice %arg2[%add3A, %dma_wait3A, %dma_wait3A_22] : memref<32x40x128xi32, #tpu.memory_space<hbm>> -> memref<1x40x128xi32, #tpu.memory_space<hbm>>
      %dma_wait3A_24 = tpu.memref_squeeze %dma_wait3A_23 : memref<1x40x128xi32, #tpu.memory_space<hbm>> -> memref<40x128xi32, #tpu.memory_space<hbm>>
      %dma_wait3A_25 = arith.constant 0 : i32
      %dma_wait3A_26 = arith.constant 0 : i32
      %dma_wait3A_27 = tpu.memref_slice %arg2[%add3A, %dma_wait3A_25, %dma_wait3A_26] : memref<32x40x128xi32, #tpu.memory_space<hbm>> -> memref<1x40x128xi32, #tpu.memory_space<hbm>>
      %dma_wait3A_28 = tpu.memref_squeeze %dma_wait3A_27 : memref<1x40x128xi32, #tpu.memory_space<hbm>> -> memref<40x128xi32, #tpu.memory_space<hbm>>
      tpu.wait_dma2 semaphore(%run_scoped3A : memref<!tpu.dma_semaphore, #tpu.memory_space<semaphore_mem>>) src(%dma_wait3A_28 : memref<40x128xi32, #tpu.memory_space<hbm>>) dst(%arg6 : memref<40x128xi32, #tpu.memory_space<vmem>>)
      tpu.yield
    }) : () -> ()
    "tpu.region"() ({
      %run_scoped3A = tpu.sem_alloc : memref<!tpu.dma_semaphore, #tpu.memory_space<semaphore_mem>>
      tpu.enqueue_dma source(%arg4 : memref<128x16xf32, #tpu.memory_space<hbm>>) target(%arg7 : memref<128x16xf32, #tpu.memory_space<vmem>>) target_semaphore(%run_scoped3A : memref<!tpu.dma_semaphore, #tpu.memory_space<semaphore_mem>>)
      tpu.wait_dma2 semaphore(%run_scoped3A : memref<!tpu.dma_semaphore, #tpu.memory_space<semaphore_mem>>) src(%arg4 : memref<128x16xf32, #tpu.memory_space<hbm>>) dst(%arg7 : memref<128x16xf32, #tpu.memory_space<vmem>>)
      tpu.yield
    }) : () -> ()
    %mul3A_1 = arith.constant 640 : i32
    %mul3A_2 = arith.muli %arg1, %mul3A_1 : i32
    %mul3A_3 = arith.constant 640 : i32
    %mul3A_4 = arith.muli %arg1, %mul3A_3 : i32
    "tpu.region"() ({
      %run_scoped3A = tpu.sem_alloc : memref<!tpu.dma_semaphore, #tpu.memory_space<semaphore_mem>>
      %dma_start3A = arith.constant 0 : i32
      %dma_start3A_15 = tpu.memref_slice %arg8[%mul3A_4, %dma_start3A] : memref<10240x16xf32, #tpu.memory_space<vmem_shared>> -> memref<640x16xf32, #tpu.memory_space<vmem_shared>>
      %dma_start3A_16 = arith.constant 0 : i32
      %dma_start3A_17 = tpu.memref_slice %arg3[%mul3A_2, %dma_start3A_16] : memref<10240x16xf32, #tpu.memory_space<hbm>> -> memref<640x16xf32, #tpu.memory_space<hbm>>
      tpu.enqueue_dma source(%dma_start3A_17 : memref<640x16xf32, #tpu.memory_space<hbm>>) target(%dma_start3A_15 : memref<640x16xf32, #tpu.memory_space<vmem_shared>>) target_semaphore(%run_scoped3A : memref<!tpu.dma_semaphore, #tpu.memory_space<semaphore_mem>>)
      %dma_wait3A = arith.constant 0 : i32
      %dma_wait3A_18 = tpu.memref_slice %arg8[%mul3A_4, %dma_wait3A] : memref<10240x16xf32, #tpu.memory_space<vmem_shared>> -> memref<640x16xf32, #tpu.memory_space<vmem_shared>>
      %dma_wait3A_19 = arith.constant 0 : i32
      %dma_wait3A_20 = tpu.memref_slice %arg3[%mul3A_2, %dma_wait3A_19] : memref<10240x16xf32, #tpu.memory_space<hbm>> -> memref<640x16xf32, #tpu.memory_space<hbm>>
      tpu.wait_dma2 semaphore(%run_scoped3A : memref<!tpu.dma_semaphore, #tpu.memory_space<semaphore_mem>>) src(%dma_wait3A_20 : memref<640x16xf32, #tpu.memory_space<hbm>>) dst(%dma_wait3A_18 : memref<640x16xf32, #tpu.memory_space<vmem_shared>>)
      tpu.yield
    }) : () -> ()
    %barrier3A = arith.constant 0 : index
    tpu.barrier barrier_id(%barrier3A)
    %scan3A = arith.constant 0 : i32
    %scan3A_5 = arith.constant 0 : i32
    %scan3A_6 = arith.constant 40 : i32
    %scan3A_7 = arith.addi %scan3A_5, %scan3A_6 : i32
    %scan3A_8 = arith.constant 1 : i32
    scf.for %scan3A_15 = %scan3A_5 to %scan3A_7 step %scan3A_8  : i32 {
      "tpu.region"() ({
        %run_scoped3A = tpu.sem_alloc : memref<!tpu.dma_semaphore, #tpu.memory_space<semaphore_mem>>
        %dma_start3A = arith.constant 0 : i32
        %dma_start3A_16 = tpu.memref_slice %arg6[%scan3A_15, %dma_start3A] : memref<40x128xi32, #tpu.memory_space<vmem>> -> memref<1x128xi32, #tpu.memory_space<vmem>>
        %dma_start3A_17 = tpu.memref_squeeze %dma_start3A_16 : memref<1x128xi32, #tpu.memory_space<vmem>> -> memref<128xi32, #tpu.memory_space<vmem>>
        %dma_start3A_18 = arith.constant 0 : i32
        %dma_start3A_19 = arith.constant 0 : i32
        %dma_start3A_20 = tpu.memref_slice %arg8[%dma_start3A_18, %dma_start3A_19] : memref<10240x16xf32, #tpu.memory_space<vmem_shared>> -> memref<10240x16xf32, #tpu.memory_space<vmem_shared>>
        tpu.enqueue_indirect_dma source(%arg7 : memref<128x16xf32, #tpu.memory_space<vmem>>) target(%dma_start3A_20 : memref<10240x16xf32, #tpu.memory_space<vmem_shared>>) offsets(%dma_start3A_17 : memref<128xi32, #tpu.memory_space<vmem>>) semaphore(%run_scoped3A : memref<!tpu.dma_semaphore, #tpu.memory_space<semaphore_mem>>) {add = true}
        %dma_wait3A = arith.constant 0 : i32
        %dma_wait3A_21 = tpu.memref_slice %arg6[%scan3A_15, %dma_wait3A] : memref<40x128xi32, #tpu.memory_space<vmem>> -> memref<1x128xi32, #tpu.memory_space<vmem>>
        %dma_wait3A_22 = tpu.memref_squeeze %dma_wait3A_21 : memref<1x128xi32, #tpu.memory_space<vmem>> -> memref<128xi32, #tpu.memory_space<vmem>>
        %dma_wait3A_23 = arith.constant 0 : i32
        %dma_wait3A_24 = arith.constant 0 : i32
        %dma_wait3A_25 = tpu.memref_slice %arg8[%dma_wait3A_23, %dma_wait3A_24] : memref<10240x16xf32, #tpu.memory_space<vmem_shared>> -> memref<10240x16xf32, #tpu.memory_space<vmem_shared>>
        tpu.wait_indirect_dma semaphore(%run_scoped3A : memref<!tpu.dma_semaphore, #tpu.memory_space<semaphore_mem>>) src(%arg7 : memref<128x16xf32, #tpu.memory_space<vmem>>) dst(%dma_wait3A_25 : memref<10240x16xf32, #tpu.memory_space<vmem_shared>>)
        tpu.yield
      }) : () -> ()
    }
    %scan3A_9 = arith.constant 40 : i32
    %barrier3A_10 = arith.constant 0 : index
    tpu.barrier barrier_id(%barrier3A_10)
    %mul3A_11 = arith.constant 640 : i32
    %mul3A_12 = arith.muli %arg1, %mul3A_11 : i32
    %mul3A_13 = arith.constant 640 : i32
    %mul3A_14 = arith.muli %arg1, %mul3A_13 : i32
    "tpu.region"() ({
      %run_scoped3A = tpu.sem_alloc : memref<!tpu.dma_semaphore, #tpu.memory_space<semaphore_mem>>
      %dma_start3A = arith.constant 0 : i32
      %dma_start3A_15 = arith.constant 0 : i32
      %dma_start3A_16 = tpu.memref_slice %arg5[%arg0, %dma_start3A, %dma_start3A_15] : memref<2x10240x16xf32, #tpu.memory_space<hbm>> -> memref<1x10240x16xf32, #tpu.memory_space<hbm>>
      %dma_start3A_17 = tpu.memref_squeeze %dma_start3A_16 : memref<1x10240x16xf32, #tpu.memory_space<hbm>> -> memref<10240x16xf32, #tpu.memory_space<hbm>>
      %dma_start3A_18 = arith.constant 0 : i32
      %dma_start3A_19 = tpu.memref_slice %dma_start3A_17[%mul3A_14, %dma_start3A_18] : memref<10240x16xf32, #tpu.memory_space<hbm>> -> memref<640x16xf32, #tpu.memory_space<hbm>>
      %dma_start3A_20 = arith.constant 0 : i32
      %dma_start3A_21 = tpu.memref_slice %arg8[%mul3A_12, %dma_start3A_20] : memref<10240x16xf32, #tpu.memory_space<vmem_shared>> -> memref<640x16xf32, #tpu.memory_space<vmem_shared>>
      tpu.enqueue_dma source(%dma_start3A_21 : memref<640x16xf32, #tpu.memory_space<vmem_shared>>) target(%dma_start3A_19 : memref<640x16xf32, #tpu.memory_space<hbm>>) target_semaphore(%run_scoped3A : memref<!tpu.dma_semaphore, #tpu.memory_space<semaphore_mem>>)
      %dma_wait3A = arith.constant 0 : i32
      %dma_wait3A_22 = arith.constant 0 : i32
      %dma_wait3A_23 = tpu.memref_slice %arg5[%arg0, %dma_wait3A, %dma_wait3A_22] : memref<2x10240x16xf32, #tpu.memory_space<hbm>> -> memref<1x10240x16xf32, #tpu.memory_space<hbm>>
      %dma_wait3A_24 = tpu.memref_squeeze %dma_wait3A_23 : memref<1x10240x16xf32, #tpu.memory_space<hbm>> -> memref<10240x16xf32, #tpu.memory_space<hbm>>
      %dma_wait3A_25 = arith.constant 0 : i32
      %dma_wait3A_26 = tpu.memref_slice %dma_wait3A_24[%mul3A_14, %dma_wait3A_25] : memref<10240x16xf32, #tpu.memory_space<hbm>> -> memref<640x16xf32, #tpu.memory_space<hbm>>
      %dma_wait3A_27 = arith.constant 0 : i32
      %dma_wait3A_28 = tpu.memref_slice %arg8[%mul3A_12, %dma_wait3A_27] : memref<10240x16xf32, #tpu.memory_space<vmem_shared>> -> memref<640x16xf32, #tpu.memory_space<vmem_shared>>
      tpu.wait_dma2 semaphore(%run_scoped3A : memref<!tpu.dma_semaphore, #tpu.memory_space<semaphore_mem>>) src(%dma_wait3A_28 : memref<640x16xf32, #tpu.memory_space<vmem_shared>>) dst(%dma_wait3A_26 : memref<640x16xf32, #tpu.memory_space<hbm>>)
      tpu.yield
    }) : () -> ()
    return
  }
}

#map = affine_map<(d0, d1) -> (0, 0, 0)>
module attributes {stable_mosaic.version = 14 : i64} {
  func.func @_sc_aggregate(%arg0: i32, %arg1: i32, %arg2: memref<4x10240x128xf32, #tpu.memory_space<hbm>>, %arg3: memref<16x80x128xi32, #tpu.memory_space<hbm>>, %arg4: memref<16x80x128xi32, #tpu.memory_space<hbm>>, %arg5: memref<4x10240x128xf32, #tpu.memory_space<hbm>>, %arg6: memref<80x128xi32, #tpu.memory_space<vmem>>, %arg7: memref<80x128xi32, #tpu.memory_space<vmem>>, %arg8: memref<128x128xf32, #tpu.memory_space<vmem>>, %arg9: memref<10240x128xf32, #tpu.memory_space<vmem_shared>>, %arg10: memref<!tpu.dma_semaphore, #tpu.memory_space<semaphore_mem>>) attributes {dimension_semantics = [#tpu.dimension_semantics<core_parallel>, #tpu.dimension_semantics<subcore_parallel>], iteration_bounds = array<i64: 2, 16>, scalar_prefetch = 0 : i64, scratch_operands = 5 : i64, tpu.core_type = #tpu.core_type<sc_vector_subcore>, window_params = [{transform_indices = #map}, {transform_indices = #map}, {transform_indices = #map}, {transform_indices = #map}]} {
    "tpu.region"() ({
      %run_scoped3A = tpu.sem_alloc : memref<!tpu.dma_semaphore, #tpu.memory_space<semaphore_mem>>
      %dma_start3A = arith.constant 0 : i32
      %dma_start3A_36 = arith.constant 0 : i32
      %dma_start3A_37 = tpu.memref_slice %arg3[%arg1, %dma_start3A, %dma_start3A_36] : memref<16x80x128xi32, #tpu.memory_space<hbm>> -> memref<1x80x128xi32, #tpu.memory_space<hbm>>
      %dma_start3A_38 = tpu.memref_squeeze %dma_start3A_37 : memref<1x80x128xi32, #tpu.memory_space<hbm>> -> memref<80x128xi32, #tpu.memory_space<hbm>>
      %dma_start3A_39 = arith.constant 0 : i32
      %dma_start3A_40 = arith.constant 0 : i32
      %dma_start3A_41 = tpu.memref_slice %arg3[%arg1, %dma_start3A_39, %dma_start3A_40] : memref<16x80x128xi32, #tpu.memory_space<hbm>> -> memref<1x80x128xi32, #tpu.memory_space<hbm>>
      %dma_start3A_42 = tpu.memref_squeeze %dma_start3A_41 : memref<1x80x128xi32, #tpu.memory_space<hbm>> -> memref<80x128xi32, #tpu.memory_space<hbm>>
      tpu.enqueue_dma source(%dma_start3A_42 : memref<80x128xi32, #tpu.memory_space<hbm>>) target(%arg6 : memref<80x128xi32, #tpu.memory_space<vmem>>) target_semaphore(%run_scoped3A : memref<!tpu.dma_semaphore, #tpu.memory_space<semaphore_mem>>)
      %dma_wait3A = arith.constant 0 : i32
      %dma_wait3A_43 = arith.constant 0 : i32
      %dma_wait3A_44 = tpu.memref_slice %arg3[%arg1, %dma_wait3A, %dma_wait3A_43] : memref<16x80x128xi32, #tpu.memory_space<hbm>> -> memref<1x80x128xi32, #tpu.memory_space<hbm>>
      %dma_wait3A_45 = tpu.memref_squeeze %dma_wait3A_44 : memref<1x80x128xi32, #tpu.memory_space<hbm>> -> memref<80x128xi32, #tpu.memory_space<hbm>>
      %dma_wait3A_46 = arith.constant 0 : i32
      %dma_wait3A_47 = arith.constant 0 : i32
      %dma_wait3A_48 = tpu.memref_slice %arg3[%arg1, %dma_wait3A_46, %dma_wait3A_47] : memref<16x80x128xi32, #tpu.memory_space<hbm>> -> memref<1x80x128xi32, #tpu.memory_space<hbm>>
      %dma_wait3A_49 = tpu.memref_squeeze %dma_wait3A_48 : memref<1x80x128xi32, #tpu.memory_space<hbm>> -> memref<80x128xi32, #tpu.memory_space<hbm>>
      tpu.wait_dma2 semaphore(%run_scoped3A : memref<!tpu.dma_semaphore, #tpu.memory_space<semaphore_mem>>) src(%dma_wait3A_49 : memref<80x128xi32, #tpu.memory_space<hbm>>) dst(%arg6 : memref<80x128xi32, #tpu.memory_space<vmem>>)
      tpu.yield
    }) : () -> ()
    "tpu.region"() ({
      %run_scoped3A = tpu.sem_alloc : memref<!tpu.dma_semaphore, #tpu.memory_space<semaphore_mem>>
      %dma_start3A = arith.constant 0 : i32
      %dma_start3A_36 = arith.constant 0 : i32
      %dma_start3A_37 = tpu.memref_slice %arg4[%arg1, %dma_start3A, %dma_start3A_36] : memref<16x80x128xi32, #tpu.memory_space<hbm>> -> memref<1x80x128xi32, #tpu.memory_space<hbm>>
      %dma_start3A_38 = tpu.memref_squeeze %dma_start3A_37 : memref<1x80x128xi32, #tpu.memory_space<hbm>> -> memref<80x128xi32, #tpu.memory_space<hbm>>
      %dma_start3A_39 = arith.constant 0 : i32
      %dma_start3A_40 = arith.constant 0 : i32
      %dma_start3A_41 = tpu.memref_slice %arg4[%arg1, %dma_start3A_39, %dma_start3A_40] : memref<16x80x128xi32, #tpu.memory_space<hbm>> -> memref<1x80x128xi32, #tpu.memory_space<hbm>>
      %dma_start3A_42 = tpu.memref_squeeze %dma_start3A_41 : memref<1x80x128xi32, #tpu.memory_space<hbm>> -> memref<80x128xi32, #tpu.memory_space<hbm>>
      tpu.enqueue_dma source(%dma_start3A_42 : memref<80x128xi32, #tpu.memory_space<hbm>>) target(%arg7 : memref<80x128xi32, #tpu.memory_space<vmem>>) target_semaphore(%run_scoped3A : memref<!tpu.dma_semaphore, #tpu.memory_space<semaphore_mem>>)
      %dma_wait3A = arith.constant 0 : i32
      %dma_wait3A_43 = arith.constant 0 : i32
      %dma_wait3A_44 = tpu.memref_slice %arg4[%arg1, %dma_wait3A, %dma_wait3A_43] : memref<16x80x128xi32, #tpu.memory_space<hbm>> -> memref<1x80x128xi32, #tpu.memory_space<hbm>>
      %dma_wait3A_45 = tpu.memref_squeeze %dma_wait3A_44 : memref<1x80x128xi32, #tpu.memory_space<hbm>> -> memref<80x128xi32, #tpu.memory_space<hbm>>
      %dma_wait3A_46 = arith.constant 0 : i32
      %dma_wait3A_47 = arith.constant 0 : i32
      %dma_wait3A_48 = tpu.memref_slice %arg4[%arg1, %dma_wait3A_46, %dma_wait3A_47] : memref<16x80x128xi32, #tpu.memory_space<hbm>> -> memref<1x80x128xi32, #tpu.memory_space<hbm>>
      %dma_wait3A_49 = tpu.memref_squeeze %dma_wait3A_48 : memref<1x80x128xi32, #tpu.memory_space<hbm>> -> memref<80x128xi32, #tpu.memory_space<hbm>>
      tpu.wait_dma2 semaphore(%run_scoped3A : memref<!tpu.dma_semaphore, #tpu.memory_space<semaphore_mem>>) src(%dma_wait3A_49 : memref<80x128xi32, #tpu.memory_space<hbm>>) dst(%arg7 : memref<80x128xi32, #tpu.memory_space<vmem>>)
      tpu.yield
    }) : () -> ()
    %mul3A = arith.constant 2 : i32
    %mul3A_0 = arith.muli %arg0, %mul3A : i32
    %add3A = arith.constant 0 : i32
    %add3A_1 = arith.addi %mul3A_0, %add3A : i32
    %mul3A_2 = arith.constant 640 : i32
    %mul3A_3 = arith.muli %arg1, %mul3A_2 : i32
    %mul3A_4 = arith.constant 640 : i32
    %mul3A_5 = arith.muli %arg1, %mul3A_4 : i32
    "tpu.region"() ({
      %run_scoped3A = tpu.sem_alloc : memref<!tpu.dma_semaphore, #tpu.memory_space<semaphore_mem>>
      %dma_start3A = arith.constant 0 : i32
      %dma_start3A_36 = tpu.memref_slice %arg9[%mul3A_5, %dma_start3A] : memref<10240x128xf32, #tpu.memory_space<vmem_shared>> -> memref<640x128xf32, #tpu.memory_space<vmem_shared>>
      %dma_start3A_37 = arith.constant 0 : i32
      %dma_start3A_38 = arith.constant 0 : i32
      %dma_start3A_39 = tpu.memref_slice %arg2[%add3A_1, %dma_start3A_37, %dma_start3A_38] : memref<4x10240x128xf32, #tpu.memory_space<hbm>> -> memref<1x10240x128xf32, #tpu.memory_space<hbm>>
      %dma_start3A_40 = tpu.memref_squeeze %dma_start3A_39 : memref<1x10240x128xf32, #tpu.memory_space<hbm>> -> memref<10240x128xf32, #tpu.memory_space<hbm>>
      %dma_start3A_41 = arith.constant 0 : i32
      %dma_start3A_42 = tpu.memref_slice %dma_start3A_40[%mul3A_3, %dma_start3A_41] : memref<10240x128xf32, #tpu.memory_space<hbm>> -> memref<640x128xf32, #tpu.memory_space<hbm>>
      tpu.enqueue_dma source(%dma_start3A_42 : memref<640x128xf32, #tpu.memory_space<hbm>>) target(%dma_start3A_36 : memref<640x128xf32, #tpu.memory_space<vmem_shared>>) target_semaphore(%run_scoped3A : memref<!tpu.dma_semaphore, #tpu.memory_space<semaphore_mem>>)
      %dma_wait3A = arith.constant 0 : i32
      %dma_wait3A_43 = tpu.memref_slice %arg9[%mul3A_5, %dma_wait3A] : memref<10240x128xf32, #tpu.memory_space<vmem_shared>> -> memref<640x128xf32, #tpu.memory_space<vmem_shared>>
      %dma_wait3A_44 = arith.constant 0 : i32
      %dma_wait3A_45 = arith.constant 0 : i32
      %dma_wait3A_46 = tpu.memref_slice %arg2[%add3A_1, %dma_wait3A_44, %dma_wait3A_45] : memref<4x10240x128xf32, #tpu.memory_space<hbm>> -> memref<1x10240x128xf32, #tpu.memory_space<hbm>>
      %dma_wait3A_47 = tpu.memref_squeeze %dma_wait3A_46 : memref<1x10240x128xf32, #tpu.memory_space<hbm>> -> memref<10240x128xf32, #tpu.memory_space<hbm>>
      %dma_wait3A_48 = arith.constant 0 : i32
      %dma_wait3A_49 = tpu.memref_slice %dma_wait3A_47[%mul3A_3, %dma_wait3A_48] : memref<10240x128xf32, #tpu.memory_space<hbm>> -> memref<640x128xf32, #tpu.memory_space<hbm>>
      tpu.wait_dma2 semaphore(%run_scoped3A : memref<!tpu.dma_semaphore, #tpu.memory_space<semaphore_mem>>) src(%dma_wait3A_49 : memref<640x128xf32, #tpu.memory_space<hbm>>) dst(%dma_wait3A_43 : memref<640x128xf32, #tpu.memory_space<vmem_shared>>)
      tpu.yield
    }) : () -> ()
    %barrier3A = arith.constant 0 : index
    tpu.barrier barrier_id(%barrier3A)
    %scan3A = arith.constant 0 : i32
    %scan3A_6 = arith.constant 0 : i32
    %scan3A_7 = arith.constant 80 : i32
    %scan3A_8 = arith.addi %scan3A_6, %scan3A_7 : i32
    %scan3A_9 = arith.constant 1 : i32
    scf.for %scan3A_36 = %scan3A_6 to %scan3A_8 step %scan3A_9  : i32 {
      %dma_start3A = arith.constant 0 : i32
      %dma_start3A_37 = tpu.memref_slice %arg6[%scan3A_36, %dma_start3A] : memref<80x128xi32, #tpu.memory_space<vmem>> -> memref<1x128xi32, #tpu.memory_space<vmem>>
      %dma_start3A_38 = tpu.memref_squeeze %dma_start3A_37 : memref<1x128xi32, #tpu.memory_space<vmem>> -> memref<128xi32, #tpu.memory_space<vmem>>
      %dma_start3A_39 = arith.constant 0 : i32
      %dma_start3A_40 = arith.constant 0 : i32
      %dma_start3A_41 = tpu.memref_slice %arg2[%add3A_1, %dma_start3A_39, %dma_start3A_40] : memref<4x10240x128xf32, #tpu.memory_space<hbm>> -> memref<1x10240x128xf32, #tpu.memory_space<hbm>>
      %dma_start3A_42 = tpu.memref_squeeze %dma_start3A_41 : memref<1x10240x128xf32, #tpu.memory_space<hbm>> -> memref<10240x128xf32, #tpu.memory_space<hbm>>
      %dma_start3A_43 = arith.constant 0 : i32
      %dma_start3A_44 = arith.constant 0 : i32
      %dma_start3A_45 = tpu.memref_slice %dma_start3A_42[%dma_start3A_43, %dma_start3A_44] : memref<10240x128xf32, #tpu.memory_space<hbm>> -> memref<10240x128xf32, #tpu.memory_space<hbm>>
      tpu.enqueue_indirect_dma source(%dma_start3A_45 : memref<10240x128xf32, #tpu.memory_space<hbm>>) target(%arg8 : memref<128x128xf32, #tpu.memory_space<vmem>>) offsets(%dma_start3A_38 : memref<128xi32, #tpu.memory_space<vmem>>) semaphore(%arg10 : memref<!tpu.dma_semaphore, #tpu.memory_space<semaphore_mem>>)
      %dma_wait3A = arith.constant 0 : i32
      %dma_wait3A_46 = tpu.memref_slice %arg6[%scan3A_36, %dma_wait3A] : memref<80x128xi32, #tpu.memory_space<vmem>> -> memref<1x128xi32, #tpu.memory_space<vmem>>
      %dma_wait3A_47 = tpu.memref_squeeze %dma_wait3A_46 : memref<1x128xi32, #tpu.memory_space<vmem>> -> memref<128xi32, #tpu.memory_space<vmem>>
      %dma_wait3A_48 = arith.constant 0 : i32
      %dma_wait3A_49 = arith.constant 0 : i32
      %dma_wait3A_50 = tpu.memref_slice %arg2[%add3A_1, %dma_wait3A_48, %dma_wait3A_49] : memref<4x10240x128xf32, #tpu.memory_space<hbm>> -> memref<1x10240x128xf32, #tpu.memory_space<hbm>>
      %dma_wait3A_51 = tpu.memref_squeeze %dma_wait3A_50 : memref<1x10240x128xf32, #tpu.memory_space<hbm>> -> memref<10240x128xf32, #tpu.memory_space<hbm>>
      %dma_wait3A_52 = arith.constant 0 : i32
      %dma_wait3A_53 = arith.constant 0 : i32
      %dma_wait3A_54 = tpu.memref_slice %dma_wait3A_51[%dma_wait3A_52, %dma_wait3A_53] : memref<10240x128xf32, #tpu.memory_space<hbm>> -> memref<10240x128xf32, #tpu.memory_space<hbm>>
      tpu.wait_indirect_dma semaphore(%arg10 : memref<!tpu.dma_semaphore, #tpu.memory_space<semaphore_mem>>) src(%dma_wait3A_54 : memref<10240x128xf32, #tpu.memory_space<hbm>>) dst(%arg8 : memref<128x128xf32, #tpu.memory_space<vmem>>)
      "tpu.region"() ({
        %run_scoped3A = tpu.sem_alloc : memref<!tpu.dma_semaphore, #tpu.memory_space<semaphore_mem>>
        %dma_start3A_55 = arith.constant 0 : i32
        %dma_start3A_56 = tpu.memref_slice %arg7[%scan3A_36, %dma_start3A_55] : memref<80x128xi32, #tpu.memory_space<vmem>> -> memref<1x128xi32, #tpu.memory_space<vmem>>
        %dma_start3A_57 = tpu.memref_squeeze %dma_start3A_56 : memref<1x128xi32, #tpu.memory_space<vmem>> -> memref<128xi32, #tpu.memory_space<vmem>>
        %dma_start3A_58 = arith.constant 0 : i32
        %dma_start3A_59 = arith.constant 0 : i32
        %dma_start3A_60 = tpu.memref_slice %arg9[%dma_start3A_58, %dma_start3A_59] : memref<10240x128xf32, #tpu.memory_space<vmem_shared>> -> memref<10240x128xf32, #tpu.memory_space<vmem_shared>>
        tpu.enqueue_indirect_dma source(%arg8 : memref<128x128xf32, #tpu.memory_space<vmem>>) target(%dma_start3A_60 : memref<10240x128xf32, #tpu.memory_space<vmem_shared>>) offsets(%dma_start3A_57 : memref<128xi32, #tpu.memory_space<vmem>>) semaphore(%run_scoped3A : memref<!tpu.dma_semaphore, #tpu.memory_space<semaphore_mem>>) {add = true}
        %dma_wait3A_61 = arith.constant 0 : i32
        %dma_wait3A_62 = tpu.memref_slice %arg7[%scan3A_36, %dma_wait3A_61] : memref<80x128xi32, #tpu.memory_space<vmem>> -> memref<1x128xi32, #tpu.memory_space<vmem>>
        %dma_wait3A_63 = tpu.memref_squeeze %dma_wait3A_62 : memref<1x128xi32, #tpu.memory_space<vmem>> -> memref<128xi32, #tpu.memory_space<vmem>>
        %dma_wait3A_64 = arith.constant 0 : i32
        %dma_wait3A_65 = arith.constant 0 : i32
        %dma_wait3A_66 = tpu.memref_slice %arg9[%dma_wait3A_64, %dma_wait3A_65] : memref<10240x128xf32, #tpu.memory_space<vmem_shared>> -> memref<10240x128xf32, #tpu.memory_space<vmem_shared>>
        tpu.wait_indirect_dma semaphore(%run_scoped3A : memref<!tpu.dma_semaphore, #tpu.memory_space<semaphore_mem>>) src(%arg8 : memref<128x128xf32, #tpu.memory_space<vmem>>) dst(%dma_wait3A_66 : memref<10240x128xf32, #tpu.memory_space<vmem_shared>>)
        tpu.yield
      }) : () -> ()
    }
    %scan3A_10 = arith.constant 80 : i32
    %barrier3A_11 = arith.constant 0 : index
    tpu.barrier barrier_id(%barrier3A_11)
    %mul3A_12 = arith.constant 640 : i32
    %mul3A_13 = arith.muli %arg1, %mul3A_12 : i32
    %mul3A_14 = arith.constant 640 : i32
    %mul3A_15 = arith.muli %arg1, %mul3A_14 : i32
    "tpu.region"() ({
      %run_scoped3A = tpu.sem_alloc : memref<!tpu.dma_semaphore, #tpu.memory_space<semaphore_mem>>
      %dma_start3A = arith.constant 0 : i32
      %dma_start3A_36 = arith.constant 0 : i32
      %dma_start3A_37 = tpu.memref_slice %arg5[%add3A_1, %dma_start3A, %dma_start3A_36] : memref<4x10240x128xf32, #tpu.memory_space<hbm>> -> memref<1x10240x128xf32, #tpu.memory_space<hbm>>
      %dma_start3A_38 = tpu.memref_squeeze %dma_start3A_37 : memref<1x10240x128xf32, #tpu.memory_space<hbm>> -> memref<10240x128xf32, #tpu.memory_space<hbm>>
      %dma_start3A_39 = arith.constant 0 : i32
      %dma_start3A_40 = tpu.memref_slice %dma_start3A_38[%mul3A_15, %dma_start3A_39] : memref<10240x128xf32, #tpu.memory_space<hbm>> -> memref<640x128xf32, #tpu.memory_space<hbm>>
      %dma_start3A_41 = arith.constant 0 : i32
      %dma_start3A_42 = tpu.memref_slice %arg9[%mul3A_13, %dma_start3A_41] : memref<10240x128xf32, #tpu.memory_space<vmem_shared>> -> memref<640x128xf32, #tpu.memory_space<vmem_shared>>
      tpu.enqueue_dma source(%dma_start3A_42 : memref<640x128xf32, #tpu.memory_space<vmem_shared>>) target(%dma_start3A_40 : memref<640x128xf32, #tpu.memory_space<hbm>>) target_semaphore(%run_scoped3A : memref<!tpu.dma_semaphore, #tpu.memory_space<semaphore_mem>>)
      %dma_wait3A = arith.constant 0 : i32
      %dma_wait3A_43 = arith.constant 0 : i32
      %dma_wait3A_44 = tpu.memref_slice %arg5[%add3A_1, %dma_wait3A, %dma_wait3A_43] : memref<4x10240x128xf32, #tpu.memory_space<hbm>> -> memref<1x10240x128xf32, #tpu.memory_space<hbm>>
      %dma_wait3A_45 = tpu.memref_squeeze %dma_wait3A_44 : memref<1x10240x128xf32, #tpu.memory_space<hbm>> -> memref<10240x128xf32, #tpu.memory_space<hbm>>
      %dma_wait3A_46 = arith.constant 0 : i32
      %dma_wait3A_47 = tpu.memref_slice %dma_wait3A_45[%mul3A_15, %dma_wait3A_46] : memref<10240x128xf32, #tpu.memory_space<hbm>> -> memref<640x128xf32, #tpu.memory_space<hbm>>
      %dma_wait3A_48 = arith.constant 0 : i32
      %dma_wait3A_49 = tpu.memref_slice %arg9[%mul3A_13, %dma_wait3A_48] : memref<10240x128xf32, #tpu.memory_space<vmem_shared>> -> memref<640x128xf32, #tpu.memory_space<vmem_shared>>
      tpu.wait_dma2 semaphore(%run_scoped3A : memref<!tpu.dma_semaphore, #tpu.memory_space<semaphore_mem>>) src(%dma_wait3A_49 : memref<640x128xf32, #tpu.memory_space<vmem_shared>>) dst(%dma_wait3A_47 : memref<640x128xf32, #tpu.memory_space<hbm>>)
      tpu.yield
    }) : () -> ()
    %mul3A_16 = arith.constant 2 : i32
    %mul3A_17 = arith.muli %arg0, %mul3A_16 : i32
    %add3A_18 = arith.constant 1 : i32
    %add3A_19 = arith.addi %mul3A_17, %add3A_18 : i32
    %mul3A_20 = arith.constant 640 : i32
    %mul3A_21 = arith.muli %arg1, %mul3A_20 : i32
    %mul3A_22 = arith.constant 640 : i32
    %mul3A_23 = arith.muli %arg1, %mul3A_22 : i32
    "tpu.region"() ({
      %run_scoped3A = tpu.sem_alloc : memref<!tpu.dma_semaphore, #tpu.memory_space<semaphore_mem>>
      %dma_start3A = arith.constant 0 : i32
      %dma_start3A_36 = tpu.memref_slice %arg9[%mul3A_23, %dma_start3A] : memref<10240x128xf32, #tpu.memory_space<vmem_shared>> -> memref<640x128xf32, #tpu.memory_space<vmem_shared>>
      %dma_start3A_37 = arith.constant 0 : i32
      %dma_start3A_38 = arith.constant 0 : i32
      %dma_start3A_39 = tpu.memref_slice %arg2[%add3A_19, %dma_start3A_37, %dma_start3A_38] : memref<4x10240x128xf32, #tpu.memory_space<hbm>> -> memref<1x10240x128xf32, #tpu.memory_space<hbm>>
      %dma_start3A_40 = tpu.memref_squeeze %dma_start3A_39 : memref<1x10240x128xf32, #tpu.memory_space<hbm>> -> memref<10240x128xf32, #tpu.memory_space<hbm>>
      %dma_start3A_41 = arith.constant 0 : i32
      %dma_start3A_42 = tpu.memref_slice %dma_start3A_40[%mul3A_21, %dma_start3A_41] : memref<10240x128xf32, #tpu.memory_space<hbm>> -> memref<640x128xf32, #tpu.memory_space<hbm>>
      tpu.enqueue_dma source(%dma_start3A_42 : memref<640x128xf32, #tpu.memory_space<hbm>>) target(%dma_start3A_36 : memref<640x128xf32, #tpu.memory_space<vmem_shared>>) target_semaphore(%run_scoped3A : memref<!tpu.dma_semaphore, #tpu.memory_space<semaphore_mem>>)
      %dma_wait3A = arith.constant 0 : i32
      %dma_wait3A_43 = tpu.memref_slice %arg9[%mul3A_23, %dma_wait3A] : memref<10240x128xf32, #tpu.memory_space<vmem_shared>> -> memref<640x128xf32, #tpu.memory_space<vmem_shared>>
      %dma_wait3A_44 = arith.constant 0 : i32
      %dma_wait3A_45 = arith.constant 0 : i32
      %dma_wait3A_46 = tpu.memref_slice %arg2[%add3A_19, %dma_wait3A_44, %dma_wait3A_45] : memref<4x10240x128xf32, #tpu.memory_space<hbm>> -> memref<1x10240x128xf32, #tpu.memory_space<hbm>>
      %dma_wait3A_47 = tpu.memref_squeeze %dma_wait3A_46 : memref<1x10240x128xf32, #tpu.memory_space<hbm>> -> memref<10240x128xf32, #tpu.memory_space<hbm>>
      %dma_wait3A_48 = arith.constant 0 : i32
      %dma_wait3A_49 = tpu.memref_slice %dma_wait3A_47[%mul3A_21, %dma_wait3A_48] : memref<10240x128xf32, #tpu.memory_space<hbm>> -> memref<640x128xf32, #tpu.memory_space<hbm>>
      tpu.wait_dma2 semaphore(%run_scoped3A : memref<!tpu.dma_semaphore, #tpu.memory_space<semaphore_mem>>) src(%dma_wait3A_49 : memref<640x128xf32, #tpu.memory_space<hbm>>) dst(%dma_wait3A_43 : memref<640x128xf32, #tpu.memory_space<vmem_shared>>)
      tpu.yield
    }) : () -> ()
    %barrier3A_24 = arith.constant 0 : index
    tpu.barrier barrier_id(%barrier3A_24)
    %scan3A_25 = arith.constant 0 : i32
    %scan3A_26 = arith.constant 0 : i32
    %scan3A_27 = arith.constant 80 : i32
    %scan3A_28 = arith.addi %scan3A_26, %scan3A_27 : i32
    %scan3A_29 = arith.constant 1 : i32
    scf.for %scan3A_36 = %scan3A_26 to %scan3A_28 step %scan3A_29  : i32 {
      %dma_start3A = arith.constant 0 : i32
      %dma_start3A_37 = tpu.memref_slice %arg6[%scan3A_36, %dma_start3A] : memref<80x128xi32, #tpu.memory_space<vmem>> -> memref<1x128xi32, #tpu.memory_space<vmem>>
      %dma_start3A_38 = tpu.memref_squeeze %dma_start3A_37 : memref<1x128xi32, #tpu.memory_space<vmem>> -> memref<128xi32, #tpu.memory_space<vmem>>
      %dma_start3A_39 = arith.constant 0 : i32
      %dma_start3A_40 = arith.constant 0 : i32
      %dma_start3A_41 = tpu.memref_slice %arg2[%add3A_19, %dma_start3A_39, %dma_start3A_40] : memref<4x10240x128xf32, #tpu.memory_space<hbm>> -> memref<1x10240x128xf32, #tpu.memory_space<hbm>>
      %dma_start3A_42 = tpu.memref_squeeze %dma_start3A_41 : memref<1x10240x128xf32, #tpu.memory_space<hbm>> -> memref<10240x128xf32, #tpu.memory_space<hbm>>
      %dma_start3A_43 = arith.constant 0 : i32
      %dma_start3A_44 = arith.constant 0 : i32
      %dma_start3A_45 = tpu.memref_slice %dma_start3A_42[%dma_start3A_43, %dma_start3A_44] : memref<10240x128xf32, #tpu.memory_space<hbm>> -> memref<10240x128xf32, #tpu.memory_space<hbm>>
      tpu.enqueue_indirect_dma source(%dma_start3A_45 : memref<10240x128xf32, #tpu.memory_space<hbm>>) target(%arg8 : memref<128x128xf32, #tpu.memory_space<vmem>>) offsets(%dma_start3A_38 : memref<128xi32, #tpu.memory_space<vmem>>) semaphore(%arg10 : memref<!tpu.dma_semaphore, #tpu.memory_space<semaphore_mem>>)
      %dma_wait3A = arith.constant 0 : i32
      %dma_wait3A_46 = tpu.memref_slice %arg6[%scan3A_36, %dma_wait3A] : memref<80x128xi32, #tpu.memory_space<vmem>> -> memref<1x128xi32, #tpu.memory_space<vmem>>
      %dma_wait3A_47 = tpu.memref_squeeze %dma_wait3A_46 : memref<1x128xi32, #tpu.memory_space<vmem>> -> memref<128xi32, #tpu.memory_space<vmem>>
      %dma_wait3A_48 = arith.constant 0 : i32
      %dma_wait3A_49 = arith.constant 0 : i32
      %dma_wait3A_50 = tpu.memref_slice %arg2[%add3A_19, %dma_wait3A_48, %dma_wait3A_49] : memref<4x10240x128xf32, #tpu.memory_space<hbm>> -> memref<1x10240x128xf32, #tpu.memory_space<hbm>>
      %dma_wait3A_51 = tpu.memref_squeeze %dma_wait3A_50 : memref<1x10240x128xf32, #tpu.memory_space<hbm>> -> memref<10240x128xf32, #tpu.memory_space<hbm>>
      %dma_wait3A_52 = arith.constant 0 : i32
      %dma_wait3A_53 = arith.constant 0 : i32
      %dma_wait3A_54 = tpu.memref_slice %dma_wait3A_51[%dma_wait3A_52, %dma_wait3A_53] : memref<10240x128xf32, #tpu.memory_space<hbm>> -> memref<10240x128xf32, #tpu.memory_space<hbm>>
      tpu.wait_indirect_dma semaphore(%arg10 : memref<!tpu.dma_semaphore, #tpu.memory_space<semaphore_mem>>) src(%dma_wait3A_54 : memref<10240x128xf32, #tpu.memory_space<hbm>>) dst(%arg8 : memref<128x128xf32, #tpu.memory_space<vmem>>)
      "tpu.region"() ({
        %run_scoped3A = tpu.sem_alloc : memref<!tpu.dma_semaphore, #tpu.memory_space<semaphore_mem>>
        %dma_start3A_55 = arith.constant 0 : i32
        %dma_start3A_56 = tpu.memref_slice %arg7[%scan3A_36, %dma_start3A_55] : memref<80x128xi32, #tpu.memory_space<vmem>> -> memref<1x128xi32, #tpu.memory_space<vmem>>
        %dma_start3A_57 = tpu.memref_squeeze %dma_start3A_56 : memref<1x128xi32, #tpu.memory_space<vmem>> -> memref<128xi32, #tpu.memory_space<vmem>>
        %dma_start3A_58 = arith.constant 0 : i32
        %dma_start3A_59 = arith.constant 0 : i32
        %dma_start3A_60 = tpu.memref_slice %arg9[%dma_start3A_58, %dma_start3A_59] : memref<10240x128xf32, #tpu.memory_space<vmem_shared>> -> memref<10240x128xf32, #tpu.memory_space<vmem_shared>>
        tpu.enqueue_indirect_dma source(%arg8 : memref<128x128xf32, #tpu.memory_space<vmem>>) target(%dma_start3A_60 : memref<10240x128xf32, #tpu.memory_space<vmem_shared>>) offsets(%dma_start3A_57 : memref<128xi32, #tpu.memory_space<vmem>>) semaphore(%run_scoped3A : memref<!tpu.dma_semaphore, #tpu.memory_space<semaphore_mem>>) {add = true}
        %dma_wait3A_61 = arith.constant 0 : i32
        %dma_wait3A_62 = tpu.memref_slice %arg7[%scan3A_36, %dma_wait3A_61] : memref<80x128xi32, #tpu.memory_space<vmem>> -> memref<1x128xi32, #tpu.memory_space<vmem>>
        %dma_wait3A_63 = tpu.memref_squeeze %dma_wait3A_62 : memref<1x128xi32, #tpu.memory_space<vmem>> -> memref<128xi32, #tpu.memory_space<vmem>>
        %dma_wait3A_64 = arith.constant 0 : i32
        %dma_wait3A_65 = arith.constant 0 : i32
        %dma_wait3A_66 = tpu.memref_slice %arg9[%dma_wait3A_64, %dma_wait3A_65] : memref<10240x128xf32, #tpu.memory_space<vmem_shared>> -> memref<10240x128xf32, #tpu.memory_space<vmem_shared>>
        tpu.wait_indirect_dma semaphore(%run_scoped3A : memref<!tpu.dma_semaphore, #tpu.memory_space<semaphore_mem>>) src(%arg8 : memref<128x128xf32, #tpu.memory_space<vmem>>) dst(%dma_wait3A_66 : memref<10240x128xf32, #tpu.memory_space<vmem_shared>>)
        tpu.yield
      }) : () -> ()
    }
    %scan3A_30 = arith.constant 80 : i32
    %barrier3A_31 = arith.constant 0 : index
    tpu.barrier barrier_id(%barrier3A_31)
    %mul3A_32 = arith.constant 640 : i32
    %mul3A_33 = arith.muli %arg1, %mul3A_32 : i32
    %mul3A_34 = arith.constant 640 : i32
    %mul3A_35 = arith.muli %arg1, %mul3A_34 : i32
    "tpu.region"() ({
      %run_scoped3A = tpu.sem_alloc : memref<!tpu.dma_semaphore, #tpu.memory_space<semaphore_mem>>
      %dma_start3A = arith.constant 0 : i32
      %dma_start3A_36 = arith.constant 0 : i32
      %dma_start3A_37 = tpu.memref_slice %arg5[%add3A_19, %dma_start3A, %dma_start3A_36] : memref<4x10240x128xf32, #tpu.memory_space<hbm>> -> memref<1x10240x128xf32, #tpu.memory_space<hbm>>
      %dma_start3A_38 = tpu.memref_squeeze %dma_start3A_37 : memref<1x10240x128xf32, #tpu.memory_space<hbm>> -> memref<10240x128xf32, #tpu.memory_space<hbm>>
      %dma_start3A_39 = arith.constant 0 : i32
      %dma_start3A_40 = tpu.memref_slice %dma_start3A_38[%mul3A_35, %dma_start3A_39] : memref<10240x128xf32, #tpu.memory_space<hbm>> -> memref<640x128xf32, #tpu.memory_space<hbm>>
      %dma_start3A_41 = arith.constant 0 : i32
      %dma_start3A_42 = tpu.memref_slice %arg9[%mul3A_33, %dma_start3A_41] : memref<10240x128xf32, #tpu.memory_space<vmem_shared>> -> memref<640x128xf32, #tpu.memory_space<vmem_shared>>
      tpu.enqueue_dma source(%dma_start3A_42 : memref<640x128xf32, #tpu.memory_space<vmem_shared>>) target(%dma_start3A_40 : memref<640x128xf32, #tpu.memory_space<hbm>>) target_semaphore(%run_scoped3A : memref<!tpu.dma_semaphore, #tpu.memory_space<semaphore_mem>>)
      %dma_wait3A = arith.constant 0 : i32
      %dma_wait3A_43 = arith.constant 0 : i32
      %dma_wait3A_44 = tpu.memref_slice %arg5[%add3A_19, %dma_wait3A, %dma_wait3A_43] : memref<4x10240x128xf32, #tpu.memory_space<hbm>> -> memref<1x10240x128xf32, #tpu.memory_space<hbm>>
      %dma_wait3A_45 = tpu.memref_squeeze %dma_wait3A_44 : memref<1x10240x128xf32, #tpu.memory_space<hbm>> -> memref<10240x128xf32, #tpu.memory_space<hbm>>
      %dma_wait3A_46 = arith.constant 0 : i32
      %dma_wait3A_47 = tpu.memref_slice %dma_wait3A_45[%mul3A_35, %dma_wait3A_46] : memref<10240x128xf32, #tpu.memory_space<hbm>> -> memref<640x128xf32, #tpu.memory_space<hbm>>
      %dma_wait3A_48 = arith.constant 0 : i32
      %dma_wait3A_49 = tpu.memref_slice %arg9[%mul3A_33, %dma_wait3A_48] : memref<10240x128xf32, #tpu.memory_space<vmem_shared>> -> memref<640x128xf32, #tpu.memory_space<vmem_shared>>
      tpu.wait_dma2 semaphore(%run_scoped3A : memref<!tpu.dma_semaphore, #tpu.memory_space<semaphore_mem>>) src(%dma_wait3A_49 : memref<640x128xf32, #tpu.memory_space<vmem_shared>>) dst(%dma_wait3A_47 : memref<640x128xf32, #tpu.memory_space<hbm>>)
      tpu.yield
    }) : () -> ()
    return
  }
}

module attributes {stable_mosaic.version = 14 : i64} {
  func.func @_dis_body(%arg0: i32, %arg1: memref<2x1024x16xf32, #tpu.memory_space<vmem>>, %arg2: memref<1024x1xf32, #tpu.memory_space<vmem>>) attributes {dimension_semantics = [#tpu.dimension_semantics<arbitrary>], iteration_bounds = array<i64: 10>, scalar_prefetch = 0 : i64, scratch_operands = 0 : i64, tpu.core_type = #tpu.core_type<tc>, window_params = [{transform_indices = @transform_0, window_bounds = array<i64: 2, 1024, 16>}, {transform_indices = @transform_1, window_bounds = array<i64: 1024, 1>}]} {
    %get3A = arith.constant 0 : index
    %get3A_0 = arith.constant 0 : index
    %get3A_1 = arith.constant 0 : index
    %get3A_2 = vector.load %arg1[%get3A, %get3A_0, %get3A_1] : memref<2x1024x16xf32, #tpu.memory_space<vmem>>, vector<1x1024x1xf32>
    %get3A_3 = vector.shape_cast %get3A_2 : vector<1x1024x1xf32> to vector<1024x1xf32>
    %get3A_4 = arith.constant 1 : index
    %get3A_5 = arith.constant 0 : index
    %get3A_6 = arith.constant 0 : index
    %get3A_7 = vector.load %arg1[%get3A_4, %get3A_5, %get3A_6] : memref<2x1024x16xf32, #tpu.memory_space<vmem>>, vector<1x1024x1xf32>
    %get3A_8 = vector.shape_cast %get3A_7 : vector<1x1024x1xf32> to vector<1024x1xf32>
    %add3A = arith.addf %get3A_3, %get3A_8 : vector<1024x1xf32>
    %add3A_9 = arith.constant 1.000000e+00 : f32
    %add3A_10 = vector.broadcast %add3A_9 : f32 to vector<1024x1xf32>
    %add3A_11 = arith.addf %add3A_10, %add3A : vector<1024x1xf32>
    %rsqrt3A = math.rsqrt %add3A_11 : vector<1024x1xf32>
    %swap3A = arith.constant 0 : index
    %swap3A_12 = arith.constant 0 : index
    %swap3A_13 = vector.load %arg2[%swap3A, %swap3A_12] : memref<1024x1xf32, #tpu.memory_space<vmem>>, vector<1024x1xf32>
    tpu.vector_store %arg2[%swap3A, %swap3A_12], %rsqrt3A {strides = array<i32>} : memref<1024x1xf32, #tpu.memory_space<vmem>>, vector<1024x1xf32>,
    return
  }
  func.func @transform_0(%arg0: i32) -> (i32, i32, i32) {
    %c0_i32 = arith.constant 0 : i32
    %c0_i32_0 = arith.constant 0 : i32
    %c0_i32_1 = arith.constant 0 : i32
    return %c0_i32, %arg0, %c0_i32_0 : i32, i32, i32
  }
  func.func @transform_1(%arg0: i32) -> (i32, i32) {
    %c0_i32 = arith.constant 0 : i32
    %c0_i32_0 = arith.constant 0 : i32
    return %arg0, %c0_i32 : i32, i32
  }
}

module attributes {stable_mosaic.version = 14 : i64} {
  func.func @_mm1_body(%arg0: i32, %arg1: i32, %arg2: memref<1x1024x128xf32, #tpu.memory_space<vmem>>, %arg3: memref<1x1024x128xf32, #tpu.memory_space<vmem>>, %arg4: memref<128x64xf32, #tpu.memory_space<vmem>>, %arg5: memref<1024x1xf32, #tpu.memory_space<vmem>>, %arg6: memref<1x1024x128xf32, #tpu.memory_space<vmem>>) attributes {dimension_semantics = [#tpu.dimension_semantics<arbitrary>, #tpu.dimension_semantics<arbitrary>], iteration_bounds = array<i64: 4, 10>, scalar_prefetch = 0 : i64, scratch_operands = 0 : i64, tpu.core_type = #tpu.core_type<tc>, window_params = [{transform_indices = @transform_0, window_bounds = array<i64: 1, 1024, 128>}, {transform_indices = @transform_1, window_bounds = array<i64: 1, 1024, 128>}, {pipeline_mode = #tpu.pipeline_mode<synchronous>, transform_indices = @transform_2, window_bounds = array<i64: 128, 64>}, {transform_indices = @transform_3, window_bounds = array<i64: 1024, 1>}, {transform_indices = @transform_4, window_bounds = array<i64: 1, 1024, 128>}]} {
    %get3A = arith.constant 0 : index
    %get3A_0 = arith.constant 0 : index
    %get3A_1 = arith.constant 0 : index
    %get3A_2 = vector.load %arg2[%get3A, %get3A_0, %get3A_1] : memref<1x1024x128xf32, #tpu.memory_space<vmem>>, vector<1x1024x128xf32>
    %get3A_3 = vector.shape_cast %get3A_2 : vector<1x1024x128xf32> to vector<1024x128xf32>
    %get3A_4 = arith.constant 0 : index
    %get3A_5 = arith.constant 0 : index
    %get3A_6 = vector.load %arg4[%get3A_4, %get3A_5] : memref<128x64xf32, #tpu.memory_space<vmem>>, vector<128x64xf32>
    %dot_general3A = arith.constant dense<0.000000e+00> : vector<1024x64xf32>
    %dot_general3A_7 = tpu.matmul %get3A_3, %get3A_6, %dot_general3A {dimension_numbers = #tpu.dot_dimension_numbers<[1], [0], [0], [1], [0, 0, 1, 1], [], []>, transpose_lhs_hint = false} : vector<1024x128xf32>, vector<128x64xf32>, vector<1024x64xf32> -> vector<1024x64xf32>
    %get3A_8 = arith.constant 0 : index
    %get3A_9 = arith.constant 0 : index
    %get3A_10 = arith.constant 0 : index
    %get3A_11 = vector.load %arg3[%get3A_8, %get3A_9, %get3A_10] : memref<1x1024x128xf32, #tpu.memory_space<vmem>>, vector<1x1024x128xf32>
    %get3A_12 = vector.shape_cast %get3A_11 : vector<1x1024x128xf32> to vector<1024x128xf32>
    %get3A_13 = arith.constant 0 : index
    %get3A_14 = arith.constant 0 : index
    %get3A_15 = vector.load %arg4[%get3A_13, %get3A_14] : memref<128x64xf32, #tpu.memory_space<vmem>>, vector<128x64xf32>
    %dot_general3A_16 = arith.constant dense<0.000000e+00> : vector<1024x64xf32>
    %dot_general3A_17 = tpu.matmul %get3A_12, %get3A_15, %dot_general3A_16 {dimension_numbers = #tpu.dot_dimension_numbers<[1], [0], [0], [1], [0, 0, 1, 1], [], []>, transpose_lhs_hint = false} : vector<1024x128xf32>, vector<128x64xf32>, vector<1024x64xf32> -> vector<1024x64xf32>
    %get3A_18 = arith.constant 0 : index
    %get3A_19 = arith.constant 0 : index
    %get3A_20 = vector.load %arg5[%get3A_18, %get3A_19] : memref<1024x1xf32, #tpu.memory_space<vmem>>, vector<1024x1xf32>
    %concatenate3A = tpu.concatenate %dot_general3A_7, %dot_general3A_17 in 1 : vector<1024x64xf32>, vector<1024x64xf32> -> vector<1024x128xf32>
    %mul3A = vector.broadcast %get3A_20 : vector<1024x1xf32> to vector<1024x128xf32>
    %mul3A_21 = arith.mulf %mul3A, %concatenate3A : vector<1024x128xf32>
    %swap3A = arith.constant 0 : index
    %swap3A_22 = arith.constant 0 : index
    %swap3A_23 = arith.constant 0 : index
    %swap3A_24 = vector.load %arg6[%swap3A, %swap3A_22, %swap3A_23] : memref<1x1024x128xf32, #tpu.memory_space<vmem>>, vector<1x1024x128xf32>
    %swap3A_25 = vector.shape_cast %swap3A_24 : vector<1x1024x128xf32> to vector<1024x128xf32>
    %swap3A_26 = vector.shape_cast %mul3A_21 : vector<1024x128xf32> to vector<1x1024x128xf32>
    tpu.vector_store %arg6[%swap3A, %swap3A_22, %swap3A_23], %swap3A_26 {strides = array<i32>} : memref<1x1024x128xf32, #tpu.memory_space<vmem>>, vector<1x1024x128xf32>,
    return
  }
  func.func @transform_0(%arg0: i32, %arg1: i32) -> (i32, i32, i32) {
    %mul3A = arith.constant 2 : i32
    %mul3A_0 = arith.muli %mul3A, %arg0 : i32
    %c0_i32 = arith.constant 0 : i32
    %c0_i32_1 = arith.constant 0 : i32
    return %mul3A_0, %arg1, %c0_i32 : i32, i32, i32
  }
  func.func @transform_1(%arg0: i32, %arg1: i32) -> (i32, i32, i32) {
    %mul3A = arith.constant 2 : i32
    %mul3A_0 = arith.muli %mul3A, %arg0 : i32
    %add3A = arith.constant 1 : i32
    %add3A_1 = arith.addi %mul3A_0, %add3A : i32
    %c0_i32 = arith.constant 0 : i32
    %c0_i32_2 = arith.constant 0 : i32
    return %add3A_1, %arg1, %c0_i32 : i32, i32, i32
  }
  func.func @transform_2(%arg0: i32, %arg1: i32) -> (i32, i32) {
    %c0_i32 = arith.constant 0 : i32
    %c0_i32_0 = arith.constant 0 : i32
    %c0_i32_1 = arith.constant 0 : i32
    return %c0_i32, %c0_i32_0 : i32, i32
  }
  func.func @transform_3(%arg0: i32, %arg1: i32) -> (i32, i32) {
    %c0_i32 = arith.constant 0 : i32
    %c0_i32_0 = arith.constant 0 : i32
    return %arg1, %c0_i32 : i32, i32
  }
  func.func @transform_4(%arg0: i32, %arg1: i32) -> (i32, i32, i32) {
    %c0_i32 = arith.constant 0 : i32
    %c0_i32_0 = arith.constant 0 : i32
    return %arg0, %arg1, %c0_i32 : i32, i32, i32
  }
}

module attributes {stable_mosaic.version = 14 : i64} {
  func.func @_mid_body(%arg0: i32, %arg1: i32, %arg2: memref<1x1024x128xf32, #tpu.memory_space<vmem>>, %arg3: memref<1024x1xf32, #tpu.memory_space<vmem>>, %arg4: memref<1x128xf32, #tpu.memory_space<vmem>>, %arg5: memref<128x128xf32, #tpu.memory_space<vmem>>, %arg6: memref<1x1024x128xf32, #tpu.memory_space<vmem>>) attributes {dimension_semantics = [#tpu.dimension_semantics<arbitrary>, #tpu.dimension_semantics<arbitrary>], iteration_bounds = array<i64: 4, 10>, scalar_prefetch = 0 : i64, scratch_operands = 0 : i64, tpu.core_type = #tpu.core_type<tc>, window_params = [{transform_indices = @transform_0, window_bounds = array<i64: 1, 1024, 128>}, {transform_indices = @transform_1, window_bounds = array<i64: 1024, 1>}, {pipeline_mode = #tpu.pipeline_mode<synchronous>, transform_indices = @transform_2, window_bounds = array<i64: 1, 128>}, {pipeline_mode = #tpu.pipeline_mode<synchronous>, transform_indices = @transform_3, window_bounds = array<i64: 128, 128>}, {transform_indices = @transform_4, window_bounds = array<i64: 1, 1024, 128>}]} {
    %get3A = arith.constant 0 : index
    %get3A_0 = arith.constant 0 : index
    %get3A_1 = vector.load %arg3[%get3A, %get3A_0] : memref<1024x1xf32, #tpu.memory_space<vmem>>, vector<1024x1xf32>
    %get3A_2 = arith.constant 0 : index
    %get3A_3 = arith.constant 0 : index
    %get3A_4 = arith.constant 0 : index
    %get3A_5 = vector.load %arg2[%get3A_2, %get3A_3, %get3A_4] : memref<1x1024x128xf32, #tpu.memory_space<vmem>>, vector<1x1024x128xf32>
    %get3A_6 = vector.shape_cast %get3A_5 : vector<1x1024x128xf32> to vector<1024x128xf32>
    %mul3A = vector.broadcast %get3A_1 : vector<1024x1xf32> to vector<1024x128xf32>
    %mul3A_7 = arith.mulf %mul3A, %get3A_6 : vector<1024x128xf32>
    %get3A_8 = arith.constant 0 : index
    %get3A_9 = arith.constant 0 : index
    %get3A_10 = vector.load %arg4[%get3A_8, %get3A_9] : memref<1x128xf32, #tpu.memory_space<vmem>>, vector<1x128xf32>
    %add3A = vector.broadcast %get3A_10 : vector<1x128xf32> to vector<1024x128xf32>
    %add3A_11 = arith.addf %mul3A_7, %add3A : vector<1024x128xf32>
    %logistic3A = arith.negf %add3A_11 : vector<1024x128xf32>
    %logistic3A_12 = math.exp %logistic3A : vector<1024x128xf32>
    %logistic3A_13 = arith.constant 1.000000e+00 : f32
    %logistic3A_14 = vector.broadcast %logistic3A_13 : f32 to vector<1024x128xf32>
    %logistic3A_15 = arith.addf %logistic3A_14, %logistic3A_12 : vector<1024x128xf32>
    %logistic3A_16 = arith.divf %logistic3A_14, %logistic3A_15 : vector<1024x128xf32>
    %mul3A_17 = arith.mulf %add3A_11, %logistic3A_16 : vector<1024x128xf32>
    %get3A_18 = arith.constant 0 : index
    %get3A_19 = arith.constant 0 : index
    %get3A_20 = vector.load %arg5[%get3A_18, %get3A_19] : memref<128x128xf32, #tpu.memory_space<vmem>>, vector<128x128xf32>
    %dot_general3A = arith.constant dense<0.000000e+00> : vector<1024x128xf32>
    %dot_general3A_21 = tpu.matmul %mul3A_17, %get3A_20, %dot_general3A {dimension_numbers = #tpu.dot_dimension_numbers<[1], [0], [0], [1], [0, 0, 1, 1], [], []>, transpose_lhs_hint = false} : vector<1024x128xf32>, vector<128x128xf32>, vector<1024x128xf32> -> vector<1024x128xf32>
    %mul3A_22 = vector.broadcast %get3A_1 : vector<1024x1xf32> to vector<1024x128xf32>
    %mul3A_23 = arith.mulf %mul3A_22, %dot_general3A_21 : vector<1024x128xf32>
    %swap3A = arith.constant 0 : index
    %swap3A_24 = arith.constant 0 : index
    %swap3A_25 = arith.constant 0 : index
    %swap3A_26 = vector.load %arg6[%swap3A, %swap3A_24, %swap3A_25] : memref<1x1024x128xf32, #tpu.memory_space<vmem>>, vector<1x1024x128xf32>
    %swap3A_27 = vector.shape_cast %swap3A_26 : vector<1x1024x128xf32> to vector<1024x128xf32>
    %swap3A_28 = vector.shape_cast %mul3A_23 : vector<1024x128xf32> to vector<1x1024x128xf32>
    tpu.vector_store %arg6[%swap3A, %swap3A_24, %swap3A_25], %swap3A_28 {strides = array<i32>} : memref<1x1024x128xf32, #tpu.memory_space<vmem>>, vector<1x1024x128xf32>,
    return
  }
  func.func @transform_0(%arg0: i32, %arg1: i32) -> (i32, i32, i32) {
    %c0_i32 = arith.constant 0 : i32
    %c0_i32_0 = arith.constant 0 : i32
    return %arg0, %arg1, %c0_i32 : i32, i32, i32
  }
  func.func @transform_1(%arg0: i32, %arg1: i32) -> (i32, i32) {
    %c0_i32 = arith.constant 0 : i32
    %c0_i32_0 = arith.constant 0 : i32
    return %arg1, %c0_i32 : i32, i32
  }
  func.func @transform_2(%arg0: i32, %arg1: i32) -> (i32, i32) {
    %c0_i32 = arith.constant 0 : i32
    %c0_i32_0 = arith.constant 0 : i32
    %c0_i32_1 = arith.constant 0 : i32
    return %c0_i32, %c0_i32_0 : i32, i32
  }
  func.func @transform_3(%arg0: i32, %arg1: i32) -> (i32, i32) {
    %c0_i32 = arith.constant 0 : i32
    %c0_i32_0 = arith.constant 0 : i32
    %c0_i32_1 = arith.constant 0 : i32
    return %c0_i32, %c0_i32_0 : i32, i32
  }
  func.func @transform_4(%arg0: i32, %arg1: i32) -> (i32, i32, i32) {
    %c0_i32 = arith.constant 0 : i32
    %c0_i32_0 = arith.constant 0 : i32
    return %arg0, %arg1, %c0_i32 : i32, i32, i32
  }
}

module attributes {stable_mosaic.version = 14 : i64} {
  func.func @_pool_body(%arg0: i32, %arg1: i32, %arg2: memref<1x1024x128xf32, #tpu.memory_space<vmem>>, %arg3: memref<1024x1xf32, #tpu.memory_space<vmem>>, %arg4: memref<1x128xf32, #tpu.memory_space<vmem>>, %arg5: memref<1x1x128xf32, #tpu.memory_space<vmem>>) attributes {dimension_semantics = [#tpu.dimension_semantics<arbitrary>, #tpu.dimension_semantics<arbitrary>], iteration_bounds = array<i64: 4, 10>, scalar_prefetch = 0 : i64, scratch_operands = 0 : i64, tpu.core_type = #tpu.core_type<tc>, window_params = [{transform_indices = @transform_0, window_bounds = array<i64: 1, 1024, 128>}, {transform_indices = @transform_1, window_bounds = array<i64: 1024, 1>}, {pipeline_mode = #tpu.pipeline_mode<synchronous>, transform_indices = @transform_2, window_bounds = array<i64: 1, 128>}, {transform_indices = @transform_3, window_bounds = array<i64: 1, 1, 128>}]} {
    %get3A = arith.constant 0 : index
    %get3A_0 = arith.constant 0 : index
    %get3A_1 = vector.load %arg3[%get3A, %get3A_0] : memref<1024x1xf32, #tpu.memory_space<vmem>>, vector<1024x1xf32>
    %get3A_2 = arith.constant 0 : index
    %get3A_3 = arith.constant 0 : index
    %get3A_4 = arith.constant 0 : index
    %get3A_5 = vector.load %arg2[%get3A_2, %get3A_3, %get3A_4] : memref<1x1024x128xf32, #tpu.memory_space<vmem>>, vector<1x1024x128xf32>
    %get3A_6 = vector.shape_cast %get3A_5 : vector<1x1024x128xf32> to vector<1024x128xf32>
    %mul3A = vector.broadcast %get3A_1 : vector<1024x1xf32> to vector<1024x128xf32>
    %mul3A_7 = arith.mulf %mul3A, %get3A_6 : vector<1024x128xf32>
    %get3A_8 = arith.constant 0 : index
    %get3A_9 = arith.constant 0 : index
    %get3A_10 = vector.load %arg4[%get3A_8, %get3A_9] : memref<1x128xf32, #tpu.memory_space<vmem>>, vector<1x128xf32>
    %add3A = vector.broadcast %get3A_10 : vector<1x128xf32> to vector<1024x128xf32>
    %add3A_11 = arith.addf %mul3A_7, %add3A : vector<1024x128xf32>
    %logistic3A = arith.negf %add3A_11 : vector<1024x128xf32>
    %logistic3A_12 = math.exp %logistic3A : vector<1024x128xf32>
    %logistic3A_13 = arith.constant 1.000000e+00 : f32
    %logistic3A_14 = vector.broadcast %logistic3A_13 : f32 to vector<1024x128xf32>
    %logistic3A_15 = arith.addf %logistic3A_14, %logistic3A_12 : vector<1024x128xf32>
    %logistic3A_16 = arith.divf %logistic3A_14, %logistic3A_15 : vector<1024x128xf32>
    %mul3A_17 = arith.mulf %add3A_11, %logistic3A_16 : vector<1024x128xf32>
    %mul3A_18 = arith.constant 1024 : i32
    %mul3A_19 = arith.muli %arg1, %mul3A_18 : i32
    %iota3A = tpu.iota {dimensions = array<i32: 0>} : vector<1024x1xi32>
    %add3A_20 = vector.broadcast %mul3A_19 : i32 to vector<1024x1xi32>
    %add3A_21 = arith.addi %add3A_20, %iota3A : vector<1024x1xi32>
    %lt3A = arith.constant 10000 : i32
    %lt3A_22 = vector.broadcast %lt3A : i32 to vector<1024x1xi32>
    %lt3A_23 = arith.cmpi slt, %add3A_21, %lt3A_22 : vector<1024x1xi32>
    %jit3A = arith.constant 0.000000e+00 : f32
    %broadcast_in_dim3A = vector.shape_cast %lt3A_23 : vector<1024x1xi1> to vector<1024x1xi1>
    %broadcast_in_dim3A_24 = vector.broadcast %broadcast_in_dim3A : vector<1024x1xi1> to vector<1024x128xi1>
    %broadcast_in_dim3A_25 = vector.broadcast %jit3A : f32 to vector<1024x128xf32>
    %select_n3A = arith.select %broadcast_in_dim3A_24, %mul3A_17, %broadcast_in_dim3A_25 : vector<1024x128xi1>, vector<1024x128xf32>
    %reduce_sum3A = arith.constant dense<0.000000e+00> : vector<128xf32>
    %reduce_sum3A_26 = vector.multi_reduction <add>, %select_n3A, %reduce_sum3A [0] : vector<1024x128xf32> to vector<128xf32>
    %broadcast_in_dim3A_27 = vector.shape_cast %reduce_sum3A_26 : vector<128xf32> to vector<1x128xf32>
    %mul3A_28 = arith.constant 9.99999974E-5 : f32
    %mul3A_29 = vector.broadcast %mul3A_28 : f32 to vector<1x128xf32>
    %mul3A_30 = arith.mulf %broadcast_in_dim3A_27, %mul3A_29 : vector<1x128xf32>
    %reshape3A = vector.shape_cast %mul3A_30 : vector<1x128xf32> to vector<1x1x128xf32>
    %eq3A = arith.constant 0 : i32
    %eq3A_31 = arith.cmpi eq, %arg1, %eq3A : i32
    %convert_element_type3A = arith.extui %eq3A_31 : i1 to i32
    %cond3A = arith.constant 0 : i32
    %cond3A_32 = arith.cmpi ne, %convert_element_type3A, %cond3A : i32
    scf.if %cond3A_32 {
      %swap3A = arith.constant 0 : index
      %swap3A_37 = arith.constant 0 : index
      %swap3A_38 = arith.constant 0 : index
      %swap3A_39 = vector.load %arg5[%swap3A, %swap3A_37, %swap3A_38] : memref<1x1x128xf32, #tpu.memory_space<vmem>>, vector<1x1x128xf32>
      tpu.vector_store %arg5[%swap3A, %swap3A_37, %swap3A_38], %reshape3A {strides = array<i32>} : memref<1x1x128xf32, #tpu.memory_space<vmem>>, vector<1x1x128xf32>,
    } else {
    }
    %gt3A = arith.constant 0 : i32
    %gt3A_33 = arith.cmpi sgt, %arg1, %gt3A : i32
    %convert_element_type3A_34 = arith.extui %gt3A_33 : i1 to i32
    %cond3A_35 = arith.constant 0 : i32
    %cond3A_36 = arith.cmpi ne, %convert_element_type3A_34, %cond3A_35 : i32
    scf.if %cond3A_36 {
      %get3A_37 = arith.constant 0 : index
      %get3A_38 = arith.constant 0 : index
      %get3A_39 = arith.constant 0 : index
      %get3A_40 = vector.load %arg5[%get3A_37, %get3A_38, %get3A_39] : memref<1x1x128xf32, #tpu.memory_space<vmem>>, vector<1x1x128xf32>
      %add3A_41 = arith.addf %get3A_40, %reshape3A : vector<1x1x128xf32>
      %swap3A = arith.constant 0 : index
      %swap3A_42 = arith.constant 0 : index
      %swap3A_43 = arith.constant 0 : index
      %swap3A_44 = vector.load %arg5[%swap3A, %swap3A_42, %swap3A_43] : memref<1x1x128xf32, #tpu.memory_space<vmem>>, vector<1x1x128xf32>
      tpu.vector_store %arg5[%swap3A, %swap3A_42, %swap3A_43], %add3A_41 {strides = array<i32>} : memref<1x1x128xf32, #tpu.memory_space<vmem>>, vector<1x1x128xf32>,
    } else {
    }
    return
  }
  func.func @transform_0(%arg0: i32, %arg1: i32) -> (i32, i32, i32) {
    %c0_i32 = arith.constant 0 : i32
    %c0_i32_0 = arith.constant 0 : i32
    return %arg0, %arg1, %c0_i32 : i32, i32, i32
  }
  func.func @transform_1(%arg0: i32, %arg1: i32) -> (i32, i32) {
    %c0_i32 = arith.constant 0 : i32
    %c0_i32_0 = arith.constant 0 : i32
    return %arg1, %c0_i32 : i32, i32
  }
  func.func @transform_2(%arg0: i32, %arg1: i32) -> (i32, i32) {
    %c0_i32 = arith.constant 0 : i32
    %c0_i32_0 = arith.constant 0 : i32
    %c0_i32_1 = arith.constant 0 : i32
    return %c0_i32, %c0_i32_0 : i32, i32
  }
  func.func @transform_3(%arg0: i32, %arg1: i32) -> (i32, i32, i32) {
    %c0_i32 = arith.constant 0 : i32
    %c0_i32_0 = arith.constant 0 : i32
    %c0_i32_1 = arith.constant 0 : i32
    return %arg0, %c0_i32, %c0_i32_0 : i32, i32, i32
  }
}

module attributes {stable_mosaic.version = 14 : i64} {
  func.func @_lstm_head_body(%arg0: memref<4x2x64xf32, #tpu.memory_space<vmem>>, %arg1: memref<4x64x64xf32, #tpu.memory_space<vmem>>, %arg2: memref<4x64x64xf32, #tpu.memory_space<vmem>>, %arg3: memref<4x1x64xf32, #tpu.memory_space<vmem>>, %arg4: memref<64x128xf32, #tpu.memory_space<vmem>>, %arg5: memref<1x128xf32, #tpu.memory_space<vmem>>, %arg6: memref<128x64xf32, #tpu.memory_space<vmem>>, %arg7: memref<1x64xf32, #tpu.memory_space<vmem>>, %arg8: memref<64x8xf32, #tpu.memory_space<vmem>>, %arg9: memref<1x8xf32, #tpu.memory_space<vmem>>, %arg10: memref<2x8xf32, #tpu.memory_space<vmem>>) attributes {dimension_semantics = [], scalar_prefetch = 0 : i64, scratch_operands = 0 : i64, tpu.core_type = #tpu.core_type<tc>} {
    %broadcast_in_dim3A = arith.constant 0.000000e+00 : f32
    %broadcast_in_dim3A_0 = vector.broadcast %broadcast_in_dim3A : f32 to vector<2x64xf32>
    %broadcast_in_dim3A_1 = arith.constant 0.000000e+00 : f32
    %broadcast_in_dim3A_2 = vector.broadcast %broadcast_in_dim3A_1 : f32 to vector<2x64xf32>
    %get3A = arith.constant 0 : index
    %get3A_3 = arith.constant 0 : index
    %get3A_4 = arith.constant 0 : index
    %get3A_5 = vector.load %arg0[%get3A, %get3A_3, %get3A_4] : memref<4x2x64xf32, #tpu.memory_space<vmem>>, vector<1x2x64xf32>
    %get3A_6 = vector.shape_cast %get3A_5 : vector<1x2x64xf32> to vector<2x64xf32>
    %get3A_7 = arith.constant 0 : index
    %get3A_8 = arith.constant 0 : index
    %get3A_9 = arith.constant 0 : index
    %get3A_10 = vector.load %arg1[%get3A_7, %get3A_8, %get3A_9] : memref<4x64x64xf32, #tpu.memory_space<vmem>>, vector<1x64x64xf32>
    %get3A_11 = vector.shape_cast %get3A_10 : vector<1x64x64xf32> to vector<64x64xf32>
    %dot_general3A = arith.constant dense<0.000000e+00> : vector<2x64xf32>
    %dot_general3A_12 = tpu.matmul %get3A_6, %get3A_11, %dot_general3A {dimension_numbers = #tpu.dot_dimension_numbers<[1], [0], [0], [1], [0, 0, 1, 1], [], []>, transpose_lhs_hint = false} : vector<2x64xf32>, vector<64x64xf32>, vector<2x64xf32> -> vector<2x64xf32>
    %get3A_13 = arith.constant 0 : index
    %get3A_14 = arith.constant 0 : index
    %get3A_15 = arith.constant 0 : index
    %get3A_16 = vector.load %arg2[%get3A_13, %get3A_14, %get3A_15] : memref<4x64x64xf32, #tpu.memory_space<vmem>>, vector<1x64x64xf32>
    %get3A_17 = vector.shape_cast %get3A_16 : vector<1x64x64xf32> to vector<64x64xf32>
    %dot_general3A_18 = arith.constant dense<0.000000e+00> : vector<2x64xf32>
    %dot_general3A_19 = tpu.matmul %broadcast_in_dim3A_0, %get3A_17, %dot_general3A_18 {dimension_numbers = #tpu.dot_dimension_numbers<[1], [0], [0], [1], [0, 0, 1, 1], [], []>, transpose_lhs_hint = false} : vector<2x64xf32>, vector<64x64xf32>, vector<2x64xf32> -> vector<2x64xf32>
    %add3A = arith.addf %dot_general3A_12, %dot_general3A_19 : vector<2x64xf32>
    %get3A_20 = arith.constant 0 : index
    %get3A_21 = arith.constant 0 : index
    %get3A_22 = arith.constant 0 : index
    %get3A_23 = vector.load %arg3[%get3A_20, %get3A_21, %get3A_22] : memref<4x1x64xf32, #tpu.memory_space<vmem>>, vector<1x1x64xf32>
    %get3A_24 = vector.shape_cast %get3A_23 : vector<1x1x64xf32> to vector<1x64xf32>
    %add3A_25 = vector.broadcast %get3A_24 : vector<1x64xf32> to vector<2x64xf32>
    %add3A_26 = arith.addf %add3A, %add3A_25 : vector<2x64xf32>
    %get3A_27 = arith.constant 1 : index
    %get3A_28 = arith.constant 0 : index
    %get3A_29 = arith.constant 0 : index
    %get3A_30 = vector.load %arg1[%get3A_27, %get3A_28, %get3A_29] : memref<4x64x64xf32, #tpu.memory_space<vmem>>, vector<1x64x64xf32>
    %get3A_31 = vector.shape_cast %get3A_30 : vector<1x64x64xf32> to vector<64x64xf32>
    %dot_general3A_32 = arith.constant dense<0.000000e+00> : vector<2x64xf32>
    %dot_general3A_33 = tpu.matmul %get3A_6, %get3A_31, %dot_general3A_32 {dimension_numbers = #tpu.dot_dimension_numbers<[1], [0], [0], [1], [0, 0, 1, 1], [], []>, transpose_lhs_hint = false} : vector<2x64xf32>, vector<64x64xf32>, vector<2x64xf32> -> vector<2x64xf32>
    %get3A_34 = arith.constant 1 : index
    %get3A_35 = arith.constant 0 : index
    %get3A_36 = arith.constant 0 : index
    %get3A_37 = vector.load %arg2[%get3A_34, %get3A_35, %get3A_36] : memref<4x64x64xf32, #tpu.memory_space<vmem>>, vector<1x64x64xf32>
    %get3A_38 = vector.shape_cast %get3A_37 : vector<1x64x64xf32> to vector<64x64xf32>
    %dot_general3A_39 = arith.constant dense<0.000000e+00> : vector<2x64xf32>
    %dot_general3A_40 = tpu.matmul %broadcast_in_dim3A_0, %get3A_38, %dot_general3A_39 {dimension_numbers = #tpu.dot_dimension_numbers<[1], [0], [0], [1], [0, 0, 1, 1], [], []>, transpose_lhs_hint = false} : vector<2x64xf32>, vector<64x64xf32>, vector<2x64xf32> -> vector<2x64xf32>
    %add3A_41 = arith.addf %dot_general3A_33, %dot_general3A_40 : vector<2x64xf32>
    %get3A_42 = arith.constant 1 : index
    %get3A_43 = arith.constant 0 : index
    %get3A_44 = arith.constant 0 : index
    %get3A_45 = vector.load %arg3[%get3A_42, %get3A_43, %get3A_44] : memref<4x1x64xf32, #tpu.memory_space<vmem>>, vector<1x1x64xf32>
    %get3A_46 = vector.shape_cast %get3A_45 : vector<1x1x64xf32> to vector<1x64xf32>
    %add3A_47 = vector.broadcast %get3A_46 : vector<1x64xf32> to vector<2x64xf32>
    %add3A_48 = arith.addf %add3A_41, %add3A_47 : vector<2x64xf32>
    %get3A_49 = arith.constant 2 : index
    %get3A_50 = arith.constant 0 : index
    %get3A_51 = arith.constant 0 : index
    %get3A_52 = vector.load %arg1[%get3A_49, %get3A_50, %get3A_51] : memref<4x64x64xf32, #tpu.memory_space<vmem>>, vector<1x64x64xf32>
    %get3A_53 = vector.shape_cast %get3A_52 : vector<1x64x64xf32> to vector<64x64xf32>
    %dot_general3A_54 = arith.constant dense<0.000000e+00> : vector<2x64xf32>
    %dot_general3A_55 = tpu.matmul %get3A_6, %get3A_53, %dot_general3A_54 {dimension_numbers = #tpu.dot_dimension_numbers<[1], [0], [0], [1], [0, 0, 1, 1], [], []>, transpose_lhs_hint = false} : vector<2x64xf32>, vector<64x64xf32>, vector<2x64xf32> -> vector<2x64xf32>
    %get3A_56 = arith.constant 2 : index
    %get3A_57 = arith.constant 0 : index
    %get3A_58 = arith.constant 0 : index
    %get3A_59 = vector.load %arg2[%get3A_56, %get3A_57, %get3A_58] : memref<4x64x64xf32, #tpu.memory_space<vmem>>, vector<1x64x64xf32>
    %get3A_60 = vector.shape_cast %get3A_59 : vector<1x64x64xf32> to vector<64x64xf32>
    %dot_general3A_61 = arith.constant dense<0.000000e+00> : vector<2x64xf32>
    %dot_general3A_62 = tpu.matmul %broadcast_in_dim3A_0, %get3A_60, %dot_general3A_61 {dimension_numbers = #tpu.dot_dimension_numbers<[1], [0], [0], [1], [0, 0, 1, 1], [], []>, transpose_lhs_hint = false} : vector<2x64xf32>, vector<64x64xf32>, vector<2x64xf32> -> vector<2x64xf32>
    %add3A_63 = arith.addf %dot_general3A_55, %dot_general3A_62 : vector<2x64xf32>
    %get3A_64 = arith.constant 2 : index
    %get3A_65 = arith.constant 0 : index
    %get3A_66 = arith.constant 0 : index
    %get3A_67 = vector.load %arg3[%get3A_64, %get3A_65, %get3A_66] : memref<4x1x64xf32, #tpu.memory_space<vmem>>, vector<1x1x64xf32>
    %get3A_68 = vector.shape_cast %get3A_67 : vector<1x1x64xf32> to vector<1x64xf32>
    %add3A_69 = vector.broadcast %get3A_68 : vector<1x64xf32> to vector<2x64xf32>
    %add3A_70 = arith.addf %add3A_63, %add3A_69 : vector<2x64xf32>
    %get3A_71 = arith.constant 3 : index
    %get3A_72 = arith.constant 0 : index
    %get3A_73 = arith.constant 0 : index
    %get3A_74 = vector.load %arg1[%get3A_71, %get3A_72, %get3A_73] : memref<4x64x64xf32, #tpu.memory_space<vmem>>, vector<1x64x64xf32>
    %get3A_75 = vector.shape_cast %get3A_74 : vector<1x64x64xf32> to vector<64x64xf32>
    %dot_general3A_76 = arith.constant dense<0.000000e+00> : vector<2x64xf32>
    %dot_general3A_77 = tpu.matmul %get3A_6, %get3A_75, %dot_general3A_76 {dimension_numbers = #tpu.dot_dimension_numbers<[1], [0], [0], [1], [0, 0, 1, 1], [], []>, transpose_lhs_hint = false} : vector<2x64xf32>, vector<64x64xf32>, vector<2x64xf32> -> vector<2x64xf32>
    %get3A_78 = arith.constant 3 : index
    %get3A_79 = arith.constant 0 : index
    %get3A_80 = arith.constant 0 : index
    %get3A_81 = vector.load %arg2[%get3A_78, %get3A_79, %get3A_80] : memref<4x64x64xf32, #tpu.memory_space<vmem>>, vector<1x64x64xf32>
    %get3A_82 = vector.shape_cast %get3A_81 : vector<1x64x64xf32> to vector<64x64xf32>
    %dot_general3A_83 = arith.constant dense<0.000000e+00> : vector<2x64xf32>
    %dot_general3A_84 = tpu.matmul %broadcast_in_dim3A_0, %get3A_82, %dot_general3A_83 {dimension_numbers = #tpu.dot_dimension_numbers<[1], [0], [0], [1], [0, 0, 1, 1], [], []>, transpose_lhs_hint = false} : vector<2x64xf32>, vector<64x64xf32>, vector<2x64xf32> -> vector<2x64xf32>
    %add3A_85 = arith.addf %dot_general3A_77, %dot_general3A_84 : vector<2x64xf32>
    %get3A_86 = arith.constant 3 : index
    %get3A_87 = arith.constant 0 : index
    %get3A_88 = arith.constant 0 : index
    %get3A_89 = vector.load %arg3[%get3A_86, %get3A_87, %get3A_88] : memref<4x1x64xf32, #tpu.memory_space<vmem>>, vector<1x1x64xf32>
    %get3A_90 = vector.shape_cast %get3A_89 : vector<1x1x64xf32> to vector<1x64xf32>
    %add3A_91 = vector.broadcast %get3A_90 : vector<1x64xf32> to vector<2x64xf32>
    %add3A_92 = arith.addf %add3A_85, %add3A_91 : vector<2x64xf32>
    %logistic3A = arith.negf %add3A_48 : vector<2x64xf32>
    %logistic3A_93 = math.exp %logistic3A : vector<2x64xf32>
    %logistic3A_94 = arith.constant 1.000000e+00 : f32
    %logistic3A_95 = vector.broadcast %logistic3A_94 : f32 to vector<2x64xf32>
    %logistic3A_96 = arith.addf %logistic3A_95, %logistic3A_93 : vector<2x64xf32>
    %logistic3A_97 = arith.divf %logistic3A_95, %logistic3A_96 : vector<2x64xf32>
    %mul3A = arith.mulf %logistic3A_97, %broadcast_in_dim3A_2 : vector<2x64xf32>
    %logistic3A_98 = arith.negf %add3A_26 : vector<2x64xf32>
    %logistic3A_99 = math.exp %logistic3A_98 : vector<2x64xf32>
    %logistic3A_100 = arith.constant 1.000000e+00 : f32
    %logistic3A_101 = vector.broadcast %logistic3A_100 : f32 to vector<2x64xf32>
    %logistic3A_102 = arith.addf %logistic3A_101, %logistic3A_99 : vector<2x64xf32>
    %logistic3A_103 = arith.divf %logistic3A_101, %logistic3A_102 : vector<2x64xf32>
    %tanh3A = math.tanh %add3A_70 : vector<2x64xf32>
    %mul3A_104 = arith.mulf %logistic3A_103, %tanh3A : vector<2x64xf32>
    %add3A_105 = arith.addf %mul3A, %mul3A_104 : vector<2x64xf32>
    %logistic3A_106 = arith.negf %add3A_92 : vector<2x64xf32>
    %logistic3A_107 = math.exp %logistic3A_106 : vector<2x64xf32>
    %logistic3A_108 = arith.constant 1.000000e+00 : f32
    %logistic3A_109 = vector.broadcast %logistic3A_108 : f32 to vector<2x64xf32>
    %logistic3A_110 = arith.addf %logistic3A_109, %logistic3A_107 : vector<2x64xf32>
    %logistic3A_111 = arith.divf %logistic3A_109, %logistic3A_110 : vector<2x64xf32>
    %tanh3A_112 = math.tanh %add3A_105 : vector<2x64xf32>
    %mul3A_113 = arith.mulf %logistic3A_111, %tanh3A_112 : vector<2x64xf32>
    %get3A_114 = arith.constant 1 : index
    %get3A_115 = arith.constant 0 : index
    %get3A_116 = arith.constant 0 : index
    %get3A_117 = vector.load %arg0[%get3A_114, %get3A_115, %get3A_116] : memref<4x2x64xf32, #tpu.memory_space<vmem>>, vector<1x2x64xf32>
    %get3A_118 = vector.shape_cast %get3A_117 : vector<1x2x64xf32> to vector<2x64xf32>
    %get3A_119 = arith.constant 0 : index
    %get3A_120 = arith.constant 0 : index
    %get3A_121 = arith.constant 0 : index
    %get3A_122 = vector.load %arg1[%get3A_119, %get3A_120, %get3A_121] : memref<4x64x64xf32, #tpu.memory_space<vmem>>, vector<1x64x64xf32>
    %get3A_123 = vector.shape_cast %get3A_122 : vector<1x64x64xf32> to vector<64x64xf32>
    %dot_general3A_124 = arith.constant dense<0.000000e+00> : vector<2x64xf32>
    %dot_general3A_125 = tpu.matmul %get3A_118, %get3A_123, %dot_general3A_124 {dimension_numbers = #tpu.dot_dimension_numbers<[1], [0], [0], [1], [0, 0, 1, 1], [], []>, transpose_lhs_hint = false} : vector<2x64xf32>, vector<64x64xf32>, vector<2x64xf32> -> vector<2x64xf32>
    %get3A_126 = arith.constant 0 : index
    %get3A_127 = arith.constant 0 : index
    %get3A_128 = arith.constant 0 : index
    %get3A_129 = vector.load %arg2[%get3A_126, %get3A_127, %get3A_128] : memref<4x64x64xf32, #tpu.memory_space<vmem>>, vector<1x64x64xf32>
    %get3A_130 = vector.shape_cast %get3A_129 : vector<1x64x64xf32> to vector<64x64xf32>
    %dot_general3A_131 = arith.constant dense<0.000000e+00> : vector<2x64xf32>
    %dot_general3A_132 = tpu.matmul %mul3A_113, %get3A_130, %dot_general3A_131 {dimension_numbers = #tpu.dot_dimension_numbers<[1], [0], [0], [1], [0, 0, 1, 1], [], []>, transpose_lhs_hint = false} : vector<2x64xf32>, vector<64x64xf32>, vector<2x64xf32> -> vector<2x64xf32>
    %add3A_133 = arith.addf %dot_general3A_125, %dot_general3A_132 : vector<2x64xf32>
    %get3A_134 = arith.constant 0 : index
    %get3A_135 = arith.constant 0 : index
    %get3A_136 = arith.constant 0 : index
    %get3A_137 = vector.load %arg3[%get3A_134, %get3A_135, %get3A_136] : memref<4x1x64xf32, #tpu.memory_space<vmem>>, vector<1x1x64xf32>
    %get3A_138 = vector.shape_cast %get3A_137 : vector<1x1x64xf32> to vector<1x64xf32>
    %add3A_139 = vector.broadcast %get3A_138 : vector<1x64xf32> to vector<2x64xf32>
    %add3A_140 = arith.addf %add3A_133, %add3A_139 : vector<2x64xf32>
    %get3A_141 = arith.constant 1 : index
    %get3A_142 = arith.constant 0 : index
    %get3A_143 = arith.constant 0 : index
    %get3A_144 = vector.load %arg1[%get3A_141, %get3A_142, %get3A_143] : memref<4x64x64xf32, #tpu.memory_space<vmem>>, vector<1x64x64xf32>
    %get3A_145 = vector.shape_cast %get3A_144 : vector<1x64x64xf32> to vector<64x64xf32>
    %dot_general3A_146 = arith.constant dense<0.000000e+00> : vector<2x64xf32>
    %dot_general3A_147 = tpu.matmul %get3A_118, %get3A_145, %dot_general3A_146 {dimension_numbers = #tpu.dot_dimension_numbers<[1], [0], [0], [1], [0, 0, 1, 1], [], []>, transpose_lhs_hint = false} : vector<2x64xf32>, vector<64x64xf32>, vector<2x64xf32> -> vector<2x64xf32>
    %get3A_148 = arith.constant 1 : index
    %get3A_149 = arith.constant 0 : index
    %get3A_150 = arith.constant 0 : index
    %get3A_151 = vector.load %arg2[%get3A_148, %get3A_149, %get3A_150] : memref<4x64x64xf32, #tpu.memory_space<vmem>>, vector<1x64x64xf32>
    %get3A_152 = vector.shape_cast %get3A_151 : vector<1x64x64xf32> to vector<64x64xf32>
    %dot_general3A_153 = arith.constant dense<0.000000e+00> : vector<2x64xf32>
    %dot_general3A_154 = tpu.matmul %mul3A_113, %get3A_152, %dot_general3A_153 {dimension_numbers = #tpu.dot_dimension_numbers<[1], [0], [0], [1], [0, 0, 1, 1], [], []>, transpose_lhs_hint = false} : vector<2x64xf32>, vector<64x64xf32>, vector<2x64xf32> -> vector<2x64xf32>
    %add3A_155 = arith.addf %dot_general3A_147, %dot_general3A_154 : vector<2x64xf32>
    %get3A_156 = arith.constant 1 : index
    %get3A_157 = arith.constant 0 : index
    %get3A_158 = arith.constant 0 : index
    %get3A_159 = vector.load %arg3[%get3A_156, %get3A_157, %get3A_158] : memref<4x1x64xf32, #tpu.memory_space<vmem>>, vector<1x1x64xf32>
    %get3A_160 = vector.shape_cast %get3A_159 : vector<1x1x64xf32> to vector<1x64xf32>
    %add3A_161 = vector.broadcast %get3A_160 : vector<1x64xf32> to vector<2x64xf32>
    %add3A_162 = arith.addf %add3A_155, %add3A_161 : vector<2x64xf32>
    %get3A_163 = arith.constant 2 : index
    %get3A_164 = arith.constant 0 : index
    %get3A_165 = arith.constant 0 : index
    %get3A_166 = vector.load %arg1[%get3A_163, %get3A_164, %get3A_165] : memref<4x64x64xf32, #tpu.memory_space<vmem>>, vector<1x64x64xf32>
    %get3A_167 = vector.shape_cast %get3A_166 : vector<1x64x64xf32> to vector<64x64xf32>
    %dot_general3A_168 = arith.constant dense<0.000000e+00> : vector<2x64xf32>
    %dot_general3A_169 = tpu.matmul %get3A_118, %get3A_167, %dot_general3A_168 {dimension_numbers = #tpu.dot_dimension_numbers<[1], [0], [0], [1], [0, 0, 1, 1], [], []>, transpose_lhs_hint = false} : vector<2x64xf32>, vector<64x64xf32>, vector<2x64xf32> -> vector<2x64xf32>
    %get3A_170 = arith.constant 2 : index
    %get3A_171 = arith.constant 0 : index
    %get3A_172 = arith.constant 0 : index
    %get3A_173 = vector.load %arg2[%get3A_170, %get3A_171, %get3A_172] : memref<4x64x64xf32, #tpu.memory_space<vmem>>, vector<1x64x64xf32>
    %get3A_174 = vector.shape_cast %get3A_173 : vector<1x64x64xf32> to vector<64x64xf32>
    %dot_general3A_175 = arith.constant dense<0.000000e+00> : vector<2x64xf32>
    %dot_general3A_176 = tpu.matmul %mul3A_113, %get3A_174, %dot_general3A_175 {dimension_numbers = #tpu.dot_dimension_numbers<[1], [0], [0], [1], [0, 0, 1, 1], [], []>, transpose_lhs_hint = false} : vector<2x64xf32>, vector<64x64xf32>, vector<2x64xf32> -> vector<2x64xf32>
    %add3A_177 = arith.addf %dot_general3A_169, %dot_general3A_176 : vector<2x64xf32>
    %get3A_178 = arith.constant 2 : index
    %get3A_179 = arith.constant 0 : index
    %get3A_180 = arith.constant 0 : index
    %get3A_181 = vector.load %arg3[%get3A_178, %get3A_179, %get3A_180] : memref<4x1x64xf32, #tpu.memory_space<vmem>>, vector<1x1x64xf32>
    %get3A_182 = vector.shape_cast %get3A_181 : vector<1x1x64xf32> to vector<1x64xf32>
    %add3A_183 = vector.broadcast %get3A_182 : vector<1x64xf32> to vector<2x64xf32>
    %add3A_184 = arith.addf %add3A_177, %add3A_183 : vector<2x64xf32>
    %get3A_185 = arith.constant 3 : index
    %get3A_186 = arith.constant 0 : index
    %get3A_187 = arith.constant 0 : index
    %get3A_188 = vector.load %arg1[%get3A_185, %get3A_186, %get3A_187] : memref<4x64x64xf32, #tpu.memory_space<vmem>>, vector<1x64x64xf32>
    %get3A_189 = vector.shape_cast %get3A_188 : vector<1x64x64xf32> to vector<64x64xf32>
    %dot_general3A_190 = arith.constant dense<0.000000e+00> : vector<2x64xf32>
    %dot_general3A_191 = tpu.matmul %get3A_118, %get3A_189, %dot_general3A_190 {dimension_numbers = #tpu.dot_dimension_numbers<[1], [0], [0], [1], [0, 0, 1, 1], [], []>, transpose_lhs_hint = false} : vector<2x64xf32>, vector<64x64xf32>, vector<2x64xf32> -> vector<2x64xf32>
    %get3A_192 = arith.constant 3 : index
    %get3A_193 = arith.constant 0 : index
    %get3A_194 = arith.constant 0 : index
    %get3A_195 = vector.load %arg2[%get3A_192, %get3A_193, %get3A_194] : memref<4x64x64xf32, #tpu.memory_space<vmem>>, vector<1x64x64xf32>
    %get3A_196 = vector.shape_cast %get3A_195 : vector<1x64x64xf32> to vector<64x64xf32>
    %dot_general3A_197 = arith.constant dense<0.000000e+00> : vector<2x64xf32>
    %dot_general3A_198 = tpu.matmul %mul3A_113, %get3A_196, %dot_general3A_197 {dimension_numbers = #tpu.dot_dimension_numbers<[1], [0], [0], [1], [0, 0, 1, 1], [], []>, transpose_lhs_hint = false} : vector<2x64xf32>, vector<64x64xf32>, vector<2x64xf32> -> vector<2x64xf32>
    %add3A_199 = arith.addf %dot_general3A_191, %dot_general3A_198 : vector<2x64xf32>
    %get3A_200 = arith.constant 3 : index
    %get3A_201 = arith.constant 0 : index
    %get3A_202 = arith.constant 0 : index
    %get3A_203 = vector.load %arg3[%get3A_200, %get3A_201, %get3A_202] : memref<4x1x64xf32, #tpu.memory_space<vmem>>, vector<1x1x64xf32>
    %get3A_204 = vector.shape_cast %get3A_203 : vector<1x1x64xf32> to vector<1x64xf32>
    %add3A_205 = vector.broadcast %get3A_204 : vector<1x64xf32> to vector<2x64xf32>
    %add3A_206 = arith.addf %add3A_199, %add3A_205 : vector<2x64xf32>
    %logistic3A_207 = arith.negf %add3A_162 : vector<2x64xf32>
    %logistic3A_208 = math.exp %logistic3A_207 : vector<2x64xf32>
    %logistic3A_209 = arith.constant 1.000000e+00 : f32
    %logistic3A_210 = vector.broadcast %logistic3A_209 : f32 to vector<2x64xf32>
    %logistic3A_211 = arith.addf %logistic3A_210, %logistic3A_208 : vector<2x64xf32>
    %logistic3A_212 = arith.divf %logistic3A_210, %logistic3A_211 : vector<2x64xf32>
    %mul3A_213 = arith.mulf %logistic3A_212, %add3A_105 : vector<2x64xf32>
    %logistic3A_214 = arith.negf %add3A_140 : vector<2x64xf32>
    %logistic3A_215 = math.exp %logistic3A_214 : vector<2x64xf32>
    %logistic3A_216 = arith.constant 1.000000e+00 : f32
    %logistic3A_217 = vector.broadcast %logistic3A_216 : f32 to vector<2x64xf32>
    %logistic3A_218 = arith.addf %logistic3A_217, %logistic3A_215 : vector<2x64xf32>
    %logistic3A_219 = arith.divf %logistic3A_217, %logistic3A_218 : vector<2x64xf32>
    %tanh3A_220 = math.tanh %add3A_184 : vector<2x64xf32>
    %mul3A_221 = arith.mulf %logistic3A_219, %tanh3A_220 : vector<2x64xf32>
    %add3A_222 = arith.addf %mul3A_213, %mul3A_221 : vector<2x64xf32>
    %logistic3A_223 = arith.negf %add3A_206 : vector<2x64xf32>
    %logistic3A_224 = math.exp %logistic3A_223 : vector<2x64xf32>
    %logistic3A_225 = arith.constant 1.000000e+00 : f32
    %logistic3A_226 = vector.broadcast %logistic3A_225 : f32 to vector<2x64xf32>
    %logistic3A_227 = arith.addf %logistic3A_226, %logistic3A_224 : vector<2x64xf32>
    %logistic3A_228 = arith.divf %logistic3A_226, %logistic3A_227 : vector<2x64xf32>
    %tanh3A_229 = math.tanh %add3A_222 : vector<2x64xf32>
    %mul3A_230 = arith.mulf %logistic3A_228, %tanh3A_229 : vector<2x64xf32>
    %get3A_231 = arith.constant 2 : index
    %get3A_232 = arith.constant 0 : index
    %get3A_233 = arith.constant 0 : index
    %get3A_234 = vector.load %arg0[%get3A_231, %get3A_232, %get3A_233] : memref<4x2x64xf32, #tpu.memory_space<vmem>>, vector<1x2x64xf32>
    %get3A_235 = vector.shape_cast %get3A_234 : vector<1x2x64xf32> to vector<2x64xf32>
    %get3A_236 = arith.constant 0 : index
    %get3A_237 = arith.constant 0 : index
    %get3A_238 = arith.constant 0 : index
    %get3A_239 = vector.load %arg1[%get3A_236, %get3A_237, %get3A_238] : memref<4x64x64xf32, #tpu.memory_space<vmem>>, vector<1x64x64xf32>
    %get3A_240 = vector.shape_cast %get3A_239 : vector<1x64x64xf32> to vector<64x64xf32>
    %dot_general3A_241 = arith.constant dense<0.000000e+00> : vector<2x64xf32>
    %dot_general3A_242 = tpu.matmul %get3A_235, %get3A_240, %dot_general3A_241 {dimension_numbers = #tpu.dot_dimension_numbers<[1], [0], [0], [1], [0, 0, 1, 1], [], []>, transpose_lhs_hint = false} : vector<2x64xf32>, vector<64x64xf32>, vector<2x64xf32> -> vector<2x64xf32>
    %get3A_243 = arith.constant 0 : index
    %get3A_244 = arith.constant 0 : index
    %get3A_245 = arith.constant 0 : index
    %get3A_246 = vector.load %arg2[%get3A_243, %get3A_244, %get3A_245] : memref<4x64x64xf32, #tpu.memory_space<vmem>>, vector<1x64x64xf32>
    %get3A_247 = vector.shape_cast %get3A_246 : vector<1x64x64xf32> to vector<64x64xf32>
    %dot_general3A_248 = arith.constant dense<0.000000e+00> : vector<2x64xf32>
    %dot_general3A_249 = tpu.matmul %mul3A_230, %get3A_247, %dot_general3A_248 {dimension_numbers = #tpu.dot_dimension_numbers<[1], [0], [0], [1], [0, 0, 1, 1], [], []>, transpose_lhs_hint = false} : vector<2x64xf32>, vector<64x64xf32>, vector<2x64xf32> -> vector<2x64xf32>
    %add3A_250 = arith.addf %dot_general3A_242, %dot_general3A_249 : vector<2x64xf32>
    %get3A_251 = arith.constant 0 : index
    %get3A_252 = arith.constant 0 : index
    %get3A_253 = arith.constant 0 : index
    %get3A_254 = vector.load %arg3[%get3A_251, %get3A_252, %get3A_253] : memref<4x1x64xf32, #tpu.memory_space<vmem>>, vector<1x1x64xf32>
    %get3A_255 = vector.shape_cast %get3A_254 : vector<1x1x64xf32> to vector<1x64xf32>
    %add3A_256 = vector.broadcast %get3A_255 : vector<1x64xf32> to vector<2x64xf32>
    %add3A_257 = arith.addf %add3A_250, %add3A_256 : vector<2x64xf32>
    %get3A_258 = arith.constant 1 : index
    %get3A_259 = arith.constant 0 : index
    %get3A_260 = arith.constant 0 : index
    %get3A_261 = vector.load %arg1[%get3A_258, %get3A_259, %get3A_260] : memref<4x64x64xf32, #tpu.memory_space<vmem>>, vector<1x64x64xf32>
    %get3A_262 = vector.shape_cast %get3A_261 : vector<1x64x64xf32> to vector<64x64xf32>
    %dot_general3A_263 = arith.constant dense<0.000000e+00> : vector<2x64xf32>
    %dot_general3A_264 = tpu.matmul %get3A_235, %get3A_262, %dot_general3A_263 {dimension_numbers = #tpu.dot_dimension_numbers<[1], [0], [0], [1], [0, 0, 1, 1], [], []>, transpose_lhs_hint = false} : vector<2x64xf32>, vector<64x64xf32>, vector<2x64xf32> -> vector<2x64xf32>
    %get3A_265 = arith.constant 1 : index
    %get3A_266 = arith.constant 0 : index
    %get3A_267 = arith.constant 0 : index
    %get3A_268 = vector.load %arg2[%get3A_265, %get3A_266, %get3A_267] : memref<4x64x64xf32, #tpu.memory_space<vmem>>, vector<1x64x64xf32>
    %get3A_269 = vector.shape_cast %get3A_268 : vector<1x64x64xf32> to vector<64x64xf32>
    %dot_general3A_270 = arith.constant dense<0.000000e+00> : vector<2x64xf32>
    %dot_general3A_271 = tpu.matmul %mul3A_230, %get3A_269, %dot_general3A_270 {dimension_numbers = #tpu.dot_dimension_numbers<[1], [0], [0], [1], [0, 0, 1, 1], [], []>, transpose_lhs_hint = false} : vector<2x64xf32>, vector<64x64xf32>, vector<2x64xf32> -> vector<2x64xf32>
    %add3A_272 = arith.addf %dot_general3A_264, %dot_general3A_271 : vector<2x64xf32>
    %get3A_273 = arith.constant 1 : index
    %get3A_274 = arith.constant 0 : index
    %get3A_275 = arith.constant 0 : index
    %get3A_276 = vector.load %arg3[%get3A_273, %get3A_274, %get3A_275] : memref<4x1x64xf32, #tpu.memory_space<vmem>>, vector<1x1x64xf32>
    %get3A_277 = vector.shape_cast %get3A_276 : vector<1x1x64xf32> to vector<1x64xf32>
    %add3A_278 = vector.broadcast %get3A_277 : vector<1x64xf32> to vector<2x64xf32>
    %add3A_279 = arith.addf %add3A_272, %add3A_278 : vector<2x64xf32>
    %get3A_280 = arith.constant 2 : index
    %get3A_281 = arith.constant 0 : index
    %get3A_282 = arith.constant 0 : index
    %get3A_283 = vector.load %arg1[%get3A_280, %get3A_281, %get3A_282] : memref<4x64x64xf32, #tpu.memory_space<vmem>>, vector<1x64x64xf32>
    %get3A_284 = vector.shape_cast %get3A_283 : vector<1x64x64xf32> to vector<64x64xf32>
    %dot_general3A_285 = arith.constant dense<0.000000e+00> : vector<2x64xf32>
    %dot_general3A_286 = tpu.matmul %get3A_235, %get3A_284, %dot_general3A_285 {dimension_numbers = #tpu.dot_dimension_numbers<[1], [0], [0], [1], [0, 0, 1, 1], [], []>, transpose_lhs_hint = false} : vector<2x64xf32>, vector<64x64xf32>, vector<2x64xf32> -> vector<2x64xf32>
    %get3A_287 = arith.constant 2 : index
    %get3A_288 = arith.constant 0 : index
    %get3A_289 = arith.constant 0 : index
    %get3A_290 = vector.load %arg2[%get3A_287, %get3A_288, %get3A_289] : memref<4x64x64xf32, #tpu.memory_space<vmem>>, vector<1x64x64xf32>
    %get3A_291 = vector.shape_cast %get3A_290 : vector<1x64x64xf32> to vector<64x64xf32>
    %dot_general3A_292 = arith.constant dense<0.000000e+00> : vector<2x64xf32>
    %dot_general3A_293 = tpu.matmul %mul3A_230, %get3A_291, %dot_general3A_292 {dimension_numbers = #tpu.dot_dimension_numbers<[1], [0], [0], [1], [0, 0, 1, 1], [], []>, transpose_lhs_hint = false} : vector<2x64xf32>, vector<64x64xf32>, vector<2x64xf32> -> vector<2x64xf32>
    %add3A_294 = arith.addf %dot_general3A_286, %dot_general3A_293 : vector<2x64xf32>
    %get3A_295 = arith.constant 2 : index
    %get3A_296 = arith.constant 0 : index
    %get3A_297 = arith.constant 0 : index
    %get3A_298 = vector.load %arg3[%get3A_295, %get3A_296, %get3A_297] : memref<4x1x64xf32, #tpu.memory_space<vmem>>, vector<1x1x64xf32>
    %get3A_299 = vector.shape_cast %get3A_298 : vector<1x1x64xf32> to vector<1x64xf32>
    %add3A_300 = vector.broadcast %get3A_299 : vector<1x64xf32> to vector<2x64xf32>
    %add3A_301 = arith.addf %add3A_294, %add3A_300 : vector<2x64xf32>
    %get3A_302 = arith.constant 3 : index
    %get3A_303 = arith.constant 0 : index
    %get3A_304 = arith.constant 0 : index
    %get3A_305 = vector.load %arg1[%get3A_302, %get3A_303, %get3A_304] : memref<4x64x64xf32, #tpu.memory_space<vmem>>, vector<1x64x64xf32>
    %get3A_306 = vector.shape_cast %get3A_305 : vector<1x64x64xf32> to vector<64x64xf32>
    %dot_general3A_307 = arith.constant dense<0.000000e+00> : vector<2x64xf32>
    %dot_general3A_308 = tpu.matmul %get3A_235, %get3A_306, %dot_general3A_307 {dimension_numbers = #tpu.dot_dimension_numbers<[1], [0], [0], [1], [0, 0, 1, 1], [], []>, transpose_lhs_hint = false} : vector<2x64xf32>, vector<64x64xf32>, vector<2x64xf32> -> vector<2x64xf32>
    %get3A_309 = arith.constant 3 : index
    %get3A_310 = arith.constant 0 : index
    %get3A_311 = arith.constant 0 : index
    %get3A_312 = vector.load %arg2[%get3A_309, %get3A_310, %get3A_311] : memref<4x64x64xf32, #tpu.memory_space<vmem>>, vector<1x64x64xf32>
    %get3A_313 = vector.shape_cast %get3A_312 : vector<1x64x64xf32> to vector<64x64xf32>
    %dot_general3A_314 = arith.constant dense<0.000000e+00> : vector<2x64xf32>
    %dot_general3A_315 = tpu.matmul %mul3A_230, %get3A_313, %dot_general3A_314 {dimension_numbers = #tpu.dot_dimension_numbers<[1], [0], [0], [1], [0, 0, 1, 1], [], []>, transpose_lhs_hint = false} : vector<2x64xf32>, vector<64x64xf32>, vector<2x64xf32> -> vector<2x64xf32>
    %add3A_316 = arith.addf %dot_general3A_308, %dot_general3A_315 : vector<2x64xf32>
    %get3A_317 = arith.constant 3 : index
    %get3A_318 = arith.constant 0 : index
    %get3A_319 = arith.constant 0 : index
    %get3A_320 = vector.load %arg3[%get3A_317, %get3A_318, %get3A_319] : memref<4x1x64xf32, #tpu.memory_space<vmem>>, vector<1x1x64xf32>
    %get3A_321 = vector.shape_cast %get3A_320 : vector<1x1x64xf32> to vector<1x64xf32>
    %add3A_322 = vector.broadcast %get3A_321 : vector<1x64xf32> to vector<2x64xf32>
    %add3A_323 = arith.addf %add3A_316, %add3A_322 : vector<2x64xf32>
    %logistic3A_324 = arith.negf %add3A_279 : vector<2x64xf32>
    %logistic3A_325 = math.exp %logistic3A_324 : vector<2x64xf32>
    %logistic3A_326 = arith.constant 1.000000e+00 : f32
    %logistic3A_327 = vector.broadcast %logistic3A_326 : f32 to vector<2x64xf32>
    %logistic3A_328 = arith.addf %logistic3A_327, %logistic3A_325 : vector<2x64xf32>
    %logistic3A_329 = arith.divf %logistic3A_327, %logistic3A_328 : vector<2x64xf32>
    %mul3A_330 = arith.mulf %logistic3A_329, %add3A_222 : vector<2x64xf32>
    %logistic3A_331 = arith.negf %add3A_257 : vector<2x64xf32>
    %logistic3A_332 = math.exp %logistic3A_331 : vector<2x64xf32>
    %logistic3A_333 = arith.constant 1.000000e+00 : f32
    %logistic3A_334 = vector.broadcast %logistic3A_333 : f32 to vector<2x64xf32>
    %logistic3A_335 = arith.addf %logistic3A_334, %logistic3A_332 : vector<2x64xf32>
    %logistic3A_336 = arith.divf %logistic3A_334, %logistic3A_335 : vector<2x64xf32>
    %tanh3A_337 = math.tanh %add3A_301 : vector<2x64xf32>
    %mul3A_338 = arith.mulf %logistic3A_336, %tanh3A_337 : vector<2x64xf32>
    %add3A_339 = arith.addf %mul3A_330, %mul3A_338 : vector<2x64xf32>
    %logistic3A_340 = arith.negf %add3A_323 : vector<2x64xf32>
    %logistic3A_341 = math.exp %logistic3A_340 : vector<2x64xf32>
    %logistic3A_342 = arith.constant 1.000000e+00 : f32
    %logistic3A_343 = vector.broadcast %logistic3A_342 : f32 to vector<2x64xf32>
    %logistic3A_344 = arith.addf %logistic3A_343, %logistic3A_341 : vector<2x64xf32>
    %logistic3A_345 = arith.divf %logistic3A_343, %logistic3A_344 : vector<2x64xf32>
    %tanh3A_346 = math.tanh %add3A_339 : vector<2x64xf32>
    %mul3A_347 = arith.mulf %logistic3A_345, %tanh3A_346 : vector<2x64xf32>
    %get3A_348 = arith.constant 3 : index
    %get3A_349 = arith.constant 0 : index
    %get3A_350 = arith.constant 0 : index
    %get3A_351 = vector.load %arg0[%get3A_348, %get3A_349, %get3A_350] : memref<4x2x64xf32, #tpu.memory_space<vmem>>, vector<1x2x64xf32>
    %get3A_352 = vector.shape_cast %get3A_351 : vector<1x2x64xf32> to vector<2x64xf32>
    %get3A_353 = arith.constant 0 : index
    %get3A_354 = arith.constant 0 : index
    %get3A_355 = arith.constant 0 : index
    %get3A_356 = vector.load %arg1[%get3A_353, %get3A_354, %get3A_355] : memref<4x64x64xf32, #tpu.memory_space<vmem>>, vector<1x64x64xf32>
    %get3A_357 = vector.shape_cast %get3A_356 : vector<1x64x64xf32> to vector<64x64xf32>
    %dot_general3A_358 = arith.constant dense<0.000000e+00> : vector<2x64xf32>
    %dot_general3A_359 = tpu.matmul %get3A_352, %get3A_357, %dot_general3A_358 {dimension_numbers = #tpu.dot_dimension_numbers<[1], [0], [0], [1], [0, 0, 1, 1], [], []>, transpose_lhs_hint = false} : vector<2x64xf32>, vector<64x64xf32>, vector<2x64xf32> -> vector<2x64xf32>
    %get3A_360 = arith.constant 0 : index
    %get3A_361 = arith.constant 0 : index
    %get3A_362 = arith.constant 0 : index
    %get3A_363 = vector.load %arg2[%get3A_360, %get3A_361, %get3A_362] : memref<4x64x64xf32, #tpu.memory_space<vmem>>, vector<1x64x64xf32>
    %get3A_364 = vector.shape_cast %get3A_363 : vector<1x64x64xf32> to vector<64x64xf32>
    %dot_general3A_365 = arith.constant dense<0.000000e+00> : vector<2x64xf32>
    %dot_general3A_366 = tpu.matmul %mul3A_347, %get3A_364, %dot_general3A_365 {dimension_numbers = #tpu.dot_dimension_numbers<[1], [0], [0], [1], [0, 0, 1, 1], [], []>, transpose_lhs_hint = false} : vector<2x64xf32>, vector<64x64xf32>, vector<2x64xf32> -> vector<2x64xf32>
    %add3A_367 = arith.addf %dot_general3A_359, %dot_general3A_366 : vector<2x64xf32>
    %get3A_368 = arith.constant 0 : index
    %get3A_369 = arith.constant 0 : index
    %get3A_370 = arith.constant 0 : index
    %get3A_371 = vector.load %arg3[%get3A_368, %get3A_369, %get3A_370] : memref<4x1x64xf32, #tpu.memory_space<vmem>>, vector<1x1x64xf32>
    %get3A_372 = vector.shape_cast %get3A_371 : vector<1x1x64xf32> to vector<1x64xf32>
    %add3A_373 = vector.broadcast %get3A_372 : vector<1x64xf32> to vector<2x64xf32>
    %add3A_374 = arith.addf %add3A_367, %add3A_373 : vector<2x64xf32>
    %get3A_375 = arith.constant 1 : index
    %get3A_376 = arith.constant 0 : index
    %get3A_377 = arith.constant 0 : index
    %get3A_378 = vector.load %arg1[%get3A_375, %get3A_376, %get3A_377] : memref<4x64x64xf32, #tpu.memory_space<vmem>>, vector<1x64x64xf32>
    %get3A_379 = vector.shape_cast %get3A_378 : vector<1x64x64xf32> to vector<64x64xf32>
    %dot_general3A_380 = arith.constant dense<0.000000e+00> : vector<2x64xf32>
    %dot_general3A_381 = tpu.matmul %get3A_352, %get3A_379, %dot_general3A_380 {dimension_numbers = #tpu.dot_dimension_numbers<[1], [0], [0], [1], [0, 0, 1, 1], [], []>, transpose_lhs_hint = false} : vector<2x64xf32>, vector<64x64xf32>, vector<2x64xf32> -> vector<2x64xf32>
    %get3A_382 = arith.constant 1 : index
    %get3A_383 = arith.constant 0 : index
    %get3A_384 = arith.constant 0 : index
    %get3A_385 = vector.load %arg2[%get3A_382, %get3A_383, %get3A_384] : memref<4x64x64xf32, #tpu.memory_space<vmem>>, vector<1x64x64xf32>
    %get3A_386 = vector.shape_cast %get3A_385 : vector<1x64x64xf32> to vector<64x64xf32>
    %dot_general3A_387 = arith.constant dense<0.000000e+00> : vector<2x64xf32>
    %dot_general3A_388 = tpu.matmul %mul3A_347, %get3A_386, %dot_general3A_387 {dimension_numbers = #tpu.dot_dimension_numbers<[1], [0], [0], [1], [0, 0, 1, 1], [], []>, transpose_lhs_hint = false} : vector<2x64xf32>, vector<64x64xf32>, vector<2x64xf32> -> vector<2x64xf32>
    %add3A_389 = arith.addf %dot_general3A_381, %dot_general3A_388 : vector<2x64xf32>
    %get3A_390 = arith.constant 1 : index
    %get3A_391 = arith.constant 0 : index
    %get3A_392 = arith.constant 0 : index
    %get3A_393 = vector.load %arg3[%get3A_390, %get3A_391, %get3A_392] : memref<4x1x64xf32, #tpu.memory_space<vmem>>, vector<1x1x64xf32>
    %get3A_394 = vector.shape_cast %get3A_393 : vector<1x1x64xf32> to vector<1x64xf32>
    %add3A_395 = vector.broadcast %get3A_394 : vector<1x64xf32> to vector<2x64xf32>
    %add3A_396 = arith.addf %add3A_389, %add3A_395 : vector<2x64xf32>
    %get3A_397 = arith.constant 2 : index
    %get3A_398 = arith.constant 0 : index
    %get3A_399 = arith.constant 0 : index
    %get3A_400 = vector.load %arg1[%get3A_397, %get3A_398, %get3A_399] : memref<4x64x64xf32, #tpu.memory_space<vmem>>, vector<1x64x64xf32>
    %get3A_401 = vector.shape_cast %get3A_400 : vector<1x64x64xf32> to vector<64x64xf32>
    %dot_general3A_402 = arith.constant dense<0.000000e+00> : vector<2x64xf32>
    %dot_general3A_403 = tpu.matmul %get3A_352, %get3A_401, %dot_general3A_402 {dimension_numbers = #tpu.dot_dimension_numbers<[1], [0], [0], [1], [0, 0, 1, 1], [], []>, transpose_lhs_hint = false} : vector<2x64xf32>, vector<64x64xf32>, vector<2x64xf32> -> vector<2x64xf32>
    %get3A_404 = arith.constant 2 : index
    %get3A_405 = arith.constant 0 : index
    %get3A_406 = arith.constant 0 : index
    %get3A_407 = vector.load %arg2[%get3A_404, %get3A_405, %get3A_406] : memref<4x64x64xf32, #tpu.memory_space<vmem>>, vector<1x64x64xf32>
    %get3A_408 = vector.shape_cast %get3A_407 : vector<1x64x64xf32> to vector<64x64xf32>
    %dot_general3A_409 = arith.constant dense<0.000000e+00> : vector<2x64xf32>
    %dot_general3A_410 = tpu.matmul %mul3A_347, %get3A_408, %dot_general3A_409 {dimension_numbers = #tpu.dot_dimension_numbers<[1], [0], [0], [1], [0, 0, 1, 1], [], []>, transpose_lhs_hint = false} : vector<2x64xf32>, vector<64x64xf32>, vector<2x64xf32> -> vector<2x64xf32>
    %add3A_411 = arith.addf %dot_general3A_403, %dot_general3A_410 : vector<2x64xf32>
    %get3A_412 = arith.constant 2 : index
    %get3A_413 = arith.constant 0 : index
    %get3A_414 = arith.constant 0 : index
    %get3A_415 = vector.load %arg3[%get3A_412, %get3A_413, %get3A_414] : memref<4x1x64xf32, #tpu.memory_space<vmem>>, vector<1x1x64xf32>
    %get3A_416 = vector.shape_cast %get3A_415 : vector<1x1x64xf32> to vector<1x64xf32>
    %add3A_417 = vector.broadcast %get3A_416 : vector<1x64xf32> to vector<2x64xf32>
    %add3A_418 = arith.addf %add3A_411, %add3A_417 : vector<2x64xf32>
    %get3A_419 = arith.constant 3 : index
    %get3A_420 = arith.constant 0 : index
    %get3A_421 = arith.constant 0 : index
    %get3A_422 = vector.load %arg1[%get3A_419, %get3A_420, %get3A_421] : memref<4x64x64xf32, #tpu.memory_space<vmem>>, vector<1x64x64xf32>
    %get3A_423 = vector.shape_cast %get3A_422 : vector<1x64x64xf32> to vector<64x64xf32>
    %dot_general3A_424 = arith.constant dense<0.000000e+00> : vector<2x64xf32>
    %dot_general3A_425 = tpu.matmul %get3A_352, %get3A_423, %dot_general3A_424 {dimension_numbers = #tpu.dot_dimension_numbers<[1], [0], [0], [1], [0, 0, 1, 1], [], []>, transpose_lhs_hint = false} : vector<2x64xf32>, vector<64x64xf32>, vector<2x64xf32> -> vector<2x64xf32>
    %get3A_426 = arith.constant 3 : index
    %get3A_427 = arith.constant 0 : index
    %get3A_428 = arith.constant 0 : index
    %get3A_429 = vector.load %arg2[%get3A_426, %get3A_427, %get3A_428] : memref<4x64x64xf32, #tpu.memory_space<vmem>>, vector<1x64x64xf32>
    %get3A_430 = vector.shape_cast %get3A_429 : vector<1x64x64xf32> to vector<64x64xf32>
    %dot_general3A_431 = arith.constant dense<0.000000e+00> : vector<2x64xf32>
    %dot_general3A_432 = tpu.matmul %mul3A_347, %get3A_430, %dot_general3A_431 {dimension_numbers = #tpu.dot_dimension_numbers<[1], [0], [0], [1], [0, 0, 1, 1], [], []>, transpose_lhs_hint = false} : vector<2x64xf32>, vector<64x64xf32>, vector<2x64xf32> -> vector<2x64xf32>
    %add3A_433 = arith.addf %dot_general3A_425, %dot_general3A_432 : vector<2x64xf32>
    %get3A_434 = arith.constant 3 : index
    %get3A_435 = arith.constant 0 : index
    %get3A_436 = arith.constant 0 : index
    %get3A_437 = vector.load %arg3[%get3A_434, %get3A_435, %get3A_436] : memref<4x1x64xf32, #tpu.memory_space<vmem>>, vector<1x1x64xf32>
    %get3A_438 = vector.shape_cast %get3A_437 : vector<1x1x64xf32> to vector<1x64xf32>
    %add3A_439 = vector.broadcast %get3A_438 : vector<1x64xf32> to vector<2x64xf32>
    %add3A_440 = arith.addf %add3A_433, %add3A_439 : vector<2x64xf32>
    %logistic3A_441 = arith.negf %add3A_396 : vector<2x64xf32>
    %logistic3A_442 = math.exp %logistic3A_441 : vector<2x64xf32>
    %logistic3A_443 = arith.constant 1.000000e+00 : f32
    %logistic3A_444 = vector.broadcast %logistic3A_443 : f32 to vector<2x64xf32>
    %logistic3A_445 = arith.addf %logistic3A_444, %logistic3A_442 : vector<2x64xf32>
    %logistic3A_446 = arith.divf %logistic3A_444, %logistic3A_445 : vector<2x64xf32>
    %mul3A_447 = arith.mulf %logistic3A_446, %add3A_339 : vector<2x64xf32>
    %logistic3A_448 = arith.negf %add3A_374 : vector<2x64xf32>
    %logistic3A_449 = math.exp %logistic3A_448 : vector<2x64xf32>
    %logistic3A_450 = arith.constant 1.000000e+00 : f32
    %logistic3A_451 = vector.broadcast %logistic3A_450 : f32 to vector<2x64xf32>
    %logistic3A_452 = arith.addf %logistic3A_451, %logistic3A_449 : vector<2x64xf32>
    %logistic3A_453 = arith.divf %logistic3A_451, %logistic3A_452 : vector<2x64xf32>
    %tanh3A_454 = math.tanh %add3A_418 : vector<2x64xf32>
    %mul3A_455 = arith.mulf %logistic3A_453, %tanh3A_454 : vector<2x64xf32>
    %add3A_456 = arith.addf %mul3A_447, %mul3A_455 : vector<2x64xf32>
    %logistic3A_457 = arith.negf %add3A_440 : vector<2x64xf32>
    %logistic3A_458 = math.exp %logistic3A_457 : vector<2x64xf32>
    %logistic3A_459 = arith.constant 1.000000e+00 : f32
    %logistic3A_460 = vector.broadcast %logistic3A_459 : f32 to vector<2x64xf32>
    %logistic3A_461 = arith.addf %logistic3A_460, %logistic3A_458 : vector<2x64xf32>
    %logistic3A_462 = arith.divf %logistic3A_460, %logistic3A_461 : vector<2x64xf32>
    %tanh3A_463 = math.tanh %add3A_456 : vector<2x64xf32>
    %mul3A_464 = arith.mulf %logistic3A_462, %tanh3A_463 : vector<2x64xf32>
    %get3A_465 = arith.constant 0 : index
    %get3A_466 = arith.constant 0 : index
    %get3A_467 = vector.load %arg4[%get3A_465, %get3A_466] : memref<64x128xf32, #tpu.memory_space<vmem>>, vector<64x128xf32>
    %dot_general3A_468 = arith.constant dense<0.000000e+00> : vector<2x128xf32>
    %dot_general3A_469 = tpu.matmul %mul3A_464, %get3A_467, %dot_general3A_468 {dimension_numbers = #tpu.dot_dimension_numbers<[1], [0], [0], [1], [0, 0, 1, 1], [], []>, transpose_lhs_hint = false} : vector<2x64xf32>, vector<64x128xf32>, vector<2x128xf32> -> vector<2x128xf32>
    %get3A_470 = arith.constant 0 : index
    %get3A_471 = arith.constant 0 : index
    %get3A_472 = vector.load %arg5[%get3A_470, %get3A_471] : memref<1x128xf32, #tpu.memory_space<vmem>>, vector<1x128xf32>
    %add3A_473 = vector.broadcast %get3A_472 : vector<1x128xf32> to vector<2x128xf32>
    %add3A_474 = arith.addf %dot_general3A_469, %add3A_473 : vector<2x128xf32>
    %logistic3A_475 = arith.negf %add3A_474 : vector<2x128xf32>
    %logistic3A_476 = math.exp %logistic3A_475 : vector<2x128xf32>
    %logistic3A_477 = arith.constant 1.000000e+00 : f32
    %logistic3A_478 = vector.broadcast %logistic3A_477 : f32 to vector<2x128xf32>
    %logistic3A_479 = arith.addf %logistic3A_478, %logistic3A_476 : vector<2x128xf32>
    %logistic3A_480 = arith.divf %logistic3A_478, %logistic3A_479 : vector<2x128xf32>
    %mul3A_481 = arith.mulf %add3A_474, %logistic3A_480 : vector<2x128xf32>
    %get3A_482 = arith.constant 0 : index
    %get3A_483 = arith.constant 0 : index
    %get3A_484 = vector.load %arg6[%get3A_482, %get3A_483] : memref<128x64xf32, #tpu.memory_space<vmem>>, vector<128x64xf32>
    %dot_general3A_485 = arith.constant dense<0.000000e+00> : vector<2x64xf32>
    %dot_general3A_486 = tpu.matmul %mul3A_481, %get3A_484, %dot_general3A_485 {dimension_numbers = #tpu.dot_dimension_numbers<[1], [0], [0], [1], [0, 0, 1, 1], [], []>, transpose_lhs_hint = false} : vector<2x128xf32>, vector<128x64xf32>, vector<2x64xf32> -> vector<2x64xf32>
    %get3A_487 = arith.constant 0 : index
    %get3A_488 = arith.constant 0 : index
    %get3A_489 = vector.load %arg7[%get3A_487, %get3A_488] : memref<1x64xf32, #tpu.memory_space<vmem>>, vector<1x64xf32>
    %add3A_490 = vector.broadcast %get3A_489 : vector<1x64xf32> to vector<2x64xf32>
    %add3A_491 = arith.addf %dot_general3A_486, %add3A_490 : vector<2x64xf32>
    %logistic3A_492 = arith.negf %add3A_491 : vector<2x64xf32>
    %logistic3A_493 = math.exp %logistic3A_492 : vector<2x64xf32>
    %logistic3A_494 = arith.constant 1.000000e+00 : f32
    %logistic3A_495 = vector.broadcast %logistic3A_494 : f32 to vector<2x64xf32>
    %logistic3A_496 = arith.addf %logistic3A_495, %logistic3A_493 : vector<2x64xf32>
    %logistic3A_497 = arith.divf %logistic3A_495, %logistic3A_496 : vector<2x64xf32>
    %mul3A_498 = arith.mulf %add3A_491, %logistic3A_497 : vector<2x64xf32>
    %get3A_499 = arith.constant 0 : index
    %get3A_500 = arith.constant 0 : index
    %get3A_501 = vector.load %arg8[%get3A_499, %get3A_500] : memref<64x8xf32, #tpu.memory_space<vmem>>, vector<64x8xf32>
    %dot_general3A_502 = arith.constant dense<0.000000e+00> : vector<2x8xf32>
    %dot_general3A_503 = tpu.matmul %mul3A_498, %get3A_501, %dot_general3A_502 {dimension_numbers = #tpu.dot_dimension_numbers<[1], [0], [0], [1], [0, 0, 1, 1], [], []>, transpose_lhs_hint = false} : vector<2x64xf32>, vector<64x8xf32>, vector<2x8xf32> -> vector<2x8xf32>
    %get3A_504 = arith.constant 0 : index
    %get3A_505 = arith.constant 0 : index
    %get3A_506 = vector.load %arg9[%get3A_504, %get3A_505] : memref<1x8xf32, #tpu.memory_space<vmem>>, vector<1x8xf32>
    %add3A_507 = vector.broadcast %get3A_506 : vector<1x8xf32> to vector<2x8xf32>
    %add3A_508 = arith.addf %dot_general3A_503, %add3A_507 : vector<2x8xf32>
    %swap3A = arith.constant 0 : index
    %swap3A_509 = arith.constant 0 : index
    %swap3A_510 = vector.load %arg10[%swap3A, %swap3A_509] : memref<2x8xf32, #tpu.memory_space<vmem>>, vector<2x8xf32>
    tpu.vector_store %arg10[%swap3A, %swap3A_509], %add3A_508 {strides = array<i32>} : memref<2x8xf32, #tpu.memory_space<vmem>>, vector<2x8xf32>,
    return
  }
}

</mosaic_0001>

<sc_bundles>
// kernel: kernel.12.cloned.1.call-start
scs
__scs_entry_jumppad:
0x0: {  	(pc) =	sbr.rel $0x88, $3  }
0x1: {  	(tag) =	ssettag $0x0;
	lr =	simm.s32 $0x1  }
0x2: {  	[smem:$0x3F8F] =	sst lr;
	_ =	strace $0xD0000000  }
0x3: {  	_ = 	snop  }
0x4: {  	_ = 	snop  }
0x5: {  	_ = 	snop  }
0x6: {  	_ = 	snop  }
0x7: {  	_ = 	snop  }
__scs_overlays_trampoline_lowered:
0x8: {  	[smem:$0x3F9E] =	sst s0  }
0x9: {  	[smem:$0x3F9F] =	sst s1  }
0xa: {  	[smem:$0x3FA0] =	sst s2  }
0xb: {  	[smem:$0x3FA1] =	sst s3  }
0xc: {  	[smem:$0x3FA2] =	sst s4  }
0xd: {  	[smem:$0x3FA3] =	sst s5  }
0xe: {  	[smem:$0x3FA4] =	sst s6  }
0xf: {  	[smem:$0x3FA5] =	sst s7  }
0x10: {  	[smem:$0x3FA6] =	sst s8  }
0x11: {  	[smem:$0x3FA7] =	sst s9;
	s0 =	simm.s32 @!p0 $0x0  }
0x12: {  	s1 =	sld [smem:$0x3F8D];
	s0 =	simm.s32 @p0 $0x1  }
0x13: {  	[smem:$0x3FA8] =	sst s0;
	s0 =	simm.s32 @!p1 $0x0  }
0x14: {  	s2 =	sld [smem:$0x3F8C];
	s0 =	simm.s32 @p1 $0x1  }
0x15: {  	[smem:$0x3FA9] =	sst s0;
	s0 =	simm.s32 @!p2 $0x0  }
0x16: {  	s3 =	sld [smem:$0x3FDB];
	s0 =	simm.s32 @p2 $0x1  }
0x17: {  	s4 =	simm.s32 $0x1BF5;
	[smem:$0x3FAB] =	sst s0  }
0x18: {  	s0 =	sld [smem:$0x3F8E];
	_ =	swait.ge [sflag:s4], $0x0  }
0x19: {  	s7 =	sld [smem:$0x3F8F]  }
0x1a: {  	s8 =	sadd.s32 $0xFFFFE003, lr  }
0x1b: {  	s9 =	sadd.s32 $0xFFFFFEF7, lr;
	s5 =	simm.s32 $0xFFFFFFFF;
	p2 =	slt.u32 s8, $0xFFFFF086  }
0x1c: {  	p1 =	slt.u32 s9, $0xF7A;
	s5 =	simm.s32 @!p2 $0x0  }
0x1d: {  	s5 =	simm.s32 @p1 $0x1;
	p0 =	seq.s32 s7, s2  }
0x1e: {  	s7 =	smul.u32 @!p0 $0xF7A, s2;
	p2 =	seq.s32 @!p0 s5, $0x0  }
0x1f: {  	s9 =	smul.u32 $0xF7A, s1;
	s8 =	simm.s32 @!p0 $0x1BF5;
	p2 =	por !p2, p0  }
0x20: {  	[sflag:s8] =	ssyncset.s32 @!p0 $0xFFFFF086;
	s6 =	sadd.s32 @!p0 s3, s7;
	s7 =	simm.s32 @!p0 $0x108  }
0x21: {  	s3 =	sadd.s32 s3, s9;
	s6 =	sadd.s32 @!p0 $0x88, s6;
	s7 =	simm.s32 @p2 $0x1082  }
0x22: {  	[simem:s7], [sflag:s8] =	dma.local @!p0 [hbm:s6], $0xF7A  }
0x23: {  	s9 =	sor.u32 $0xD0000000, s2;
	s6 =	simm.s32 $0x108;
	_ =	swait.ge @!p0 [sflag:s8], $0x0  }
0x24: {  	s3 =	sadd.s32 $0x88, s3;
	s6 =	simm.s32 @!p1 $0x1082;
	[sflag:s4] =	ssyncset.s32 $0xFFFFF086  }
0x25: {  	[simem:s6], [sflag:s4] =	dma.local [hbm:s3], $0xF7A  }
0x26: {  	[smem:$0x3F8F] =	sst s1;
	(tag) =	ssettag s2;
	_ =	strace s9  }
0x27: {  	s1 =	sld [smem:$0x3F9F]  }
0x28: {  	s2 =	sld [smem:$0x3FA0]  }
0x29: {  	s4 =	sld [smem:$0x3FA2]  }
0x2a: {  	p0 =	seq.s32 s5, $0x0;
	s5 =	sld [smem:$0x3FA3]  }
0x2b: {  	s6 =	sld [smem:$0x3FA4]  }
0x2c: {  	s7 =	sld [smem:$0x3FA5]  }
0x2d: {  	s3 =	simm.s32 $0x108;
	s8 =	sld [smem:$0x3FA6]  }
0x2e: {  	s3 =	simm.s32 @!p0 $0x1082;
	s9 =	sld [smem:$0x3FA7]  }
0x2f: {  	lr =	sadd.s32 s0, s3;
	s0 =	sld [smem:$0x3F9E]  }
0x30: {  	s3 =	sld [smem:$0x3FA1]  }
0x31: {  	[smem:$0x3FAA] =	sst s10  }
0x32: {  	s10 =	sld [smem:$0x3FA8];
	_ =	sdelay $0x3  }
0x33: {  	p0 =	seq.s32 s10, $0x1;
	s10 =	sld [smem:$0x3FAA];
	_ =	sdelay $0x3  }
0x34: {  	[smem:$0x3FAA] =	sst s10  }
0x35: {  	s10 =	sld [smem:$0x3FA9];
	_ =	sdelay $0x3  }
0x36: {  	p1 =	seq.s32 s10, $0x1;
	s10 =	sld [smem:$0x3FAA];
	_ =	sdelay $0x3  }
0x37: {  	[smem:$0x3FAA] =	sst s10  }
0x38: {  	s10 =	sld [smem:$0x3FAB]  }
0x39: {  	_ = 	snop;
	(pc) =	sbr.ind lr, $3  }
0x3a: {  	_ = 	snop  }
0x3b: {  	_ = 	snop  }
0x3c: {  	p2 =	seq.s32 s10, $0x1;
	s10 =	sld [smem:$0x3FAA]  }
0x3d: {  	_ =	shalt  }
0x3e: {  	_ =	shalt  }
0x3f: {  	_ =	shalt  }
0x40: {  	_ =	shalt  }
0x41: {  	_ =	shalt  }
0x42: {  	_ =	shalt  }
0x43: {  	_ =	shalt  }
0x44: {  	_ =	shalt  }
0x45: {  	_ =	shalt  }
0x46: {  	_ =	shalt  }
0x47: {  	_ =	shalt  }
0x48: {  	_ =	shalt  }
0x49: {  	_ =	shalt  }
0x4a: {  	_ =	shalt  }
0x4b: {  	_ =	shalt  }
0x4c: {  	_ =	shalt  }
0x4d: {  	_ =	shalt  }
0x4e: {  	_ =	shalt  }
0x4f: {  	_ =	shalt  }
0x50: {  	_ =	shalt  }
0x51: {  	_ =	shalt  }
0x52: {  	_ =	shalt  }
0x53: {  	_ =	shalt  }
0x54: {  	_ =	shalt  }
0x55: {  	_ =	shalt  }
0x56: {  	_ =	shalt  }
0x57: {  	_ =	shalt  }
0x58: {  	_ =	shalt  }
0x59: {  	_ =	shalt  }
0x5a: {  	_ =	shalt  }
0x5b: {  	_ =	shalt  }
0x5c: {  	_ =	shalt  }
0x5d: {  	_ =	shalt  }
0x5e: {  	_ =	shalt  }
0x5f: {  	_ =	shalt  }
0x60: {  	_ =	shalt  }
0x61: {  	_ =	shalt  }
0x62: {  	_ =	shalt  }
0x63: {  	_ =	shalt  }
0x64: {  	_ =	shalt  }
0x65: {  	_ =	shalt  }
0x66: {  	_ =	shalt  }
0x67: {  	_ =	shalt  }
0x68: {  	_ =	shalt  }
0x69: {  	_ =	shalt  }
0x6a: {  	_ =	shalt  }
0x6b: {  	_ =	shalt  }
0x6c: {  	_ =	shalt  }
0x6d: {  	_ =	shalt  }
0x6e: {  	_ =	shalt  }
0x6f: {  	_ =	shalt  }
0x70: {  	_ =	shalt  }
0x71: {  	_ =	shalt  }
0x72: {  	_ =	shalt  }
0x73: {  	_ =	shalt  }
0x74: {  	_ =	shalt  }
0x75: {  	_ =	shalt  }
0x76: {  	_ =	shalt  }
0x77: {  	_ =	shalt  }
0x78: {  	_ =	shalt  }
0x79: {  	_ =	shalt  }
0x7a: {  	_ =	shalt  }
0x7b: {  	_ =	shalt  }
0x7c: {  	_ =	shalt  }
0x7d: {  	_ =	shalt  }
0x7e: {  	_ =	shalt  }
0x7f: {  	_ =	shalt  }
0x80: {  	_ =	shalt  }
0x81: {  	_ =	shalt  }
0x82: {  	_ =	shalt  }
0x83: {  	_ =	shalt  }
0x84: {  	_ =	shalt  }
0x85: {  	_ =	shalt  }
0x86: {  	_ =	shalt  }
0x87: {  	_ =	shalt  }
.Lfunc_end0:
.L_simem_size_0:
called_computation_lowered:
.L_overlay_start_0:
0x88: {  	s2 =	sld [smem:$0x3FD9]  }
0x89: {  	s3 =	sld [smem:$0x3FFE];
	_ =	sdelay $0x1  }
0x8a: {  	s1 =	srdreg.scid  }
0x8b: {  	s0 =	sand.u32 $0x1, s1  }
0x8c: {  	s16 =	sshll.u32 s0, $0xA;
	s2 =	sadd.s32 s3, s2  }
0x8d: {  	s2 =	sadd.s32 s2, s16  }
0x8e: {  	[smem:$0x3FB6] =	sst s2  }
0x8f: {  	_ = 	snop  }
0x90: {  	(tm) =	ssettm $0x1  }
0x91: {  	s17 =	sld [smem:$0x3FFB];
	_ =	sdelay $0x3  }
0x92: {  	_ =	strace s17  }
0x93: {  	s2 =	sld [smem:$0x3FFC];
	_ =	sdelay $0x3  }
0x94: {  	_ =	strace s2  }
0x95: {  	s2 =	sld [smem:$0x3FFD];
	_ =	sdelay $0x3  }
0x96: {  	_ =	strace s2  }
0x97: {  	_ =	strace $0x8FFFFFFF  }
0x98: {  	s18 =	sld [smem:$0x3FDB];
	_ =	sdelay $0x1  }
0x99: {  	s19 =	simm.s32 $_scs_section_size  }
0x9a: {  	s4 =	simm.s32 $_size__tile_overlayer_lowered;
	s5 =	simm.s32 $_tile_overlayer_lowered  }
0x9b: {  	s22 =	simm.s32 $0x1BFF;
	s21 =	sshll.u32 s5, $0x1;
	s2 =	sadd.s32 s19, s18  }
0x9c: {  	s6 =	simm.s32 $0x0;
	s20 =	sshll.u32 s4, $0x1;
	s4 =	sadd.s32 s21, s2  }
0x9d: {  	[timem:s6], [sflag:s22] =	dma.local [hbm:s4], s20  }
0x9e: {  	_ =	swait.ge [sflag:s22], s20  }
0x9f: {  	s3 =	ssub.s32 $0x0, s20;
	[sflag:s22] =	ssyncset.done $0x0  }
0xa0: {  	[sflag:s22] =	ssyncadd.s32 s3;
	_ =	sdelay $0x1  }
0xa1: {  	s23 =	simm.s32 $0x1B8B  }
0xa2: {  	_ =	swait.ge [sflag:s23], $0x1  }
0xa3: {  	[sflag:s23] =	ssyncset.done $0x0  }
0xa4: {  	s25 =	simm.s32 $0x1B8E;
	s24 =	sld [smem:$0x3FFE];
	[sflag:s23] =	ssyncadd.s32 $0xFFFFFFFF  }
0xa5: {  	s26 =	simm.s32 $execute0_lowered;
	[smem:$0x3FD2] =	sst s25  }
0xa6: {  	s4 =	sshll.u32 s26, $0x1;
	_ =	strace $0x80000046;
	[dreg:$0x1] =	wrdreg $0xFFFFFFFF  }
0xa7: {  	s28 =	simm.s32 $_size_execute0_lowered;
	s2 =	sadd.s32 s2, s4;
	[dreg:$0x0] =	wrdreg $0x0  }
0xa8: {  	s4 =	sshll.u32 s28, $0x1;
	[dreg:$0x2] =	wrdreg s2  }
0xa9: {  	[dreg:$0x3] =	wrdreg s4  }
0xaa: {  	[dreg:$0x4] =	wrdreg $0xC0  }
0xab: {  	_ =	task [dreg:s6], $0x5FFFF  }
0xac: {  	[dreg:$0x1] =	wrdreg $0xFFFFFFFF  }
0xad: {  	[dreg:$0x0] =	wrdreg $0x60  }
0xae: {  	[dreg:$0x2] =	wrdreg s24  }
0xaf: {  	[dreg:$0x3] =	wrdreg $0x54000  }
0xb0: {  	[dreg:$0x4] =	wrdreg $0x9  }
0xb1: {  	_ =	task.clear_ibuf [dreg:s6], $0x5FFFF;
	_ =	strace $0x90000046  }
0xb2: {  	s29 =	simm.s32 $0x9;
	_ =	strace $0x80000048  }
0xb3: {  	_ =	swait.ge [sflag:s29], $0x1  }
0xb4: {  	[sflag:s29] =	ssyncadd.s32 $0xFFFFFFFF  }
0xb5: {  	_ =	strace $0x90000048  }
0xb6: {  	_ =	sfence  }
0xb7: {  	s30 =	sld [smem:$0x0];
	_ =	sdelay $0x2  }
0xb8: {  	s31 =	sshll.u32 s1, $0xD;
	s1 =	sshrl.u32 s1, $0x2  }
0xb9: {  	s3 =	sand.u32 $0x4000, s31;
	s1 =	sadd.s32 s1, s30  }
0xba: {  	s0 =	sor.u32 s3, s0;
	s1 =	sshll.u32 s1, $0x11  }
0xbb: {  	s0 =	sor.u32 s1, s0  }
0xbc: {  	s0 =	sadd.s32 $0x8F2B, s0  }
0xbd: {  	[sflag:s0] =	ssyncadd.remote.s32 $0x1  }
0xbe: {  	_ =	sfence.sel $0xFFFF  }
0xbf: {  	[dreg:$0x0] =	wrdreg $0xFFFFFFFF;
	(pc) =	sbr.abs _section_cstart, $3  }
0xc0: {  	[dreg:$0x1] =	wrdreg $0xFFFFFFFF  }
0xc1: {  	_ =	task.clear_ibuf [dreg:s6], $0x2FFFF;
	_ =	strace $0x9FFFFFFF  }
0xc2: {  	(tm) =	ssettm $0x7FFFFFFF  }
0xc3: {  	_ =	shalt  }
tec
execute0_lowered:
.L_overlay_start_1:
0x0: {  	(tag) =	ssettag $0x1  }
0x1: {  	s5 =	rddreg [dreg:$0x0]  }
0x2: {  	s0 =	srdreg.scid;
	s2 =	rddreg [dreg:$0x1]  }
0x3: {  	s3 =	simm.s32 $0x0;
	s4 =	sand.u32 $0x1, s0;
	s0 =	stileid.u32  }
0x4: {  	s12 =	simm.s32 $0x80;
	[smem:$0x7FF] =	sst s3;
	s13 =	smul.u32 $0x2800, s0  }
0x5: {  	s1 =	sshll.u32 s4, $0x4;
	s7 =	smul.u32 $0x28000, s4;
	s9 =	ssub.s32 $0x2, s4  }
0x6: {  	s10 =	smul.u32 $0x50000, s0;
	s4 =	sadd.s32 $0x2FA00, s5;
	s31 =	sshll.u32 s0, $0x6  }
0x7: {  	s6 =	sor.u32 s0, s1;
	s1 =	rddreg [dreg:$0x2];
	_ =	strace $0x80000047  }
0x8: {  	s29 =	sshrl.u32 s9, $0x1;
	s6 =	smul.u32 $0x280, s6;
	s8 =	sadd.s32 s13, s5  }
0x9: {  	s7 =	sadd.s32 s7, s5;
	s9 =	ssub.s32 s9, s29;
	s30 =	sshrl.u32 s10, $0x2  }
0xa: {  	s10 =	sor.u32 $0x1C01, s31;
	s11 =	sadd.s32 s30, s2;
	s14 =	sadd.s32 $0x30200, s7  }
0xb: {  	s7 =	smax.u32 s9, $0x1;
	s9 =	simm.s32 $0x1400;
	s6 =	sadd.s32 s6, s5  }
0xc: {  	s11 =	sshrl.u32 s11, $0x3;
	s13 =	sadd.s32 s13, s14;
	s14 =	simm.s32 $0x0  }
0xd: {  	s5 =	sadd.s32 $0x2A00, s6;
	s6 =	sadd.s32 $0x7A00, s8;
	s8 =	simm.s32 $0x1  }
.LBB2_1:
0xe: {  	[tilespmem:s3], [sflag:$0x1] =	stream.linear.gather [hbm4b:s5+s3], $0x1400, $0x38;
	[tilespmem:$0x7C00] =	vst v63  }
0xf: {  	_ =	swait.ge [sflag:s8], $0x1400  }
0x10: {  	[sflag:s8] =	ssyncset.done $0x0  }
0x11: {  	[sflag:s8] =	ssyncadd.s32 $0xFFFFEC00  }
0x12: {  	[tilespmem:s9], [sflag:$0x1] =	stream.linear.gather [hbm4b:s4+s3], $0x4000, $0x38;
	[tilespmem:$0x7C00] =	vst v63  }
0x13: {  	_ =	swait.ge [sflag:s8], $0x4000  }
0x14: {  	[sflag:s8] =	ssyncset.done $0x0  }
0x15: {  	[sflag:s8] =	ssyncadd.s32 $0xFFFFC000  }
0x16: {  	[spmem:s11], [sflag:s10] =	dma.local [hbm:s6], $0x2800  }
0x17: {  	_ =	swait.ge [sflag:s8], $0x2800  }
0x18: {  	[sflag:s8] =	ssyncset.done $0x0  }
0x19: {  	[sflag:s8] =	ssyncadd.s32 $0xFFFFD800  }
0x1a: {  	s15 =	simm.s32 $0x0;
	[bflag:$0x0] =	sbarrier.arrive $0xFFFF  }
0x1b: {  	[spmem:s2] =	stream.indirect.scatter.add.f32 [tilespmem:s9], [sflag:$0x1], $0x10, s15, s12, $0xb8;
	[tilespmem:$0x7C00] =	vst v63  }
0x1c: {  	_ =	swait.ge [sflag:s8], $0x800  }
0x1d: {  	s15 =	simm.s32 $0x200;
	[sflag:s8] =	ssyncset.done $0x0  }
.LBB2_2:
0x1e: {  	s16 =	sshra.s32 s15, $0x2;
	[sflag:s8] =	ssyncadd.s32 $0xFFFFF800;
	p0 =	sne.s32 s15, $0x4E00  }
0x1f: {  	[spmem:s2] =	stream.indirect.scatter.add.f32 [tilespmem:s9], [sflag:$0x1], $0x10, s16, s12, $0xb8;
	[tilespmem:$0x7C00] =	vst v63  }
.Ltmp0:
0x20: {  	_ = 	snop;
	(pc) =	sbr.rel @p0 .LBB2_2-.Ltmp0, $4  }
0x21: {  	_ = 	snop  }
0x22: {  	s15 =	sadd.s32 $0x200, s15  }
0x23: {  	_ =	swait.ge [sflag:s8], $0x800  }
0x24: {  	[sflag:s8] =	ssyncset.done $0x0  }
0x25: {  	s14 =	sadd.s32 $0x1, s14  }
0x26: {  	[sflag:s8] =	ssyncadd.s32 $0xFFFFF800;
	p0 =	sne.s32 s14, s7  }
.Ltmp1:
0x27: {  	[bflag:$0x0] =	sbarrier.arrive $0xFFFF;
	(pc) =	sbr.rel @p0 .LBB2_1-.Ltmp1, $4  }
0x28: {  	[hbm:s13], [sflag:s10] =	dma.local [spmem:s11], $0x2800  }
0x29: {  	_ =	swait.ge [sflag:s8], $0x2800  }
0x2a: {  	[sflag:s8] =	ssyncset.done $0x0  }
0x2b: {  	[sflag:s8] =	ssyncadd.s32 $0xFFFFD800  }
0x2c: {  	_ =	sfence.sel $0x180000  }
0x2d: {  	[bflag:$0x0] =	sbarrier.arrive $0xFFFF  }
0x2e: {  	p0 =	sne.s32 s0, $0x0;
	_ =	strace $0x90000047  }
0x2f: {  	s0 =	sadd.s32 @!p0 $0x100000, s1;
	[bflag:$0x2] =	sbarrier.arrive $0xFFFF  }
0x30: {  	[sflag:s0] =	ssyncadd.tile.s32 @!p0 $0x1;
	_ =	shalt  }
.Lfunc_end2:
_tile_overlayer_lowered:
.L_overlay_start_2:
0x31: {  	(tag) =	ssettag $0x2  }
0x32: {  	s0 =	rddreg [dreg:$0x0];
	s2 =	stileid.u32  }
0x33: {  	s1 =	rddreg [dreg:$0x1];
	p0 =	sne.s32 s2, $0x0  }
0x34: {  	s3 =	rddreg [dreg:$0x2];
	[bflag:$0x3] =	sbarrier.arrive $0xFFFF;
	s2 =	simm.s32 @!p0 $0x1C01  }
0x35: {  	[timem:s3], [sflag:s2] =	dma.local @!p0 [hbm:s0], s1  }
0x36: {  	s0 =	simm.s32 @!p0 $0x1  }
0x37: {  	_ =	swait.ge @!p0 [sflag:s0], s1  }
0x38: {  	s1 =	ssub.s32 @!p0 $0x0, s1;
	[sflag:s0] =	ssyncset.done @!p0 $0x0  }
0x39: {  	[sflag:s0] =	ssyncadd.s32 @!p0 s1  }
0x3a: {  	[bflag:$0x3] =	sbarrier.arrive $0xFFFF  }
0x3b: {  	_ =	shalt  }

// kernel: kernel.15.cloned.1.call-start
scs
__scs_entry_jumppad:
0x0: {  	(pc) =	sbr.rel $0x88, $3  }
0x1: {  	(tag) =	ssettag $0x0;
	lr =	simm.s32 $0x1  }
0x2: {  	[smem:$0x3F8F] =	sst lr;
	_ =	strace $0xD0000000  }
0x3: {  	_ = 	snop  }
0x4: {  	_ = 	snop  }
0x5: {  	_ = 	snop  }
0x6: {  	_ = 	snop  }
0x7: {  	_ = 	snop  }
__scs_overlays_trampoline_lowered:
0x8: {  	[smem:$0x3F9E] =	sst s0  }
0x9: {  	[smem:$0x3F9F] =	sst s1  }
0xa: {  	[smem:$0x3FA0] =	sst s2  }
0xb: {  	[smem:$0x3FA1] =	sst s3  }
0xc: {  	[smem:$0x3FA2] =	sst s4  }
0xd: {  	[smem:$0x3FA3] =	sst s5  }
0xe: {  	[smem:$0x3FA4] =	sst s6  }
0xf: {  	[smem:$0x3FA5] =	sst s7  }
0x10: {  	[smem:$0x3FA6] =	sst s8  }
0x11: {  	[smem:$0x3FA7] =	sst s9;
	s0 =	simm.s32 @!p0 $0x0  }
0x12: {  	s1 =	sld [smem:$0x3F8D];
	s0 =	simm.s32 @p0 $0x1  }
0x13: {  	[smem:$0x3FA8] =	sst s0;
	s0 =	simm.s32 @!p1 $0x0  }
0x14: {  	s2 =	sld [smem:$0x3F8C];
	s0 =	simm.s32 @p1 $0x1  }
0x15: {  	[smem:$0x3FA9] =	sst s0;
	s0 =	simm.s32 @!p2 $0x0  }
0x16: {  	s3 =	sld [smem:$0x3FDB];
	s0 =	simm.s32 @p2 $0x1  }
0x17: {  	s4 =	simm.s32 $0x1BF5;
	[smem:$0x3FAB] =	sst s0  }
0x18: {  	s0 =	sld [smem:$0x3F8E];
	_ =	swait.ge [sflag:s4], $0x0  }
0x19: {  	s7 =	sld [smem:$0x3F8F]  }
0x1a: {  	s8 =	sadd.s32 $0xFFFFE003, lr  }
0x1b: {  	s9 =	sadd.s32 $0xFFFFFEF7, lr;
	s5 =	simm.s32 $0xFFFFFFFF;
	p2 =	slt.u32 s8, $0xFFFFF086  }
0x1c: {  	p1 =	slt.u32 s9, $0xF7A;
	s5 =	simm.s32 @!p2 $0x0  }
0x1d: {  	s5 =	simm.s32 @p1 $0x1;
	p0 =	seq.s32 s7, s2  }
0x1e: {  	s7 =	smul.u32 @!p0 $0xF7A, s2;
	p2 =	seq.s32 @!p0 s5, $0x0  }
0x1f: {  	s9 =	smul.u32 $0xF7A, s1;
	s8 =	simm.s32 @!p0 $0x1BF5;
	p2 =	por !p2, p0  }
0x20: {  	[sflag:s8] =	ssyncset.s32 @!p0 $0xFFFFF086;
	s6 =	sadd.s32 @!p0 s3, s7;
	s7 =	simm.s32 @!p0 $0x108  }
0x21: {  	s3 =	sadd.s32 s3, s9;
	s6 =	sadd.s32 @!p0 $0x88, s6;
	s7 =	simm.s32 @p2 $0x1082  }
0x22: {  	[simem:s7], [sflag:s8] =	dma.local @!p0 [hbm:s6], $0xF7A  }
0x23: {  	s9 =	sor.u32 $0xD0000000, s2;
	s6 =	simm.s32 $0x108;
	_ =	swait.ge @!p0 [sflag:s8], $0x0  }
0x24: {  	s3 =	sadd.s32 $0x88, s3;
	s6 =	simm.s32 @!p1 $0x1082;
	[sflag:s4] =	ssyncset.s32 $0xFFFFF086  }
0x25: {  	[simem:s6], [sflag:s4] =	dma.local [hbm:s3], $0xF7A  }
0x26: {  	[smem:$0x3F8F] =	sst s1;
	(tag) =	ssettag s2;
	_ =	strace s9  }
0x27: {  	s1 =	sld [smem:$0x3F9F]  }
0x28: {  	s2 =	sld [smem:$0x3FA0]  }
0x29: {  	s4 =	sld [smem:$0x3FA2]  }
0x2a: {  	p0 =	seq.s32 s5, $0x0;
	s5 =	sld [smem:$0x3FA3]  }
0x2b: {  	s6 =	sld [smem:$0x3FA4]  }
0x2c: {  	s7 =	sld [smem:$0x3FA5]  }
0x2d: {  	s3 =	simm.s32 $0x108;
	s8 =	sld [smem:$0x3FA6]  }
0x2e: {  	s3 =	simm.s32 @!p0 $0x1082;
	s9 =	sld [smem:$0x3FA7]  }
0x2f: {  	lr =	sadd.s32 s0, s3;
	s0 =	sld [smem:$0x3F9E]  }
0x30: {  	s3 =	sld [smem:$0x3FA1]  }
0x31: {  	[smem:$0x3FAA] =	sst s10  }
0x32: {  	s10 =	sld [smem:$0x3FA8];
	_ =	sdelay $0x3  }
0x33: {  	p0 =	seq.s32 s10, $0x1;
	s10 =	sld [smem:$0x3FAA];
	_ =	sdelay $0x3  }
0x34: {  	[smem:$0x3FAA] =	sst s10  }
0x35: {  	s10 =	sld [smem:$0x3FA9];
	_ =	sdelay $0x3  }
0x36: {  	p1 =	seq.s32 s10, $0x1;
	s10 =	sld [smem:$0x3FAA];
	_ =	sdelay $0x3  }
0x37: {  	[smem:$0x3FAA] =	sst s10  }
0x38: {  	s10 =	sld [smem:$0x3FAB]  }
0x39: {  	_ = 	snop;
	(pc) =	sbr.ind lr, $3  }
0x3a: {  	_ = 	snop  }
0x3b: {  	_ = 	snop  }
0x3c: {  	p2 =	seq.s32 s10, $0x1;
	s10 =	sld [smem:$0x3FAA]  }
0x3d: {  	_ =	shalt  }
0x3e: {  	_ =	shalt  }
0x3f: {  	_ =	shalt  }
0x40: {  	_ =	shalt  }
0x41: {  	_ =	shalt  }
0x42: {  	_ =	shalt  }
0x43: {  	_ =	shalt  }
0x44: {  	_ =	shalt  }
0x45: {  	_ =	shalt  }
0x46: {  	_ =	shalt  }
0x47: {  	_ =	shalt  }
0x48: {  	_ =	shalt  }
0x49: {  	_ =	shalt  }
0x4a: {  	_ =	shalt  }
0x4b: {  	_ =	shalt  }
0x4c: {  	_ =	shalt  }
0x4d: {  	_ =	shalt  }
0x4e: {  	_ =	shalt  }
0x4f: {  	_ =	shalt  }
0x50: {  	_ =	shalt  }
0x51: {  	_ =	shalt  }
0x52: {  	_ =	shalt  }
0x53: {  	_ =	shalt  }
0x54: {  	_ =	shalt  }
0x55: {  	_ =	shalt  }
0x56: {  	_ =	shalt  }
0x57: {  	_ =	shalt  }
0x58: {  	_ =	shalt  }
0x59: {  	_ =	shalt  }
0x5a: {  	_ =	shalt  }
0x5b: {  	_ =	shalt  }
0x5c: {  	_ =	shalt  }
0x5d: {  	_ =	shalt  }
0x5e: {  	_ =	shalt  }
0x5f: {  	_ =	shalt  }
0x60: {  	_ =	shalt  }
0x61: {  	_ =	shalt  }
0x62: {  	_ =	shalt  }
0x63: {  	_ =	shalt  }
0x64: {  	_ =	shalt  }
0x65: {  	_ =	shalt  }
0x66: {  	_ =	shalt  }
0x67: {  	_ =	shalt  }
0x68: {  	_ =	shalt  }
0x69: {  	_ =	shalt  }
0x6a: {  	_ =	shalt  }
0x6b: {  	_ =	shalt  }
0x6c: {  	_ =	shalt  }
0x6d: {  	_ =	shalt  }
0x6e: {  	_ =	shalt  }
0x6f: {  	_ =	shalt  }
0x70: {  	_ =	shalt  }
0x71: {  	_ =	shalt  }
0x72: {  	_ =	shalt  }
0x73: {  	_ =	shalt  }
0x74: {  	_ =	shalt  }
0x75: {  	_ =	shalt  }
0x76: {  	_ =	shalt  }
0x77: {  	_ =	shalt  }
0x78: {  	_ =	shalt  }
0x79: {  	_ =	shalt  }
0x7a: {  	_ =	shalt  }
0x7b: {  	_ =	shalt  }
0x7c: {  	_ =	shalt  }
0x7d: {  	_ =	shalt  }
0x7e: {  	_ =	shalt  }
0x7f: {  	_ =	shalt  }
0x80: {  	_ =	shalt  }
0x81: {  	_ =	shalt  }
0x82: {  	_ =	shalt  }
0x83: {  	_ =	shalt  }
0x84: {  	_ =	shalt  }
0x85: {  	_ =	shalt  }
0x86: {  	_ =	shalt  }
0x87: {  	_ =	shalt  }
.Lfunc_end0:
.L_simem_size_0:
called_computation.1_lowered:
.L_overlay_start_0:
0x88: {  	s2 =	sld [smem:$0x3FD9]  }
0x89: {  	s3 =	sld [smem:$0x3FFE];
	_ =	sdelay $0x1  }
0x8a: {  	s1 =	srdreg.scid  }
0x8b: {  	s0 =	sand.u32 $0x1, s1  }
0x8c: {  	s16 =	sshll.u32 s0, $0xA;
	s2 =	sadd.s32 s3, s2  }
0x8d: {  	s2 =	sadd.s32 s2, s16  }
0x8e: {  	[smem:$0x3FB6] =	sst s2  }
0x8f: {  	_ = 	snop  }
0x90: {  	(tm) =	ssettm $0x1  }
0x91: {  	s17 =	sld [smem:$0x3FFB];
	_ =	sdelay $0x3  }
0x92: {  	_ =	strace s17  }
0x93: {  	s2 =	sld [smem:$0x3FFC];
	_ =	sdelay $0x3  }
0x94: {  	_ =	strace s2  }
0x95: {  	s2 =	sld [smem:$0x3FFD];
	_ =	sdelay $0x3  }
0x96: {  	_ =	strace s2  }
0x97: {  	_ =	strace $0x8FFFFFFF  }
0x98: {  	s18 =	sld [smem:$0x3FDB];
	_ =	sdelay $0x1  }
0x99: {  	s19 =	simm.s32 $_scs_section_size  }
0x9a: {  	s4 =	simm.s32 $_size__tile_overlayer_lowered;
	s5 =	simm.s32 $_tile_overlayer_lowered  }
0x9b: {  	s22 =	simm.s32 $0x1BFF;
	s21 =	sshll.u32 s5, $0x1;
	s2 =	sadd.s32 s19, s18  }
0x9c: {  	s6 =	simm.s32 $0x0;
	s20 =	sshll.u32 s4, $0x1;
	s4 =	sadd.s32 s21, s2  }
0x9d: {  	[timem:s6], [sflag:s22] =	dma.local [hbm:s4], s20  }
0x9e: {  	_ =	swait.ge [sflag:s22], s20  }
0x9f: {  	s3 =	ssub.s32 $0x0, s20;
	[sflag:s22] =	ssyncset.done $0x0  }
0xa0: {  	[sflag:s22] =	ssyncadd.s32 s3;
	_ =	sdelay $0x1  }
0xa1: {  	s23 =	simm.s32 $0x1B8B  }
0xa2: {  	_ =	swait.ge [sflag:s23], $0x1  }
0xa3: {  	[sflag:s23] =	ssyncset.done $0x0  }
0xa4: {  	s25 =	simm.s32 $0x1B8E;
	s24 =	sld [smem:$0x3FFE];
	[sflag:s23] =	ssyncadd.s32 $0xFFFFFFFF  }
0xa5: {  	s26 =	simm.s32 $execute0_lowered;
	[smem:$0x3FD2] =	sst s25  }
0xa6: {  	s4 =	sshll.u32 s26, $0x1;
	_ =	strace $0x80000049;
	[dreg:$0x1] =	wrdreg $0xFFFFFFFF  }
0xa7: {  	s28 =	simm.s32 $_size_execute0_lowered;
	s2 =	sadd.s32 s2, s4;
	[dreg:$0x0] =	wrdreg $0x0  }
0xa8: {  	s4 =	sshll.u32 s28, $0x1;
	[dreg:$0x2] =	wrdreg s2  }
0xa9: {  	[dreg:$0x3] =	wrdreg s4  }
0xaa: {  	[dreg:$0x4] =	wrdreg $0xC0  }
0xab: {  	_ =	task [dreg:s6], $0x5FFFF  }
0xac: {  	[dreg:$0x1] =	wrdreg $0xFFFFFFFF  }
0xad: {  	[dreg:$0x0] =	wrdreg $0x60  }
0xae: {  	[dreg:$0x2] =	wrdreg s24  }
0xaf: {  	[dreg:$0x3] =	wrdreg $0x90000  }
0xb0: {  	[dreg:$0x4] =	wrdreg $0x9  }
0xb1: {  	_ =	task.clear_ibuf [dreg:s6], $0x5FFFF;
	_ =	strace $0x90000049  }
0xb2: {  	s29 =	simm.s32 $0x9;
	_ =	strace $0x8000004B  }
0xb3: {  	_ =	swait.ge [sflag:s29], $0x1  }
0xb4: {  	[sflag:s29] =	ssyncadd.s32 $0xFFFFFFFF  }
0xb5: {  	_ =	strace $0x9000004B  }
0xb6: {  	_ =	sfence  }
0xb7: {  	s30 =	sld [smem:$0x0];
	_ =	sdelay $0x2  }
0xb8: {  	s31 =	sshll.u32 s1, $0xD;
	s1 =	sshrl.u32 s1, $0x2  }
0xb9: {  	s3 =	sand.u32 $0x4000, s31;
	s1 =	sadd.s32 s1, s30  }
0xba: {  	s0 =	sor.u32 s3, s0;
	s1 =	sshll.u32 s1, $0x11  }
0xbb: {  	s0 =	sor.u32 s1, s0  }
0xbc: {  	s0 =	sadd.s32 $0x8F2B, s0  }
0xbd: {  	[sflag:s0] =	ssyncadd.remote.s32 $0x1  }
0xbe: {  	_ =	sfence.sel $0xFFFF  }
0xbf: {  	[dreg:$0x0] =	wrdreg $0xFFFFFFFF;
	(pc) =	sbr.abs _section_cstart, $3  }
0xc0: {  	[dreg:$0x1] =	wrdreg $0xFFFFFFFF  }
0xc1: {  	_ =	task.clear_ibuf [dreg:s6], $0x2FFFF;
	_ =	strace $0x9FFFFFFF  }
0xc2: {  	(tm) =	ssettm $0x7FFFFFFF  }
0xc3: {  	_ =	shalt  }
tec
execute0_lowered:
.L_overlay_start_1:
0x0: {  	(tag) =	ssettag $0x1  }
0x1: {  	s4 =	rddreg [dreg:$0x0]  }
0x2: {  	s2 =	rddreg [dreg:$0x1]  }
0x3: {  	s0 =	rddreg [dreg:$0x2];
	s3 =	simm.s32 $0x0;
	s1 =	stileid.u32  }
0x4: {  	s6 =	srdreg.scid;
	s14 =	simm.s32 $0x80;
	s15 =	simm.s32 $0x5000  }
0x5: {  	s16 =	simm.s32 $0x1;
	[smem:$0x7FF] =	sst s3;
	s5 =	smul.u32 $0x500, s1  }
0x6: {  	s7 =	sadd.s32 $0x1C5200, s4;
	s6 =	sand.u32 $0x1, s6;
	s9 =	smul.u32 $0x50000, s1  }
0x7: {  	s10 =	sadd.s32 $0x7A00, s4;
	s19 =	smul.u32 $0x2800, s1;
	s31 =	sshll.u32 s1, $0x6  }
0x8: {  	_ =	strace $0x8000004A;
	s8 =	ssub.s32 $0x2, s6;
	s11 =	smul.u32 $0x280000, s6  }
0x9: {  	s12 =	smul.u32 $0x50000, s6;
	s5 =	sadd.s32 s5, s4;
	s28 =	sshrl.u32 s8, $0x1  }
0xa: {  	s29 =	sshrl.u32 s9, $0x2;
	s8 =	ssub.s32 s8, s28;
	s4 =	sadd.s32 $0x1C0200, s5  }
0xb: {  	s5 =	sadd.s32 $0x2A00, s5;
	s30 =	sshrl.u32 s11, $0x3;
	s13 =	sadd.s32 s29, s2  }
0xc: {  	s6 =	sadd.s32 s7, s12;
	s17 =	sadd.s32 s10, s12;
	s12 =	sor.u32 $0x1C02, s31  }
0xd: {  	s9 =	sadd.s32 $0x28000, s30;
	s8 =	smax.u32 s8, $0x1;
	s11 =	sadd.s32 s19, s6  }
0xe: {  	s13 =	sshrl.u32 s13, $0x3;
	s17 =	sadd.s32 s19, s17;
	s7 =	sadd.s32 s7, s9  }
0xf: {  	s20 =	sadd.s32 s10, s9;
	s9 =	simm.s32 $0x2;
	s10 =	simm.s32 $0x2800  }
0x10: {  	s18 =	sadd.s32 s19, s7;
	s19 =	sadd.s32 s19, s20;
	s20 =	simm.s32 $0x0  }
.LBB2_1:
0x11: {  	[tilespmem:s3], [sflag:$0x2] =	stream.linear.gather [hbm4b:s4+s3], $0x2800, $0x38;
	[tilespmem:$0x1D000] =	vst v63  }
0x12: {  	_ =	swait.ge [sflag:s9], $0x2800  }
0x13: {  	[sflag:s9] =	ssyncset.done $0x0  }
0x14: {  	[sflag:s9] =	ssyncadd.s32 $0xFFFFD800  }
0x15: {  	[tilespmem:s10], [sflag:$0x2] =	stream.linear.gather [hbm4b:s5+s3], $0x2800, $0x38;
	[tilespmem:$0x1D000] =	vst v63  }
0x16: {  	_ =	swait.ge [sflag:s9], $0x2800  }
0x17: {  	[sflag:s9] =	ssyncset.done $0x0  }
0x18: {  	[sflag:s9] =	ssyncadd.s32 $0xFFFFD800  }
0x19: {  	[spmem:s13], [sflag:s12] =	dma.local [hbm:s11], $0x2800  }
0x1a: {  	_ =	swait.ge [sflag:s9], $0x2800  }
0x1b: {  	[sflag:s9] =	ssyncset.done $0x0  }
0x1c: {  	[sflag:s9] =	ssyncadd.s32 $0xFFFFD800  }
0x1d: {  	s21 =	simm.s32 $0x0;
	[bflag:$0x0] =	sbarrier.arrive $0xFFFF  }
0x1e: {  	[tilespmem:s15], [sflag:$0x1] =	stream.indirect.gather [hbm4b:s6+s14], $0x80, s21, s14, $0xb8;
	[tilespmem:$0x1D000] =	vst v63  }
0x1f: {  	_ =	swait.ge [sflag:s16], $0x4000  }
0x20: {  	[sflag:s16] =	ssyncset.done $0x0  }
0x21: {  	s31 =	simm.s32 $0x2800;
	[sflag:s16] =	ssyncadd.s32 $0xFFFFC000  }
0x22: {  	[spmem:s2] =	stream.indirect.scatter.add.f32 [tilespmem:s15], [sflag:$0x2], $0x80, s31, s14, $0xb8;
	[tilespmem:$0x1D000] =	vst v63  }
0x23: {  	_ =	swait.ge [sflag:s9], $0x4000  }
0x24: {  	s22 =	simm.s32 $0x400;
	s21 =	simm.s32 $0x200;
	[sflag:s9] =	ssyncset.done $0x0  }
.LBB2_2:
0x25: {  	s23 =	sshra.s32 s21, $0x2  }
0x26: {  	[sflag:s9] =	ssyncadd.s32 $0xFFFFC000;
	s21 =	smov.u32 s22;
	s24 =	sadd.s32 $0x200, s22  }
0x27: {  	[tilespmem:s15], [sflag:$0x1] =	stream.indirect.gather [hbm4b:s6+s14], $0x80, s23, s14, $0xb8;
	[tilespmem:$0x1D000] =	vst v63  }
0x28: {  	p0 =	sne.s32 s22, $0x9E00;
	_ =	swait.ge [sflag:s16], $0x4000  }
.Ltmp0:
0x29: {  	[sflag:s16] =	ssyncset.done $0x0;
	(pc) =	sbr.rel @p0 .LBB2_2-.Ltmp0, $4  }
0x2a: {  	s22 =	sadd.s32 $0x2800, s23;
	[sflag:s16] =	ssyncadd.s32 $0xFFFFC000  }
0x2b: {  	[spmem:s2] =	stream.indirect.scatter.add.f32 [tilespmem:s15], [sflag:$0x2], $0x80, s22, s14, $0xb8;
	[tilespmem:$0x1D000] =	vst v63  }
0x2c: {  	_ =	swait.ge [sflag:s9], $0x4000  }
0x2d: {  	s22 =	smov.u32 s24;
	[sflag:s9] =	ssyncset.done $0x0  }
0x2e: {  	s21 =	sshra.s32 s21, $0x2;
	[sflag:s9] =	ssyncadd.s32 $0xFFFFC000  }
0x2f: {  	[tilespmem:s15], [sflag:$0x1] =	stream.indirect.gather [hbm4b:s6+s14], $0x80, s21, s14, $0xb8;
	[tilespmem:$0x1D000] =	vst v63  }
0x30: {  	_ =	swait.ge [sflag:s16], $0x4000  }
0x31: {  	[sflag:s16] =	ssyncset.done $0x0  }
0x32: {  	s21 =	sadd.s32 $0x2800, s21;
	[sflag:s16] =	ssyncadd.s32 $0xFFFFC000  }
0x33: {  	[spmem:s2] =	stream.indirect.scatter.add.f32 [tilespmem:s15], [sflag:$0x2], $0x80, s21, s14, $0xb8;
	[tilespmem:$0x1D000] =	vst v63  }
0x34: {  	_ =	swait.ge [sflag:s9], $0x4000  }
0x35: {  	[sflag:s9] =	ssyncset.done $0x0  }
0x36: {  	[sflag:s9] =	ssyncadd.s32 $0xFFFFC000  }
0x37: {  	[bflag:$0x0] =	sbarrier.arrive $0xFFFF  }
0x38: {  	[hbm:s17], [sflag:s12] =	dma.local [spmem:s13], $0x2800  }
0x39: {  	_ =	swait.ge [sflag:s9], $0x2800  }
0x3a: {  	[sflag:s9] =	ssyncset.done $0x0  }
0x3b: {  	[sflag:s9] =	ssyncadd.s32 $0xFFFFD800  }
0x3c: {  	[spmem:s13], [sflag:s12] =	dma.local [hbm:s18], $0x2800  }
0x3d: {  	_ =	swait.ge [sflag:s9], $0x2800  }
0x3e: {  	[sflag:s9] =	ssyncset.done $0x0  }
0x3f: {  	[sflag:s9] =	ssyncadd.s32 $0xFFFFD800  }
0x40: {  	s30 =	simm.s32 $0x0;
	[bflag:$0x0] =	sbarrier.arrive $0xFFFF  }
0x41: {  	[tilespmem:s15], [sflag:$0x1] =	stream.indirect.gather [hbm4b:s7+s14], $0x80, s30, s14, $0xb8;
	[tilespmem:$0x1D000] =	vst v63  }
0x42: {  	_ =	swait.ge [sflag:s16], $0x4000  }
0x43: {  	[sflag:s16] =	ssyncset.done $0x0  }
0x44: {  	s31 =	simm.s32 $0x2800;
	[sflag:s16] =	ssyncadd.s32 $0xFFFFC000  }
0x45: {  	[spmem:s2] =	stream.indirect.scatter.add.f32 [tilespmem:s15], [sflag:$0x2], $0x80, s31, s14, $0xb8;
	[tilespmem:$0x1D000] =	vst v63  }
0x46: {  	_ =	swait.ge [sflag:s9], $0x4000  }
0x47: {  	s22 =	simm.s32 $0x400;
	s21 =	simm.s32 $0x200;
	[sflag:s9] =	ssyncset.done $0x0  }
.LBB2_4:
0x48: {  	s23 =	sshra.s32 s21, $0x2  }
0x49: {  	[sflag:s9] =	ssyncadd.s32 $0xFFFFC000;
	s21 =	smov.u32 s22;
	s24 =	sadd.s32 $0x200, s22  }
0x4a: {  	[tilespmem:s15], [sflag:$0x1] =	stream.indirect.gather [hbm4b:s7+s14], $0x80, s23, s14, $0xb8;
	[tilespmem:$0x1D000] =	vst v63  }
0x4b: {  	p0 =	sne.s32 s22, $0x9E00;
	_ =	swait.ge [sflag:s16], $0x4000  }
.Ltmp1:
0x4c: {  	[sflag:s16] =	ssyncset.done $0x0;
	(pc) =	sbr.rel @p0 .LBB2_4-.Ltmp1, $4  }
0x4d: {  	s22 =	sadd.s32 $0x2800, s23;
	[sflag:s16] =	ssyncadd.s32 $0xFFFFC000  }
0x4e: {  	[spmem:s2] =	stream.indirect.scatter.add.f32 [tilespmem:s15], [sflag:$0x2], $0x80, s22, s14, $0xb8;
	[tilespmem:$0x1D000] =	vst v63  }
0x4f: {  	_ =	swait.ge [sflag:s9], $0x4000  }
0x50: {  	s22 =	smov.u32 s24;
	[sflag:s9] =	ssyncset.done $0x0  }
0x51: {  	s21 =	sshra.s32 s21, $0x2;
	[sflag:s9] =	ssyncadd.s32 $0xFFFFC000  }
0x52: {  	[tilespmem:s15], [sflag:$0x1] =	stream.indirect.gather [hbm4b:s7+s14], $0x80, s21, s14, $0xb8;
	[tilespmem:$0x1D000] =	vst v63  }
0x53: {  	_ =	swait.ge [sflag:s16], $0x4000  }
0x54: {  	[sflag:s16] =	ssyncset.done $0x0  }
0x55: {  	s21 =	sadd.s32 $0x2800, s21;
	[sflag:s16] =	ssyncadd.s32 $0xFFFFC000  }
0x56: {  	[spmem:s2] =	stream.indirect.scatter.add.f32 [tilespmem:s15], [sflag:$0x2], $0x80, s21, s14, $0xb8;
	[tilespmem:$0x1D000] =	vst v63  }
0x57: {  	_ =	swait.ge [sflag:s9], $0x4000  }
0x58: {  	s20 =	sadd.s32 $0x1, s20;
	[sflag:s9] =	ssyncset.done $0x0  }
0x59: {  	p0 =	sne.s32 s20, s8;
	[sflag:s9] =	ssyncadd.s32 $0xFFFFC000  }
.Ltmp2:
0x5a: {  	[bflag:$0x0] =	sbarrier.arrive $0xFFFF;
	(pc) =	sbr.rel @p0 .LBB2_1-.Ltmp2, $4  }
0x5b: {  	[hbm:s19], [sflag:s12] =	dma.local [spmem:s13], $0x2800  }
0x5c: {  	_ =	swait.ge [sflag:s9], $0x2800  }
0x5d: {  	[sflag:s9] =	ssyncset.done $0x0  }
0x5e: {  	[sflag:s9] =	ssyncadd.s32 $0xFFFFD800  }
0x5f: {  	_ =	sfence.sel $0x180000  }
0x60: {  	[bflag:$0x0] =	sbarrier.arrive $0xFFFF  }
0x61: {  	p0 =	sne.s32 s1, $0x0;
	_ =	strace $0x9000004A  }
0x62: {  	s0 =	sadd.s32 @!p0 $0x100000, s0;
	[bflag:$0x2] =	sbarrier.arrive $0xFFFF  }
0x63: {  	[sflag:s0] =	ssyncadd.tile.s32 @!p0 $0x1;
	_ =	shalt  }
.Lfunc_end2:
_tile_overlayer_lowered:
.L_overlay_start_2:
0x64: {  	(tag) =	ssettag $0x2  }
0x65: {  	s0 =	rddreg [dreg:$0x0];
	s2 =	stileid.u32  }
0x66: {  	s1 =	rddreg [dreg:$0x1];
	p0 =	sne.s32 s2, $0x0  }
0x67: {  	s3 =	rddreg [dreg:$0x2];
	[bflag:$0x3] =	sbarrier.arrive $0xFFFF;
	s2 =	simm.s32 @!p0 $0x1C02  }
0x68: {  	[timem:s3], [sflag:s2] =	dma.local @!p0 [hbm:s0], s1  }
0x69: {  	s0 =	simm.s32 @!p0 $0x2  }
0x6a: {  	_ =	swait.ge @!p0 [sflag:s0], s1  }
0x6b: {  	s1 =	ssub.s32 @!p0 $0x0, s1;
	[sflag:s0] =	ssyncset.done @!p0 $0x0  }
0x6c: {  	[sflag:s0] =	ssyncadd.s32 @!p0 s1  }
0x6d: {  	[bflag:$0x3] =	sbarrier.arrive $0xFFFF  }
0x6e: {  	_ =	shalt  }

// kernel: kernel.18.cloned.1.call-start
scs
__scs_entry_jumppad:
0x0: {  	(pc) =	sbr.rel $0x88, $3  }
0x1: {  	(tag) =	ssettag $0x0;
	lr =	simm.s32 $0x1  }
0x2: {  	[smem:$0x3F8F] =	sst lr;
	_ =	strace $0xD0000000  }
0x3: {  	_ = 	snop  }
0x4: {  	_ = 	snop  }
0x5: {  	_ = 	snop  }
0x6: {  	_ = 	snop  }
0x7: {  	_ = 	snop  }
__scs_overlays_trampoline_lowered:
0x8: {  	[smem:$0x3F9E] =	sst s0  }
0x9: {  	[smem:$0x3F9F] =	sst s1  }
0xa: {  	[smem:$0x3FA0] =	sst s2  }
0xb: {  	[smem:$0x3FA1] =	sst s3  }
0xc: {  	[smem:$0x3FA2] =	sst s4  }
0xd: {  	[smem:$0x3FA3] =	sst s5  }
0xe: {  	[smem:$0x3FA4] =	sst s6  }
0xf: {  	[smem:$0x3FA5] =	sst s7  }
0x10: {  	[smem:$0x3FA6] =	sst s8  }
0x11: {  	[smem:$0x3FA7] =	sst s9;
	s0 =	simm.s32 @!p0 $0x0  }
0x12: {  	s1 =	sld [smem:$0x3F8D];
	s0 =	simm.s32 @p0 $0x1  }
0x13: {  	[smem:$0x3FA8] =	sst s0;
	s0 =	simm.s32 @!p1 $0x0  }
0x14: {  	s2 =	sld [smem:$0x3F8C];
	s0 =	simm.s32 @p1 $0x1  }
0x15: {  	[smem:$0x3FA9] =	sst s0;
	s0 =	simm.s32 @!p2 $0x0  }
0x16: {  	s3 =	sld [smem:$0x3FDB];
	s0 =	simm.s32 @p2 $0x1  }
0x17: {  	s4 =	simm.s32 $0x1BF5;
	[smem:$0x3FAB] =	sst s0  }
0x18: {  	s0 =	sld [smem:$0x3F8E];
	_ =	swait.ge [sflag:s4], $0x0  }
0x19: {  	s7 =	sld [smem:$0x3F8F]  }
0x1a: {  	s8 =	sadd.s32 $0xFFFFE003, lr  }
0x1b: {  	s9 =	sadd.s32 $0xFFFFFEF7, lr;
	s5 =	simm.s32 $0xFFFFFFFF;
	p2 =	slt.u32 s8, $0xFFFFF086  }
0x1c: {  	p1 =	slt.u32 s9, $0xF7A;
	s5 =	simm.s32 @!p2 $0x0  }
0x1d: {  	s5 =	simm.s32 @p1 $0x1;
	p0 =	seq.s32 s7, s2  }
0x1e: {  	s7 =	smul.u32 @!p0 $0xF7A, s2;
	p2 =	seq.s32 @!p0 s5, $0x0  }
0x1f: {  	s9 =	smul.u32 $0xF7A, s1;
	s8 =	simm.s32 @!p0 $0x1BF5;
	p2 =	por !p2, p0  }
0x20: {  	[sflag:s8] =	ssyncset.s32 @!p0 $0xFFFFF086;
	s6 =	sadd.s32 @!p0 s3, s7;
	s7 =	simm.s32 @!p0 $0x108  }
0x21: {  	s3 =	sadd.s32 s3, s9;
	s6 =	sadd.s32 @!p0 $0x88, s6;
	s7 =	simm.s32 @p2 $0x1082  }
0x22: {  	[simem:s7], [sflag:s8] =	dma.local @!p0 [hbm:s6], $0xF7A  }
0x23: {  	s9 =	sor.u32 $0xD0000000, s2;
	s6 =	simm.s32 $0x108;
	_ =	swait.ge @!p0 [sflag:s8], $0x0  }
0x24: {  	s3 =	sadd.s32 $0x88, s3;
	s6 =	simm.s32 @!p1 $0x1082;
	[sflag:s4] =	ssyncset.s32 $0xFFFFF086  }
0x25: {  	[simem:s6], [sflag:s4] =	dma.local [hbm:s3], $0xF7A  }
0x26: {  	[smem:$0x3F8F] =	sst s1;
	(tag) =	ssettag s2;
	_ =	strace s9  }
0x27: {  	s1 =	sld [smem:$0x3F9F]  }
0x28: {  	s2 =	sld [smem:$0x3FA0]  }
0x29: {  	s4 =	sld [smem:$0x3FA2]  }
0x2a: {  	p0 =	seq.s32 s5, $0x0;
	s5 =	sld [smem:$0x3FA3]  }
0x2b: {  	s6 =	sld [smem:$0x3FA4]  }
0x2c: {  	s7 =	sld [smem:$0x3FA5]  }
0x2d: {  	s3 =	simm.s32 $0x108;
	s8 =	sld [smem:$0x3FA6]  }
0x2e: {  	s3 =	simm.s32 @!p0 $0x1082;
	s9 =	sld [smem:$0x3FA7]  }
0x2f: {  	lr =	sadd.s32 s0, s3;
	s0 =	sld [smem:$0x3F9E]  }
0x30: {  	s3 =	sld [smem:$0x3FA1]  }
0x31: {  	[smem:$0x3FAA] =	sst s10  }
0x32: {  	s10 =	sld [smem:$0x3FA8];
	_ =	sdelay $0x3  }
0x33: {  	p0 =	seq.s32 s10, $0x1;
	s10 =	sld [smem:$0x3FAA];
	_ =	sdelay $0x3  }
0x34: {  	[smem:$0x3FAA] =	sst s10  }
0x35: {  	s10 =	sld [smem:$0x3FA9];
	_ =	sdelay $0x3  }
0x36: {  	p1 =	seq.s32 s10, $0x1;
	s10 =	sld [smem:$0x3FAA];
	_ =	sdelay $0x3  }
0x37: {  	[smem:$0x3FAA] =	sst s10  }
0x38: {  	s10 =	sld [smem:$0x3FAB]  }
0x39: {  	_ = 	snop;
	(pc) =	sbr.ind lr, $3  }
0x3a: {  	_ = 	snop  }
0x3b: {  	_ = 	snop  }
0x3c: {  	p2 =	seq.s32 s10, $0x1;
	s10 =	sld [smem:$0x3FAA]  }
0x3d: {  	_ =	shalt  }
0x3e: {  	_ =	shalt  }
0x3f: {  	_ =	shalt  }
0x40: {  	_ =	shalt  }
0x41: {  	_ =	shalt  }
0x42: {  	_ =	shalt  }
0x43: {  	_ =	shalt  }
0x44: {  	_ =	shalt  }
0x45: {  	_ =	shalt  }
0x46: {  	_ =	shalt  }
0x47: {  	_ =	shalt  }
0x48: {  	_ =	shalt  }
0x49: {  	_ =	shalt  }
0x4a: {  	_ =	shalt  }
0x4b: {  	_ =	shalt  }
0x4c: {  	_ =	shalt  }
0x4d: {  	_ =	shalt  }
0x4e: {  	_ =	shalt  }
0x4f: {  	_ =	shalt  }
0x50: {  	_ =	shalt  }
0x51: {  	_ =	shalt  }
0x52: {  	_ =	shalt  }
0x53: {  	_ =	shalt  }
0x54: {  	_ =	shalt  }
0x55: {  	_ =	shalt  }
0x56: {  	_ =	shalt  }
0x57: {  	_ =	shalt  }
0x58: {  	_ =	shalt  }
0x59: {  	_ =	shalt  }
0x5a: {  	_ =	shalt  }
0x5b: {  	_ =	shalt  }
0x5c: {  	_ =	shalt  }
0x5d: {  	_ =	shalt  }
0x5e: {  	_ =	shalt  }
0x5f: {  	_ =	shalt  }
0x60: {  	_ =	shalt  }
0x61: {  	_ =	shalt  }
0x62: {  	_ =	shalt  }
0x63: {  	_ =	shalt  }
0x64: {  	_ =	shalt  }
0x65: {  	_ =	shalt  }
0x66: {  	_ =	shalt  }
0x67: {  	_ =	shalt  }
0x68: {  	_ =	shalt  }
0x69: {  	_ =	shalt  }
0x6a: {  	_ =	shalt  }
0x6b: {  	_ =	shalt  }
0x6c: {  	_ =	shalt  }
0x6d: {  	_ =	shalt  }
0x6e: {  	_ =	shalt  }
0x6f: {  	_ =	shalt  }
0x70: {  	_ =	shalt  }
0x71: {  	_ =	shalt  }
0x72: {  	_ =	shalt  }
0x73: {  	_ =	shalt  }
0x74: {  	_ =	shalt  }
0x75: {  	_ =	shalt  }
0x76: {  	_ =	shalt  }
0x77: {  	_ =	shalt  }
0x78: {  	_ =	shalt  }
0x79: {  	_ =	shalt  }
0x7a: {  	_ =	shalt  }
0x7b: {  	_ =	shalt  }
0x7c: {  	_ =	shalt  }
0x7d: {  	_ =	shalt  }
0x7e: {  	_ =	shalt  }
0x7f: {  	_ =	shalt  }
0x80: {  	_ =	shalt  }
0x81: {  	_ =	shalt  }
0x82: {  	_ =	shalt  }
0x83: {  	_ =	shalt  }
0x84: {  	_ =	shalt  }
0x85: {  	_ =	shalt  }
0x86: {  	_ =	shalt  }
0x87: {  	_ =	shalt  }
.Lfunc_end0:
.L_simem_size_0:
called_computation.2_lowered:
.L_overlay_start_0:
0x88: {  	s2 =	sld [smem:$0x3FD9]  }
0x89: {  	s3 =	sld [smem:$0x3FFE];
	_ =	sdelay $0x1  }
0x8a: {  	s1 =	srdreg.scid  }
0x8b: {  	s0 =	sand.u32 $0x1, s1  }
0x8c: {  	s16 =	sshll.u32 s0, $0xA;
	s2 =	sadd.s32 s3, s2  }
0x8d: {  	s2 =	sadd.s32 s2, s16  }
0x8e: {  	[smem:$0x3FB6] =	sst s2  }
0x8f: {  	_ = 	snop  }
0x90: {  	(tm) =	ssettm $0x1  }
0x91: {  	s17 =	sld [smem:$0x3FFB];
	_ =	sdelay $0x3  }
0x92: {  	_ =	strace s17  }
0x93: {  	s2 =	sld [smem:$0x3FFC];
	_ =	sdelay $0x3  }
0x94: {  	_ =	strace s2  }
0x95: {  	s2 =	sld [smem:$0x3FFD];
	_ =	sdelay $0x3  }
0x96: {  	_ =	strace s2  }
0x97: {  	_ =	strace $0x8FFFFFFF  }
0x98: {  	s18 =	sld [smem:$0x3FDB];
	_ =	sdelay $0x1  }
0x99: {  	s19 =	simm.s32 $_scs_section_size  }
0x9a: {  	s4 =	simm.s32 $_size__tile_overlayer_lowered;
	s5 =	simm.s32 $_tile_overlayer_lowered  }
0x9b: {  	s22 =	simm.s32 $0x1BFF;
	s21 =	sshll.u32 s5, $0x1;
	s2 =	sadd.s32 s19, s18  }
0x9c: {  	s6 =	simm.s32 $0x0;
	s20 =	sshll.u32 s4, $0x1;
	s4 =	sadd.s32 s21, s2  }
0x9d: {  	[timem:s6], [sflag:s22] =	dma.local [hbm:s4], s20  }
0x9e: {  	_ =	swait.ge [sflag:s22], s20  }
0x9f: {  	s3 =	ssub.s32 $0x0, s20;
	[sflag:s22] =	ssyncset.done $0x0  }
0xa0: {  	[sflag:s22] =	ssyncadd.s32 s3;
	_ =	sdelay $0x1  }
0xa1: {  	s23 =	simm.s32 $0x1B8B  }
0xa2: {  	_ =	swait.ge [sflag:s23], $0x1  }
0xa3: {  	[sflag:s23] =	ssyncset.done $0x0  }
0xa4: {  	s25 =	simm.s32 $0x1B8E;
	s24 =	sld [smem:$0x3FFE];
	[sflag:s23] =	ssyncadd.s32 $0xFFFFFFFF  }
0xa5: {  	s26 =	simm.s32 $execute0_lowered;
	[smem:$0x3FD2] =	sst s25  }
0xa6: {  	s4 =	sshll.u32 s26, $0x1;
	_ =	strace $0x8000004C;
	[dreg:$0x1] =	wrdreg $0xFFFFFFFF  }
0xa7: {  	s28 =	simm.s32 $_size_execute0_lowered;
	s2 =	sadd.s32 s2, s4;
	[dreg:$0x0] =	wrdreg $0x0  }
0xa8: {  	s4 =	sshll.u32 s28, $0x1;
	[dreg:$0x2] =	wrdreg s2  }
0xa9: {  	[dreg:$0x3] =	wrdreg s4  }
0xaa: {  	[dreg:$0x4] =	wrdreg $0xC0  }
0xab: {  	_ =	task [dreg:s6], $0x5FFFF  }
0xac: {  	[dreg:$0x1] =	wrdreg $0xFFFFFFFF  }
0xad: {  	[dreg:$0x0] =	wrdreg $0x60  }
0xae: {  	[dreg:$0x2] =	wrdreg s24  }
0xaf: {  	[dreg:$0x3] =	wrdreg $0x90000  }
0xb0: {  	[dreg:$0x4] =	wrdreg $0x9  }
0xb1: {  	_ =	task.clear_ibuf [dreg:s6], $0x5FFFF;
	_ =	strace $0x9000004C  }
0xb2: {  	s29 =	simm.s32 $0x9;
	_ =	strace $0x8000004E  }
0xb3: {  	_ =	swait.ge [sflag:s29], $0x1  }
0xb4: {  	[sflag:s29] =	ssyncadd.s32 $0xFFFFFFFF  }
0xb5: {  	_ =	strace $0x9000004E  }
0xb6: {  	_ =	sfence  }
0xb7: {  	s30 =	sld [smem:$0x0];
	_ =	sdelay $0x2  }
0xb8: {  	s31 =	sshll.u32 s1, $0xD;
	s1 =	sshrl.u32 s1, $0x2  }
0xb9: {  	s3 =	sand.u32 $0x4000, s31;
	s1 =	sadd.s32 s1, s30  }
0xba: {  	s0 =	sor.u32 s3, s0;
	s1 =	sshll.u32 s1, $0x11  }
0xbb: {  	s0 =	sor.u32 s1, s0  }
0xbc: {  	s0 =	sadd.s32 $0x8F2B, s0  }
0xbd: {  	[sflag:s0] =	ssyncadd.remote.s32 $0x1  }
0xbe: {  	_ =	sfence.sel $0xFFFF  }
0xbf: {  	[dreg:$0x0] =	wrdreg $0xFFFFFFFF;
	(pc) =	sbr.abs _section_cstart, $3  }
0xc0: {  	[dreg:$0x1] =	wrdreg $0xFFFFFFFF  }
0xc1: {  	_ =	task.clear_ibuf [dreg:s6], $0x2FFFF;
	_ =	strace $0x9FFFFFFF  }
0xc2: {  	(tm) =	ssettm $0x7FFFFFFF  }
0xc3: {  	_ =	shalt  }
tec
execute0_lowered:
.L_overlay_start_1:
0x0: {  	(tag) =	ssettag $0x1  }
0x1: {  	s4 =	rddreg [dreg:$0x0]  }
0x2: {  	s2 =	rddreg [dreg:$0x1]  }
0x3: {  	s0 =	rddreg [dreg:$0x2];
	s3 =	simm.s32 $0x0;
	s1 =	stileid.u32  }
0x4: {  	s6 =	srdreg.scid;
	s14 =	simm.s32 $0x80;
	s15 =	simm.s32 $0x5000  }
0x5: {  	s16 =	simm.s32 $0x1;
	[smem:$0x7FF] =	sst s3;
	s5 =	smul.u32 $0x500, s1  }
0x6: {  	s7 =	sadd.s32 $0xA7A00, s4;
	s6 =	sand.u32 $0x1, s6;
	s9 =	smul.u32 $0x50000, s1  }
0x7: {  	s10 =	sadd.s32 $0x7A00, s4;
	s19 =	smul.u32 $0x2800, s1;
	s31 =	sshll.u32 s1, $0x6  }
0x8: {  	_ =	strace $0x8000004D;
	s8 =	ssub.s32 $0x2, s6;
	s11 =	smul.u32 $0x280000, s6  }
0x9: {  	s12 =	smul.u32 $0x50000, s6;
	s5 =	sadd.s32 s5, s4;
	s28 =	sshrl.u32 s8, $0x1  }
0xa: {  	s29 =	sshrl.u32 s9, $0x2;
	s8 =	ssub.s32 s8, s28;
	s4 =	sadd.s32 $0x1C0200, s5  }
0xb: {  	s5 =	sadd.s32 $0x2A00, s5;
	s30 =	sshrl.u32 s11, $0x3;
	s13 =	sadd.s32 s29, s2  }
0xc: {  	s6 =	sadd.s32 s7, s12;
	s17 =	sadd.s32 s10, s12;
	s12 =	sor.u32 $0x1C02, s31  }
0xd: {  	s9 =	sadd.s32 $0x28000, s30;
	s8 =	smax.u32 s8, $0x1;
	s11 =	sadd.s32 s19, s6  }
0xe: {  	s13 =	sshrl.u32 s13, $0x3;
	s17 =	sadd.s32 s19, s17;
	s7 =	sadd.s32 s7, s9  }
0xf: {  	s20 =	sadd.s32 s10, s9;
	s9 =	simm.s32 $0x2;
	s10 =	simm.s32 $0x2800  }
0x10: {  	s18 =	sadd.s32 s19, s7;
	s19 =	sadd.s32 s19, s20;
	s20 =	simm.s32 $0x0  }
.LBB2_1:
0x11: {  	[tilespmem:s3], [sflag:$0x2] =	stream.linear.gather [hbm4b:s4+s3], $0x2800, $0x38;
	[tilespmem:$0x1D000] =	vst v63  }
0x12: {  	_ =	swait.ge [sflag:s9], $0x2800  }
0x13: {  	[sflag:s9] =	ssyncset.done $0x0  }
0x14: {  	[sflag:s9] =	ssyncadd.s32 $0xFFFFD800  }
0x15: {  	[tilespmem:s10], [sflag:$0x2] =	stream.linear.gather [hbm4b:s5+s3], $0x2800, $0x38;
	[tilespmem:$0x1D000] =	vst v63  }
0x16: {  	_ =	swait.ge [sflag:s9], $0x2800  }
0x17: {  	[sflag:s9] =	ssyncset.done $0x0  }
0x18: {  	[sflag:s9] =	ssyncadd.s32 $0xFFFFD800  }
0x19: {  	[spmem:s13], [sflag:s12] =	dma.local [hbm:s11], $0x2800  }
0x1a: {  	_ =	swait.ge [sflag:s9], $0x2800  }
0x1b: {  	[sflag:s9] =	ssyncset.done $0x0  }
0x1c: {  	[sflag:s9] =	ssyncadd.s32 $0xFFFFD800  }
0x1d: {  	s21 =	simm.s32 $0x0;
	[bflag:$0x0] =	sbarrier.arrive $0xFFFF  }
0x1e: {  	[tilespmem:s15], [sflag:$0x1] =	stream.indirect.gather [hbm4b:s6+s14], $0x80, s21, s14, $0xb8;
	[tilespmem:$0x1D000] =	vst v63  }
0x1f: {  	_ =	swait.ge [sflag:s16], $0x4000  }
0x20: {  	[sflag:s16] =	ssyncset.done $0x0  }
0x21: {  	s31 =	simm.s32 $0x2800;
	[sflag:s16] =	ssyncadd.s32 $0xFFFFC000  }
0x22: {  	[spmem:s2] =	stream.indirect.scatter.add.f32 [tilespmem:s15], [sflag:$0x2], $0x80, s31, s14, $0xb8;
	[tilespmem:$0x1D000] =	vst v63  }
0x23: {  	_ =	swait.ge [sflag:s9], $0x4000  }
0x24: {  	s22 =	simm.s32 $0x400;
	s21 =	simm.s32 $0x200;
	[sflag:s9] =	ssyncset.done $0x0  }
.LBB2_2:
0x25: {  	s23 =	sshra.s32 s21, $0x2  }
0x26: {  	[sflag:s9] =	ssyncadd.s32 $0xFFFFC000;
	s21 =	smov.u32 s22;
	s24 =	sadd.s32 $0x200, s22  }
0x27: {  	[tilespmem:s15], [sflag:$0x1] =	stream.indirect.gather [hbm4b:s6+s14], $0x80, s23, s14, $0xb8;
	[tilespmem:$0x1D000] =	vst v63  }
0x28: {  	p0 =	sne.s32 s22, $0x9E00;
	_ =	swait.ge [sflag:s16], $0x4000  }
.Ltmp0:
0x29: {  	[sflag:s16] =	ssyncset.done $0x0;
	(pc) =	sbr.rel @p0 .LBB2_2-.Ltmp0, $4  }
0x2a: {  	s22 =	sadd.s32 $0x2800, s23;
	[sflag:s16] =	ssyncadd.s32 $0xFFFFC000  }
0x2b: {  	[spmem:s2] =	stream.indirect.scatter.add.f32 [tilespmem:s15], [sflag:$0x2], $0x80, s22, s14, $0xb8;
	[tilespmem:$0x1D000] =	vst v63  }
0x2c: {  	_ =	swait.ge [sflag:s9], $0x4000  }
0x2d: {  	s22 =	smov.u32 s24;
	[sflag:s9] =	ssyncset.done $0x0  }
0x2e: {  	s21 =	sshra.s32 s21, $0x2;
	[sflag:s9] =	ssyncadd.s32 $0xFFFFC000  }
0x2f: {  	[tilespmem:s15], [sflag:$0x1] =	stream.indirect.gather [hbm4b:s6+s14], $0x80, s21, s14, $0xb8;
	[tilespmem:$0x1D000] =	vst v63  }
0x30: {  	_ =	swait.ge [sflag:s16], $0x4000  }
0x31: {  	[sflag:s16] =	ssyncset.done $0x0  }
0x32: {  	s21 =	sadd.s32 $0x2800, s21;
	[sflag:s16] =	ssyncadd.s32 $0xFFFFC000  }
0x33: {  	[spmem:s2] =	stream.indirect.scatter.add.f32 [tilespmem:s15], [sflag:$0x2], $0x80, s21, s14, $0xb8;
	[tilespmem:$0x1D000] =	vst v63  }
0x34: {  	_ =	swait.ge [sflag:s9], $0x4000  }
0x35: {  	[sflag:s9] =	ssyncset.done $0x0  }
0x36: {  	[sflag:s9] =	ssyncadd.s32 $0xFFFFC000  }
0x37: {  	[bflag:$0x0] =	sbarrier.arrive $0xFFFF  }
0x38: {  	[hbm:s17], [sflag:s12] =	dma.local [spmem:s13], $0x2800  }
0x39: {  	_ =	swait.ge [sflag:s9], $0x2800  }
0x3a: {  	[sflag:s9] =	ssyncset.done $0x0  }
0x3b: {  	[sflag:s9] =	ssyncadd.s32 $0xFFFFD800  }
0x3c: {  	[spmem:s13], [sflag:s12] =	dma.local [hbm:s18], $0x2800  }
0x3d: {  	_ =	swait.ge [sflag:s9], $0x2800  }
0x3e: {  	[sflag:s9] =	ssyncset.done $0x0  }
0x3f: {  	[sflag:s9] =	ssyncadd.s32 $0xFFFFD800  }
0x40: {  	s30 =	simm.s32 $0x0;
	[bflag:$0x0] =	sbarrier.arrive $0xFFFF  }
0x41: {  	[tilespmem:s15], [sflag:$0x1] =	stream.indirect.gather [hbm4b:s7+s14], $0x80, s30, s14, $0xb8;
	[tilespmem:$0x1D000] =	vst v63  }
0x42: {  	_ =	swait.ge [sflag:s16], $0x4000  }
0x43: {  	[sflag:s16] =	ssyncset.done $0x0  }
0x44: {  	s31 =	simm.s32 $0x2800;
	[sflag:s16] =	ssyncadd.s32 $0xFFFFC000  }
0x45: {  	[spmem:s2] =	stream.indirect.scatter.add.f32 [tilespmem:s15], [sflag:$0x2], $0x80, s31, s14, $0xb8;
	[tilespmem:$0x1D000] =	vst v63  }
0x46: {  	_ =	swait.ge [sflag:s9], $0x4000  }
0x47: {  	s22 =	simm.s32 $0x400;
	s21 =	simm.s32 $0x200;
	[sflag:s9] =	ssyncset.done $0x0  }
.LBB2_4:
0x48: {  	s23 =	sshra.s32 s21, $0x2  }
0x49: {  	[sflag:s9] =	ssyncadd.s32 $0xFFFFC000;
	s21 =	smov.u32 s22;
	s24 =	sadd.s32 $0x200, s22  }
0x4a: {  	[tilespmem:s15], [sflag:$0x1] =	stream.indirect.gather [hbm4b:s7+s14], $0x80, s23, s14, $0xb8;
	[tilespmem:$0x1D000] =	vst v63  }
0x4b: {  	p0 =	sne.s32 s22, $0x9E00;
	_ =	swait.ge [sflag:s16], $0x4000  }
.Ltmp1:
0x4c: {  	[sflag:s16] =	ssyncset.done $0x0;
	(pc) =	sbr.rel @p0 .LBB2_4-.Ltmp1, $4  }
0x4d: {  	s22 =	sadd.s32 $0x2800, s23;
	[sflag:s16] =	ssyncadd.s32 $0xFFFFC000  }
0x4e: {  	[spmem:s2] =	stream.indirect.scatter.add.f32 [tilespmem:s15], [sflag:$0x2], $0x80, s22, s14, $0xb8;
	[tilespmem:$0x1D000] =	vst v63  }
0x4f: {  	_ =	swait.ge [sflag:s9], $0x4000  }
0x50: {  	s22 =	smov.u32 s24;
	[sflag:s9] =	ssyncset.done $0x0  }
0x51: {  	s21 =	sshra.s32 s21, $0x2;
	[sflag:s9] =	ssyncadd.s32 $0xFFFFC000  }
0x52: {  	[tilespmem:s15], [sflag:$0x1] =	stream.indirect.gather [hbm4b:s7+s14], $0x80, s21, s14, $0xb8;
	[tilespmem:$0x1D000] =	vst v63  }
0x53: {  	_ =	swait.ge [sflag:s16], $0x4000  }
0x54: {  	[sflag:s16] =	ssyncset.done $0x0  }
0x55: {  	s21 =	sadd.s32 $0x2800, s21;
	[sflag:s16] =	ssyncadd.s32 $0xFFFFC000  }
0x56: {  	[spmem:s2] =	stream.indirect.scatter.add.f32 [tilespmem:s15], [sflag:$0x2], $0x80, s21, s14, $0xb8;
	[tilespmem:$0x1D000] =	vst v63  }
0x57: {  	_ =	swait.ge [sflag:s9], $0x4000  }
0x58: {  	s20 =	sadd.s32 $0x1, s20;
	[sflag:s9] =	ssyncset.done $0x0  }
0x59: {  	p0 =	sne.s32 s20, s8;
	[sflag:s9] =	ssyncadd.s32 $0xFFFFC000  }
.Ltmp2:
0x5a: {  	[bflag:$0x0] =	sbarrier.arrive $0xFFFF;
	(pc) =	sbr.rel @p0 .LBB2_1-.Ltmp2, $4  }
0x5b: {  	[hbm:s19], [sflag:s12] =	dma.local [spmem:s13], $0x2800  }
0x5c: {  	_ =	swait.ge [sflag:s9], $0x2800  }
0x5d: {  	[sflag:s9] =	ssyncset.done $0x0  }
0x5e: {  	[sflag:s9] =	ssyncadd.s32 $0xFFFFD800  }
0x5f: {  	_ =	sfence.sel $0x180000  }
0x60: {  	[bflag:$0x0] =	sbarrier.arrive $0xFFFF  }
0x61: {  	p0 =	sne.s32 s1, $0x0;
	_ =	strace $0x9000004D  }
0x62: {  	s0 =	sadd.s32 @!p0 $0x100000, s0;
	[bflag:$0x2] =	sbarrier.arrive $0xFFFF  }
0x63: {  	[sflag:s0] =	ssyncadd.tile.s32 @!p0 $0x1;
	_ =	shalt  }
.Lfunc_end2:
_tile_overlayer_lowered:
.L_overlay_start_2:
0x64: {  	(tag) =	ssettag $0x2  }
0x65: {  	s0 =	rddreg [dreg:$0x0];
	s2 =	stileid.u32  }
0x66: {  	s1 =	rddreg [dreg:$0x1];
	p0 =	sne.s32 s2, $0x0  }
0x67: {  	s3 =	rddreg [dreg:$0x2];
	[bflag:$0x3] =	sbarrier.arrive $0xFFFF;
	s2 =	simm.s32 @!p0 $0x1C02  }
0x68: {  	[timem:s3], [sflag:s2] =	dma.local @!p0 [hbm:s0], s1  }
0x69: {  	s0 =	simm.s32 @!p0 $0x2  }
0x6a: {  	_ =	swait.ge @!p0 [sflag:s0], s1  }
0x6b: {  	s1 =	ssub.s32 @!p0 $0x0, s1;
	[sflag:s0] =	ssyncset.done @!p0 $0x0  }
0x6c: {  	[sflag:s0] =	ssyncadd.s32 @!p0 s1  }
0x6d: {  	[bflag:$0x3] =	sbarrier.arrive $0xFFFF  }
0x6e: {  	_ =	shalt  }

// kernel: kernel.21.cloned.1.call-start
scs
__scs_entry_jumppad:
0x0: {  	(pc) =	sbr.rel $0x88, $3  }
0x1: {  	(tag) =	ssettag $0x0;
	lr =	simm.s32 $0x1  }
0x2: {  	[smem:$0x3F8F] =	sst lr;
	_ =	strace $0xD0000000  }
0x3: {  	_ = 	snop  }
0x4: {  	_ = 	snop  }
0x5: {  	_ = 	snop  }
0x6: {  	_ = 	snop  }
0x7: {  	_ = 	snop  }
__scs_overlays_trampoline_lowered:
0x8: {  	[smem:$0x3F9E] =	sst s0  }
0x9: {  	[smem:$0x3F9F] =	sst s1  }
0xa: {  	[smem:$0x3FA0] =	sst s2  }
0xb: {  	[smem:$0x3FA1] =	sst s3  }
0xc: {  	[smem:$0x3FA2] =	sst s4  }
0xd: {  	[smem:$0x3FA3] =	sst s5  }
0xe: {  	[smem:$0x3FA4] =	sst s6  }
0xf: {  	[smem:$0x3FA5] =	sst s7  }
0x10: {  	[smem:$0x3FA6] =	sst s8  }
0x11: {  	[smem:$0x3FA7] =	sst s9;
	s0 =	simm.s32 @!p0 $0x0  }
0x12: {  	s1 =	sld [smem:$0x3F8D];
	s0 =	simm.s32 @p0 $0x1  }
0x13: {  	[smem:$0x3FA8] =	sst s0;
	s0 =	simm.s32 @!p1 $0x0  }
0x14: {  	s2 =	sld [smem:$0x3F8C];
	s0 =	simm.s32 @p1 $0x1  }
0x15: {  	[smem:$0x3FA9] =	sst s0;
	s0 =	simm.s32 @!p2 $0x0  }
0x16: {  	s3 =	sld [smem:$0x3FDB];
	s0 =	simm.s32 @p2 $0x1  }
0x17: {  	s4 =	simm.s32 $0x1BF5;
	[smem:$0x3FAB] =	sst s0  }
0x18: {  	s0 =	sld [smem:$0x3F8E];
	_ =	swait.ge [sflag:s4], $0x0  }
0x19: {  	s7 =	sld [smem:$0x3F8F]  }
0x1a: {  	s8 =	sadd.s32 $0xFFFFE003, lr  }
0x1b: {  	s9 =	sadd.s32 $0xFFFFFEF7, lr;
	s5 =	simm.s32 $0xFFFFFFFF;
	p2 =	slt.u32 s8, $0xFFFFF086  }
0x1c: {  	p1 =	slt.u32 s9, $0xF7A;
	s5 =	simm.s32 @!p2 $0x0  }
0x1d: {  	s5 =	simm.s32 @p1 $0x1;
	p0 =	seq.s32 s7, s2  }
0x1e: {  	s7 =	smul.u32 @!p0 $0xF7A, s2;
	p2 =	seq.s32 @!p0 s5, $0x0  }
0x1f: {  	s9 =	smul.u32 $0xF7A, s1;
	s8 =	simm.s32 @!p0 $0x1BF5;
	p2 =	por !p2, p0  }
0x20: {  	[sflag:s8] =	ssyncset.s32 @!p0 $0xFFFFF086;
	s6 =	sadd.s32 @!p0 s3, s7;
	s7 =	simm.s32 @!p0 $0x108  }
0x21: {  	s3 =	sadd.s32 s3, s9;
	s6 =	sadd.s32 @!p0 $0x88, s6;
	s7 =	simm.s32 @p2 $0x1082  }
0x22: {  	[simem:s7], [sflag:s8] =	dma.local @!p0 [hbm:s6], $0xF7A  }
0x23: {  	s9 =	sor.u32 $0xD0000000, s2;
	s6 =	simm.s32 $0x108;
	_ =	swait.ge @!p0 [sflag:s8], $0x0  }
0x24: {  	s3 =	sadd.s32 $0x88, s3;
	s6 =	simm.s32 @!p1 $0x1082;
	[sflag:s4] =	ssyncset.s32 $0xFFFFF086  }
0x25: {  	[simem:s6], [sflag:s4] =	dma.local [hbm:s3], $0xF7A  }
0x26: {  	[smem:$0x3F8F] =	sst s1;
	(tag) =	ssettag s2;
	_ =	strace s9  }
0x27: {  	s1 =	sld [smem:$0x3F9F]  }
0x28: {  	s2 =	sld [smem:$0x3FA0]  }
0x29: {  	s4 =	sld [smem:$0x3FA2]  }
0x2a: {  	p0 =	seq.s32 s5, $0x0;
	s5 =	sld [smem:$0x3FA3]  }
0x2b: {  	s6 =	sld [smem:$0x3FA4]  }
0x2c: {  	s7 =	sld [smem:$0x3FA5]  }
0x2d: {  	s3 =	simm.s32 $0x108;
	s8 =	sld [smem:$0x3FA6]  }
0x2e: {  	s3 =	simm.s32 @!p0 $0x1082;
	s9 =	sld [smem:$0x3FA7]  }
0x2f: {  	lr =	sadd.s32 s0, s3;
	s0 =	sld [smem:$0x3F9E]  }
0x30: {  	s3 =	sld [smem:$0x3FA1]  }
0x31: {  	[smem:$0x3FAA] =	sst s10  }
0x32: {  	s10 =	sld [smem:$0x3FA8];
	_ =	sdelay $0x3  }
0x33: {  	p0 =	seq.s32 s10, $0x1;
	s10 =	sld [smem:$0x3FAA];
	_ =	sdelay $0x3  }
0x34: {  	[smem:$0x3FAA] =	sst s10  }
0x35: {  	s10 =	sld [smem:$0x3FA9];
	_ =	sdelay $0x3  }
0x36: {  	p1 =	seq.s32 s10, $0x1;
	s10 =	sld [smem:$0x3FAA];
	_ =	sdelay $0x3  }
0x37: {  	[smem:$0x3FAA] =	sst s10  }
0x38: {  	s10 =	sld [smem:$0x3FAB]  }
0x39: {  	_ = 	snop;
	(pc) =	sbr.ind lr, $3  }
0x3a: {  	_ = 	snop  }
0x3b: {  	_ = 	snop  }
0x3c: {  	p2 =	seq.s32 s10, $0x1;
	s10 =	sld [smem:$0x3FAA]  }
0x3d: {  	_ =	shalt  }
0x3e: {  	_ =	shalt  }
0x3f: {  	_ =	shalt  }
0x40: {  	_ =	shalt  }
0x41: {  	_ =	shalt  }
0x42: {  	_ =	shalt  }
0x43: {  	_ =	shalt  }
0x44: {  	_ =	shalt  }
0x45: {  	_ =	shalt  }
0x46: {  	_ =	shalt  }
0x47: {  	_ =	shalt  }
0x48: {  	_ =	shalt  }
0x49: {  	_ =	shalt  }
0x4a: {  	_ =	shalt  }
0x4b: {  	_ =	shalt  }
0x4c: {  	_ =	shalt  }
0x4d: {  	_ =	shalt  }
0x4e: {  	_ =	shalt  }
0x4f: {  	_ =	shalt  }
0x50: {  	_ =	shalt  }
0x51: {  	_ =	shalt  }
0x52: {  	_ =	shalt  }
0x53: {  	_ =	shalt  }
0x54: {  	_ =	shalt  }
0x55: {  	_ =	shalt  }
0x56: {  	_ =	shalt  }
0x57: {  	_ =	shalt  }
0x58: {  	_ =	shalt  }
0x59: {  	_ =	shalt  }
0x5a: {  	_ =	shalt  }
0x5b: {  	_ =	shalt  }
0x5c: {  	_ =	shalt  }
0x5d: {  	_ =	shalt  }
0x5e: {  	_ =	shalt  }
0x5f: {  	_ =	shalt  }
0x60: {  	_ =	shalt  }
0x61: {  	_ =	shalt  }
0x62: {  	_ =	shalt  }
0x63: {  	_ =	shalt  }
0x64: {  	_ =	shalt  }
0x65: {  	_ =	shalt  }
0x66: {  	_ =	shalt  }
0x67: {  	_ =	shalt  }
0x68: {  	_ =	shalt  }
0x69: {  	_ =	shalt  }
0x6a: {  	_ =	shalt  }
0x6b: {  	_ =	shalt  }
0x6c: {  	_ =	shalt  }
0x6d: {  	_ =	shalt  }
0x6e: {  	_ =	shalt  }
0x6f: {  	_ =	shalt  }
0x70: {  	_ =	shalt  }
0x71: {  	_ =	shalt  }
0x72: {  	_ =	shalt  }
0x73: {  	_ =	shalt  }
0x74: {  	_ =	shalt  }
0x75: {  	_ =	shalt  }
0x76: {  	_ =	shalt  }
0x77: {  	_ =	shalt  }
0x78: {  	_ =	shalt  }
0x79: {  	_ =	shalt  }
0x7a: {  	_ =	shalt  }
0x7b: {  	_ =	shalt  }
0x7c: {  	_ =	shalt  }
0x7d: {  	_ =	shalt  }
0x7e: {  	_ =	shalt  }
0x7f: {  	_ =	shalt  }
0x80: {  	_ =	shalt  }
0x81: {  	_ =	shalt  }
0x82: {  	_ =	shalt  }
0x83: {  	_ =	shalt  }
0x84: {  	_ =	shalt  }
0x85: {  	_ =	shalt  }
0x86: {  	_ =	shalt  }
0x87: {  	_ =	shalt  }
.Lfunc_end0:
.L_simem_size_0:
called_computation.3_lowered:
.L_overlay_start_0:
0x88: {  	s2 =	sld [smem:$0x3FD9]  }
0x89: {  	s3 =	sld [smem:$0x3FFE];
	_ =	sdelay $0x1  }
0x8a: {  	s1 =	srdreg.scid  }
0x8b: {  	s0 =	sand.u32 $0x1, s1  }
0x8c: {  	s16 =	sshll.u32 s0, $0xA;
	s2 =	sadd.s32 s3, s2  }
0x8d: {  	s2 =	sadd.s32 s2, s16  }
0x8e: {  	[smem:$0x3FB6] =	sst s2  }
0x8f: {  	_ = 	snop  }
0x90: {  	(tm) =	ssettm $0x1  }
0x91: {  	s17 =	sld [smem:$0x3FFB];
	_ =	sdelay $0x3  }
0x92: {  	_ =	strace s17  }
0x93: {  	s2 =	sld [smem:$0x3FFC];
	_ =	sdelay $0x3  }
0x94: {  	_ =	strace s2  }
0x95: {  	s2 =	sld [smem:$0x3FFD];
	_ =	sdelay $0x3  }
0x96: {  	_ =	strace s2  }
0x97: {  	_ =	strace $0x8FFFFFFF  }
0x98: {  	s18 =	sld [smem:$0x3FDB];
	_ =	sdelay $0x1  }
0x99: {  	s19 =	simm.s32 $_scs_section_size  }
0x9a: {  	s4 =	simm.s32 $_size__tile_overlayer_lowered;
	s5 =	simm.s32 $_tile_overlayer_lowered  }
0x9b: {  	s22 =	simm.s32 $0x1BFF;
	s21 =	sshll.u32 s5, $0x1;
	s2 =	sadd.s32 s19, s18  }
0x9c: {  	s6 =	simm.s32 $0x0;
	s20 =	sshll.u32 s4, $0x1;
	s4 =	sadd.s32 s21, s2  }
0x9d: {  	[timem:s6], [sflag:s22] =	dma.local [hbm:s4], s20  }
0x9e: {  	_ =	swait.ge [sflag:s22], s20  }
0x9f: {  	s3 =	ssub.s32 $0x0, s20;
	[sflag:s22] =	ssyncset.done $0x0  }
0xa0: {  	[sflag:s22] =	ssyncadd.s32 s3;
	_ =	sdelay $0x1  }
0xa1: {  	s23 =	simm.s32 $0x1B8B  }
0xa2: {  	_ =	swait.ge [sflag:s23], $0x1  }
0xa3: {  	[sflag:s23] =	ssyncset.done $0x0  }
0xa4: {  	s25 =	simm.s32 $0x1B8E;
	s24 =	sld [smem:$0x3FFE];
	[sflag:s23] =	ssyncadd.s32 $0xFFFFFFFF  }
0xa5: {  	s26 =	simm.s32 $execute0_lowered;
	[smem:$0x3FD2] =	sst s25  }
0xa6: {  	s4 =	sshll.u32 s26, $0x1;
	_ =	strace $0x8000004F;
	[dreg:$0x1] =	wrdreg $0xFFFFFFFF  }
0xa7: {  	s28 =	simm.s32 $_size_execute0_lowered;
	s2 =	sadd.s32 s2, s4;
	[dreg:$0x0] =	wrdreg $0x0  }
0xa8: {  	s4 =	sshll.u32 s28, $0x1;
	[dreg:$0x2] =	wrdreg s2  }
0xa9: {  	[dreg:$0x3] =	wrdreg s4  }
0xaa: {  	[dreg:$0x4] =	wrdreg $0xC0  }
0xab: {  	_ =	task [dreg:s6], $0x5FFFF  }
0xac: {  	[dreg:$0x1] =	wrdreg $0xFFFFFFFF  }
0xad: {  	[dreg:$0x0] =	wrdreg $0x60  }
0xae: {  	[dreg:$0x2] =	wrdreg s24  }
0xaf: {  	[dreg:$0x3] =	wrdreg $0x90000  }
0xb0: {  	[dreg:$0x4] =	wrdreg $0x9  }
0xb1: {  	_ =	task.clear_ibuf [dreg:s6], $0x5FFFF;
	_ =	strace $0x9000004F  }
0xb2: {  	s29 =	simm.s32 $0x9;
	_ =	strace $0x80000051  }
0xb3: {  	_ =	swait.ge [sflag:s29], $0x1  }
0xb4: {  	[sflag:s29] =	ssyncadd.s32 $0xFFFFFFFF  }
0xb5: {  	_ =	strace $0x90000051  }
0xb6: {  	_ =	sfence  }
0xb7: {  	s30 =	sld [smem:$0x0];
	_ =	sdelay $0x2  }
0xb8: {  	s31 =	sshll.u32 s1, $0xD;
	s1 =	sshrl.u32 s1, $0x2  }
0xb9: {  	s3 =	sand.u32 $0x4000, s31;
	s1 =	sadd.s32 s1, s30  }
0xba: {  	s0 =	sor.u32 s3, s0;
	s1 =	sshll.u32 s1, $0x11  }
0xbb: {  	s0 =	sor.u32 s1, s0  }
0xbc: {  	s0 =	sadd.s32 $0x8F2B, s0  }
0xbd: {  	[sflag:s0] =	ssyncadd.remote.s32 $0x1  }
0xbe: {  	_ =	sfence.sel $0xFFFF  }
0xbf: {  	[dreg:$0x0] =	wrdreg $0xFFFFFFFF;
	(pc) =	sbr.abs _section_cstart, $3  }
0xc0: {  	[dreg:$0x1] =	wrdreg $0xFFFFFFFF  }
0xc1: {  	_ =	task.clear_ibuf [dreg:s6], $0x2FFFF;
	_ =	strace $0x9FFFFFFF  }
0xc2: {  	(tm) =	ssettm $0x7FFFFFFF  }
0xc3: {  	_ =	shalt  }
tec
execute0_lowered:
.L_overlay_start_1:
0x0: {  	(tag) =	ssettag $0x1  }
0x1: {  	s4 =	rddreg [dreg:$0x0]  }
0x2: {  	s2 =	rddreg [dreg:$0x1]  }
0x3: {  	s0 =	rddreg [dreg:$0x2];
	s3 =	simm.s32 $0x0;
	s1 =	stileid.u32  }
0x4: {  	s6 =	srdreg.scid;
	s14 =	simm.s32 $0x80;
	s15 =	simm.s32 $0x5000  }
0x5: {  	s16 =	simm.s32 $0x1;
	[smem:$0x7FF] =	sst s3;
	s5 =	smul.u32 $0x500, s1  }
0x6: {  	s7 =	sadd.s32 $0xA7A00, s4;
	s6 =	sand.u32 $0x1, s6;
	s9 =	smul.u32 $0x50000, s1  }
0x7: {  	s10 =	sadd.s32 $0x7A00, s4;
	s19 =	smul.u32 $0x2800, s1;
	s31 =	sshll.u32 s1, $0x6  }
0x8: {  	_ =	strace $0x80000050;
	s8 =	ssub.s32 $0x2, s6;
	s11 =	smul.u32 $0x280000, s6  }
0x9: {  	s12 =	smul.u32 $0x50000, s6;
	s5 =	sadd.s32 s5, s4;
	s28 =	sshrl.u32 s8, $0x1  }
0xa: {  	s29 =	sshrl.u32 s9, $0x2;
	s8 =	ssub.s32 s8, s28;
	s4 =	sadd.s32 $0x1C0200, s5  }
0xb: {  	s5 =	sadd.s32 $0x2A00, s5;
	s30 =	sshrl.u32 s11, $0x3;
	s13 =	sadd.s32 s29, s2  }
0xc: {  	s6 =	sadd.s32 s7, s12;
	s17 =	sadd.s32 s10, s12;
	s12 =	sor.u32 $0x1C02, s31  }
0xd: {  	s9 =	sadd.s32 $0x28000, s30;
	s8 =	smax.u32 s8, $0x1;
	s11 =	sadd.s32 s19, s6  }
0xe: {  	s13 =	sshrl.u32 s13, $0x3;
	s17 =	sadd.s32 s19, s17;
	s7 =	sadd.s32 s7, s9  }
0xf: {  	s20 =	sadd.s32 s10, s9;
	s9 =	simm.s32 $0x2;
	s10 =	simm.s32 $0x2800  }
0x10: {  	s18 =	sadd.s32 s19, s7;
	s19 =	sadd.s32 s19, s20;
	s20 =	simm.s32 $0x0  }
.LBB2_1:
0x11: {  	[tilespmem:s3], [sflag:$0x2] =	stream.linear.gather [hbm4b:s4+s3], $0x2800, $0x38;
	[tilespmem:$0x1D000] =	vst v63  }
0x12: {  	_ =	swait.ge [sflag:s9], $0x2800  }
0x13: {  	[sflag:s9] =	ssyncset.done $0x0  }
0x14: {  	[sflag:s9] =	ssyncadd.s32 $0xFFFFD800  }
0x15: {  	[tilespmem:s10], [sflag:$0x2] =	stream.linear.gather [hbm4b:s5+s3], $0x2800, $0x38;
	[tilespmem:$0x1D000] =	vst v63  }
0x16: {  	_ =	swait.ge [sflag:s9], $0x2800  }
0x17: {  	[sflag:s9] =	ssyncset.done $0x0  }
0x18: {  	[sflag:s9] =	ssyncadd.s32 $0xFFFFD800  }
0x19: {  	[spmem:s13], [sflag:s12] =	dma.local [hbm:s11], $0x2800  }
0x1a: {  	_ =	swait.ge [sflag:s9], $0x2800  }
0x1b: {  	[sflag:s9] =	ssyncset.done $0x0  }
0x1c: {  	[sflag:s9] =	ssyncadd.s32 $0xFFFFD800  }
0x1d: {  	s21 =	simm.s32 $0x0;
	[bflag:$0x0] =	sbarrier.arrive $0xFFFF  }
0x1e: {  	[tilespmem:s15], [sflag:$0x1] =	stream.indirect.gather [hbm4b:s6+s14], $0x80, s21, s14, $0xb8;
	[tilespmem:$0x1D000] =	vst v63  }
0x1f: {  	_ =	swait.ge [sflag:s16], $0x4000  }
0x20: {  	[sflag:s16] =	ssyncset.done $0x0  }
0x21: {  	s31 =	simm.s32 $0x2800;
	[sflag:s16] =	ssyncadd.s32 $0xFFFFC000  }
0x22: {  	[spmem:s2] =	stream.indirect.scatter.add.f32 [tilespmem:s15], [sflag:$0x2], $0x80, s31, s14, $0xb8;
	[tilespmem:$0x1D000] =	vst v63  }
0x23: {  	_ =	swait.ge [sflag:s9], $0x4000  }
0x24: {  	s22 =	simm.s32 $0x400;
	s21 =	simm.s32 $0x200;
	[sflag:s9] =	ssyncset.done $0x0  }
.LBB2_2:
0x25: {  	s23 =	sshra.s32 s21, $0x2  }
0x26: {  	[sflag:s9] =	ssyncadd.s32 $0xFFFFC000;
	s21 =	smov.u32 s22;
	s24 =	sadd.s32 $0x200, s22  }
0x27: {  	[tilespmem:s15], [sflag:$0x1] =	stream.indirect.gather [hbm4b:s6+s14], $0x80, s23, s14, $0xb8;
	[tilespmem:$0x1D000] =	vst v63  }
0x28: {  	p0 =	sne.s32 s22, $0x9E00;
	_ =	swait.ge [sflag:s16], $0x4000  }
.Ltmp0:
0x29: {  	[sflag:s16] =	ssyncset.done $0x0;
	(pc) =	sbr.rel @p0 .LBB2_2-.Ltmp0, $4  }
0x2a: {  	s22 =	sadd.s32 $0x2800, s23;
	[sflag:s16] =	ssyncadd.s32 $0xFFFFC000  }
0x2b: {  	[spmem:s2] =	stream.indirect.scatter.add.f32 [tilespmem:s15], [sflag:$0x2], $0x80, s22, s14, $0xb8;
	[tilespmem:$0x1D000] =	vst v63  }
0x2c: {  	_ =	swait.ge [sflag:s9], $0x4000  }
0x2d: {  	s22 =	smov.u32 s24;
	[sflag:s9] =	ssyncset.done $0x0  }
0x2e: {  	s21 =	sshra.s32 s21, $0x2;
	[sflag:s9] =	ssyncadd.s32 $0xFFFFC000  }
0x2f: {  	[tilespmem:s15], [sflag:$0x1] =	stream.indirect.gather [hbm4b:s6+s14], $0x80, s21, s14, $0xb8;
	[tilespmem:$0x1D000] =	vst v63  }
0x30: {  	_ =	swait.ge [sflag:s16], $0x4000  }
0x31: {  	[sflag:s16] =	ssyncset.done $0x0  }
0x32: {  	s21 =	sadd.s32 $0x2800, s21;
	[sflag:s16] =	ssyncadd.s32 $0xFFFFC000  }
0x33: {  	[spmem:s2] =	stream.indirect.scatter.add.f32 [tilespmem:s15], [sflag:$0x2], $0x80, s21, s14, $0xb8;
	[tilespmem:$0x1D000] =	vst v63  }
0x34: {  	_ =	swait.ge [sflag:s9], $0x4000  }
0x35: {  	[sflag:s9] =	ssyncset.done $0x0  }
0x36: {  	[sflag:s9] =	ssyncadd.s32 $0xFFFFC000  }
0x37: {  	[bflag:$0x0] =	sbarrier.arrive $0xFFFF  }
0x38: {  	[hbm:s17], [sflag:s12] =	dma.local [spmem:s13], $0x2800  }
0x39: {  	_ =	swait.ge [sflag:s9], $0x2800  }
0x3a: {  	[sflag:s9] =	ssyncset.done $0x0  }
0x3b: {  	[sflag:s9] =	ssyncadd.s32 $0xFFFFD800  }
0x3c: {  	[spmem:s13], [sflag:s12] =	dma.local [hbm:s18], $0x2800  }
0x3d: {  	_ =	swait.ge [sflag:s9], $0x2800  }
0x3e: {  	[sflag:s9] =	ssyncset.done $0x0  }
0x3f: {  	[sflag:s9] =	ssyncadd.s32 $0xFFFFD800  }
0x40: {  	s30 =	simm.s32 $0x0;
	[bflag:$0x0] =	sbarrier.arrive $0xFFFF  }
0x41: {  	[tilespmem:s15], [sflag:$0x1] =	stream.indirect.gather [hbm4b:s7+s14], $0x80, s30, s14, $0xb8;
	[tilespmem:$0x1D000] =	vst v63  }
0x42: {  	_ =	swait.ge [sflag:s16], $0x4000  }
0x43: {  	[sflag:s16] =	ssyncset.done $0x0  }
0x44: {  	s31 =	simm.s32 $0x2800;
	[sflag:s16] =	ssyncadd.s32 $0xFFFFC000  }
0x45: {  	[spmem:s2] =	stream.indirect.scatter.add.f32 [tilespmem:s15], [sflag:$0x2], $0x80, s31, s14, $0xb8;
	[tilespmem:$0x1D000] =	vst v63  }
0x46: {  	_ =	swait.ge [sflag:s9], $0x4000  }
0x47: {  	s22 =	simm.s32 $0x400;
	s21 =	simm.s32 $0x200;
	[sflag:s9] =	ssyncset.done $0x0  }
.LBB2_4:
0x48: {  	s23 =	sshra.s32 s21, $0x2  }
0x49: {  	[sflag:s9] =	ssyncadd.s32 $0xFFFFC000;
	s21 =	smov.u32 s22;
	s24 =	sadd.s32 $0x200, s22  }
0x4a: {  	[tilespmem:s15], [sflag:$0x1] =	stream.indirect.gather [hbm4b:s7+s14], $0x80, s23, s14, $0xb8;
	[tilespmem:$0x1D000] =	vst v63  }
0x4b: {  	p0 =	sne.s32 s22, $0x9E00;
	_ =	swait.ge [sflag:s16], $0x4000  }
.Ltmp1:
0x4c: {  	[sflag:s16] =	ssyncset.done $0x0;
	(pc) =	sbr.rel @p0 .LBB2_4-.Ltmp1, $4  }
0x4d: {  	s22 =	sadd.s32 $0x2800, s23;
	[sflag:s16] =	ssyncadd.s32 $0xFFFFC000  }
0x4e: {  	[spmem:s2] =	stream.indirect.scatter.add.f32 [tilespmem:s15], [sflag:$0x2], $0x80, s22, s14, $0xb8;
	[tilespmem:$0x1D000] =	vst v63  }
0x4f: {  	_ =	swait.ge [sflag:s9], $0x4000  }
0x50: {  	s22 =	smov.u32 s24;
	[sflag:s9] =	ssyncset.done $0x0  }
0x51: {  	s21 =	sshra.s32 s21, $0x2;
	[sflag:s9] =	ssyncadd.s32 $0xFFFFC000  }
0x52: {  	[tilespmem:s15], [sflag:$0x1] =	stream.indirect.gather [hbm4b:s7+s14], $0x80, s21, s14, $0xb8;
	[tilespmem:$0x1D000] =	vst v63  }
0x53: {  	_ =	swait.ge [sflag:s16], $0x4000  }
0x54: {  	[sflag:s16] =	ssyncset.done $0x0  }
0x55: {  	s21 =	sadd.s32 $0x2800, s21;
	[sflag:s16] =	ssyncadd.s32 $0xFFFFC000  }
0x56: {  	[spmem:s2] =	stream.indirect.scatter.add.f32 [tilespmem:s15], [sflag:$0x2], $0x80, s21, s14, $0xb8;
	[tilespmem:$0x1D000] =	vst v63  }
0x57: {  	_ =	swait.ge [sflag:s9], $0x4000  }
0x58: {  	s20 =	sadd.s32 $0x1, s20;
	[sflag:s9] =	ssyncset.done $0x0  }
0x59: {  	p0 =	sne.s32 s20, s8;
	[sflag:s9] =	ssyncadd.s32 $0xFFFFC000  }
.Ltmp2:
0x5a: {  	[bflag:$0x0] =	sbarrier.arrive $0xFFFF;
	(pc) =	sbr.rel @p0 .LBB2_1-.Ltmp2, $4  }
0x5b: {  	[hbm:s19], [sflag:s12] =	dma.local [spmem:s13], $0x2800  }
0x5c: {  	_ =	swait.ge [sflag:s9], $0x2800  }
0x5d: {  	[sflag:s9] =	ssyncset.done $0x0  }
0x5e: {  	[sflag:s9] =	ssyncadd.s32 $0xFFFFD800  }
0x5f: {  	_ =	sfence.sel $0x180000  }
0x60: {  	[bflag:$0x0] =	sbarrier.arrive $0xFFFF  }
0x61: {  	p0 =	sne.s32 s1, $0x0;
	_ =	strace $0x90000050  }
0x62: {  	s0 =	sadd.s32 @!p0 $0x100000, s0;
	[bflag:$0x2] =	sbarrier.arrive $0xFFFF  }
0x63: {  	[sflag:s0] =	ssyncadd.tile.s32 @!p0 $0x1;
	_ =	shalt  }
.Lfunc_end2:
_tile_overlayer_lowered:
.L_overlay_start_2:
0x64: {  	(tag) =	ssettag $0x2  }
0x65: {  	s0 =	rddreg [dreg:$0x0];
	s2 =	stileid.u32  }
0x66: {  	s1 =	rddreg [dreg:$0x1];
	p0 =	sne.s32 s2, $0x0  }
0x67: {  	s3 =	rddreg [dreg:$0x2];
	[bflag:$0x3] =	sbarrier.arrive $0xFFFF;
	s2 =	simm.s32 @!p0 $0x1C02  }
0x68: {  	[timem:s3], [sflag:s2] =	dma.local @!p0 [hbm:s0], s1  }
0x69: {  	s0 =	simm.s32 @!p0 $0x2  }
0x6a: {  	_ =	swait.ge @!p0 [sflag:s0], s1  }
0x6b: {  	s1 =	ssub.s32 @!p0 $0x0, s1;
	[sflag:s0] =	ssyncset.done @!p0 $0x0  }
0x6c: {  	[sflag:s0] =	ssyncadd.s32 @!p0 s1  }
0x6d: {  	[bflag:$0x3] =	sbarrier.arrive $0xFFFF  }
0x6e: {  	_ =	shalt  }

</sc_bundles>
